<compile_context>
chip_gen: v7x
topology: tpu7x:2x2x1
jax: 0.10.2.dev20260603
libtpu: 0.0.44.dev20260713+nightly
codegen_flags: <defaults>
</compile_context>

<pallas_src>
import functools

import jax
import jax.numpy as jnp
from jax import lax
from jax.experimental import pallas as pl
from jax.experimental.pallas import tpu as pltpu
from jax.experimental.pallas import tpu_sc as plsc

_NC = 2
_NS = 16
_K = 125


def _deg_rs(dst16, npad, h):
  erows = dst16.shape[0]
  rpt = npad // _NS
  ept = erows // _NS
  mesh = plsc.VectorSubcoreMesh(core_axis_name="c", subcore_axis_name="s")

  @functools.partial(
      pl.kernel,
      out_type=jax.ShapeDtypeStruct((npad, h), jnp.float32),
      mesh=mesh,
      compiler_params=pltpu.CompilerParams(use_tc_tiling_on_sc=False,
                                           needs_layout_passes=False),
      scratch_types=[
          pltpu.VMEM_SHARED((_NS, npad), jnp.float32),
          pltpu.VMEM((npad,), jnp.float32),
          pltpu.VMEM((ept, 16), jnp.int32),
          pltpu.VMEM((_NS, rpt), jnp.float32),
          pltpu.VMEM((rpt, h), jnp.float32),
          pltpu.SemaphoreType.DMA,
      ],
  )
  def kern(dst_hbm, out_hbm, shared, hist, dstv, sumv, rsb, sem):
    c = lax.axis_index("c")
    s = lax.axis_index("s")
    r0 = s * rpt
    cp = pltpu.async_copy(dst_hbm.at[pl.ds(s * ept, ept)], dstv, sem)

    def zfn(i, carry):
      hist[pl.ds(16 * i, 16)] = jnp.zeros((16,), jnp.float32)
      return carry

    lax.fori_loop(0, npad // 16, zfn, 0)
    cp.wait()

    ones = jnp.ones((16,), jnp.float32)

    def afn(r, carry):
      plsc.addupdate_scatter(hist, [dstv[r]], ones)
      return carry

    lax.fori_loop(0, ept, afn, 0)
    pltpu.sync_copy(hist, shared.at[s])
    plsc.subcore_barrier()

    for t in range(_NS):
      pltpu.async_copy(shared.at[t, pl.ds(r0, rpt)], sumv.at[t], sem)
    for t in range(_NS):
      pltpu.make_async_copy(shared.at[t, pl.ds(r0, rpt)], sumv.at[t],
                            sem).wait()

    def chunk_fn(q, carry):
      col = 16 * q
      tot = sumv[0, pl.ds(col, 16)]
      for t in range(1, _NS):
        tot = tot + sumv[t, pl.ds(col, 16)]
      deg = tot + 1.0
      i = plsc.bitcast(deg, jnp.int32)
      i = jnp.int32(0x5F3759DF) - lax.shift_right_logical(i, 1)
      y = plsc.bitcast(i, jnp.float32)
      y = y * (1.5 - 0.5 * deg * y * y)
      y = y * (1.5 - 0.5 * deg * y * y)
      y = y * (1.5 - 0.5 * deg * y * y)
      for l in range(16):
        val = jnp.full((16,), y[l])
        for q2 in range(h // 16):
          rsb[col + l, pl.ds(16 * q2, 16)] = val
      return carry

    lax.fori_loop(0, rpt // 16, chunk_fn, 0)

    half = rpt // 2

    @pl.when(c == 0)
    def _():
      pltpu.sync_copy(rsb.at[pl.ds(0, half)], out_hbm.at[pl.ds(r0, half)])

    @pl.when(c == 1)
    def _():
      pltpu.sync_copy(rsb.at[pl.ds(half, half)],
                      out_hbm.at[pl.ds(r0 + half, half)])

  return kern(dst16)


def _seg_sum(src2d, dst2d, g, zeros):
  ec, k = src2d.shape
  ng, d = g.shape
  n = zeros.shape[0]
  rpt = n // _NS
  cpt = ec // (_NC * _NS)
  mesh = plsc.VectorSubcoreMesh(core_axis_name="c", subcore_axis_name="s")

  @functools.partial(
      pl.kernel,
      out_type=jax.ShapeDtypeStruct((_NC, n, d), jnp.float32),
      mesh=mesh,
      compiler_params=pltpu.CompilerParams(use_tc_tiling_on_sc=False),
      scratch_types=[
          pltpu.VMEM_SHARED((n, d), jnp.float32),
          pltpu.VMEM((cpt, k), jnp.int32),
          pltpu.VMEM((cpt, k), jnp.int32),
          [pltpu.VMEM((k, d), jnp.float32)] * 4,
          [pltpu.SemaphoreType.DMA] * 4,
          [pltpu.SemaphoreType.DMA] * 4,
          pltpu.SemaphoreType.DMA,
          pltpu.SemaphoreType.DMA,
      ],
  )
  def kern(src_hbm, dst_hbm, g_hbm, z_hbm, out_hbm, acc, srcv, dstv,
           bufs, gsems, ssems, zsem, isem):
    c = lax.axis_index("c")
    s = lax.axis_index("s")
    r0 = s * rpt
    cz = pltpu.async_copy(z_hbm.at[pl.ds(r0, rpt)], acc.at[pl.ds(r0, rpt)],
                          zsem)
    row0 = c * (ec // _NC) + s * cpt
    cs = pltpu.async_copy(src_hbm.at[pl.ds(row0, cpt)], srcv, isem)
    cd = pltpu.async_copy(dst_hbm.at[pl.ds(row0, cpt)], dstv, isem)
    cs.wait()
    cd.wait()

    def gather(j, b):
      pltpu.async_copy(g_hbm.at[srcv.at[j]], bufs[b], gsems[b])

    def wait_gather(j, b):
      pltpu.make_async_copy(g_hbm.at[srcv.at[j]], bufs[b], gsems[b]).wait()

    def scatter(j, b):
      pltpu.async_copy(bufs[b], acc.at[dstv.at[j]], ssems[b], add=True)

    def wait_scatter(b):
      pltpu.make_async_copy(bufs[b], acc.at[dstv.at[0]], ssems[b]).wait()

    for b in range(4):
      gather(b, b)
    cz.wait()
    plsc.subcore_barrier()

    def body(i, carry):
      for b in range(4):
        j = 4 * i + b
        wait_gather(j, b)
        scatter(j, b)
        bp = (b + 3) % 4
        jprev = j - 1

        @pl.when(jnp.logical_and(jprev >= 0, jprev + 4 < cpt))
        def _():
          wait_scatter(bp)
          gather(jprev + 4, bp)

      return carry

    lax.fori_loop(0, cpt // 4, body, 0)
    for b in range(4):
      wait_scatter(b)
    plsc.subcore_barrier()
    pltpu.sync_copy(acc.at[pl.ds(r0, rpt)], out_hbm.at[c, pl.ds(r0, rpt)])

  return kern(src2d, dst2d, g, zeros)


def _layer_in(xp, rsp, w1blk):
  m, df2 = xp.shape
  w = w1blk.shape[1]
  br = 2504
  grid = (2,)

  def body(x_ref, rs_ref, w_ref, g_ref):
    hh = jnp.dot(x_ref[...], w_ref[...], preferred_element_type=jnp.float32)
    g_ref[...] = hh * rs_ref[...]

  blk = pl.BlockSpec((br, w), lambda i: (i, 0))
  return pl.pallas_call(
      body,
      grid=grid,
      in_specs=[
          pl.BlockSpec((br, df2), lambda i: (i, 0)),
          blk,
          pl.BlockSpec((df2, w), lambda i: (0, 0)),
      ],
      out_specs=blk,
      out_shape=jax.ShapeDtypeStruct((m, w), jnp.float32),
  )(xp, rsp, w1blk)


def _layer_mid(sp_pk, g1, rs, b1p, w2blk):
  m, w = g1.shape
  br = 2504
  grid = (2,)

  def body(sp_ref, g_ref, rs_ref, b_ref, w_ref, out_ref):
    rsv = rs_ref[...]
    a = jnp.maximum(rsv * (sp_ref[0] + sp_ref[1] + g_ref[...])
                    + b_ref[...][None, :], 0.0)
    out_ref[...] = jnp.dot(a, w_ref[...],
                           preferred_element_type=jnp.float32) * rsv

  blk = pl.BlockSpec((br, w), lambda i: (i, 0))
  return pl.pallas_call(
      body,
      grid=grid,
      in_specs=[pl.BlockSpec((_NC, br, w), lambda i: (0, i, 0)),
                blk, blk,
                pl.BlockSpec((w,), lambda i: (0,)),
                pl.BlockSpec((w, w), lambda i: (0, 0))],
      out_specs=blk,
      out_shape=jax.ShapeDtypeStruct((m, w), jnp.float32),
  )(sp_pk, g1, rs, b1p, w2blk)


def _layer_out(sp_pk, g2, rs, b2p, n):
  m, w = g2.shape
  h = w // 2
  br = m
  grid = (1,)
  scale = 1.0 / n

  def body(sp_ref, g_ref, rs_ref, b_ref, out_ref):
    i = pl.program_id(0)
    a = jnp.maximum(rs_ref[...] * (sp_ref[0] + sp_ref[1] + g_ref[...])
                    + b_ref[...][None, :], 0.0)
    part = jnp.sum(a, axis=0, keepdims=True) * scale
    part = part[:, :h] + part[:, h:]

    @pl.when(i == 0)
    def _():
      out_ref[...] = part

    @pl.when(i > 0)
    def _():
      out_ref[...] += part

  blk = pl.BlockSpec((br, w), lambda i: (i, 0))
  return pl.pallas_call(
      body,
      grid=grid,
      in_specs=[pl.BlockSpec((_NC, br, w), lambda i: (0, i, 0)),
                blk, blk, pl.BlockSpec((w,), lambda i: (0,))],
      out_specs=pl.BlockSpec((1, h), lambda i: (0, 0)),
      out_shape=jax.ShapeDtypeStruct((1, h), jnp.float32),
  )(sp_pk, g2, rs, b2p)


def kernel(x, edge_index, W1, b1, W2, b2):
  n, _ = x.shape
  h = W1.shape[1]
  e = edge_index.shape[1]
  src2d = edge_index[0].astype(jnp.int32).reshape(e // _K, _K)
  dst2d = edge_index[1].astype(jnp.int32).reshape(e // _K, _K)
  npad = -(-n // (16 * _NS)) * (16 * _NS)
  zerosh = jnp.zeros((npad, h), jnp.float32)
  dst16 = edge_index[1].astype(jnp.int32).reshape(e // 16, 16)
  df = x.shape[1]
  w1blk = jnp.zeros((2 * df, 2 * h), jnp.float32)
  w1blk = w1blk.at[:df, :h].set(W1).at[df:, h:].set(W1)
  w2blk = jnp.zeros((2 * h, 2 * h), jnp.float32)
  w2blk = w2blk.at[:h, :h].set(W2).at[h:, h:].set(W2)
  b1p = jnp.concatenate([b1, b1])
  b2p = jnp.concatenate([b2, b2])
  xp = x.reshape(n // 2, 2 * df)

  rs_dense = _deg_rs(dst16, npad, h)
  rsp = rs_dense.reshape(npad // 2, 2 * h)
  g1 = _layer_in(xp, rsp, w1blk)
  sp1 = _seg_sum(src2d, dst2d, g1.reshape(n, h), zerosh)
  sp1_pk = sp1.reshape(_NC, npad * h // 128, 128)
  g2 = _layer_mid(sp1_pk, g1, rsp, b1p, w2blk)
  sp2 = _seg_sum(src2d, dst2d, g2.reshape(n, h), zerosh)
  sp2_pk = sp2.reshape(_NC, npad * h // 128, 128)
  out = _layer_out(sp2_pk, g2, rsp, b2p, n)
  return out.reshape(h)

# --- scband reference (transcript-rebuilt; emitter-appended) ---
"""Pipeline reference for scband-gnn-21363167330746 (READ-ONLY COPY).

The authoritative reference and input builder live on the scoring server;
editing this copy changes nothing except your own understanding.
"""

import jax, jax.numpy as jnp
import numpy as np

N = 10000
E = 320000
D_FEAT = 128
HIDDEN = 64


def setup_inputs(seed: int = 0) -> dict:
    key = jax.random.key(seed)
    k1, k2, k3, k4, k5, k6 = jax.random.split(key, 6)
    x = jax.random.normal(k1, (N, D_FEAT), dtype=jnp.float32)
    edge_index = jax.random.randint(k2, (2, E), 0, N, dtype=jnp.int64)
    W1 = jax.random.normal(k3, (D_FEAT, HIDDEN), dtype=jnp.float32) * (1.0 / np.sqrt(D_FEAT))
    b1 = jnp.zeros((HIDDEN,), dtype=jnp.float32)
    W2 = jax.random.normal(k4, (HIDDEN, HIDDEN), dtype=jnp.float32) * (1.0 / np.sqrt(HIDDEN))
    b2 = jnp.zeros((HIDDEN,), dtype=jnp.float32)
    return {"x": x, "edge_index": edge_index, "W1": W1, "b1": b1, "W2": W2, "b2": b2}


def _gcn_layer(x, src, dst, W, b, n_nodes):
    # h = A_hat @ (X @ W) + b, with symmetric GCN normalization incl. self-loops
    h = x @ W
    loop = jnp.arange(n_nodes, dtype=src.dtype)
    src_sl = jnp.concatenate([src, loop])
    dst_sl = jnp.concatenate([dst, loop])
    deg = jnp.zeros((n_nodes,), dtype=h.dtype).at[dst_sl].add(1.0)
    norm = jax.lax.rsqrt(deg[src_sl]) * jax.lax.rsqrt(deg[dst_sl])
    msgs = h[src_sl] * norm[:, None]
    agg = jnp.zeros_like(h).at[dst_sl].add(msgs)
    return jax.nn.relu(agg + b)


def reference(x, edge_index, W1, b1, W2, b2):
    n_nodes = x.shape[0]
    src = edge_index[0]
    dst = edge_index[1]
    h = _gcn_layer(x, src, dst, W1, b1, n_nodes)
    h = _gcn_layer(h, src, dst, W2, b2, n_nodes)
    # Original keras code overwrites the Dense output with GlobalAvgPool()(x);
    # the effective output is the global average pool over nodes of the last hidden state.
    out = jnp.mean(h, axis=0)
    return out

if __name__ == "__main__":
    import jax
    _d = setup_inputs()
    print(jax.jit(kernel)(*tuple(_d.values())))

</pallas_src>

<mosaic_0001>
#map = affine_map<(d0, d1) -> (0, 0)>
module attributes {stable_mosaic.version = 14 : i64} {
  func.func @kern(%arg0: i32, %arg1: i32, %arg2: memref<20000x16xi32, #tpu.memory_space<hbm>>, %arg3: memref<10240x64xf32, #tpu.memory_space<hbm>>, %arg4: memref<16x10240xf32, #tpu.memory_space<vmem_shared>>, %arg5: memref<10240xf32, #tpu.memory_space<vmem>>, %arg6: memref<1250x16xi32, #tpu.memory_space<vmem>>, %arg7: memref<16x640xf32, #tpu.memory_space<vmem>>, %arg8: memref<640x64xf32, #tpu.memory_space<vmem>>, %arg9: memref<!tpu.dma_semaphore, #tpu.memory_space<semaphore_mem>>) attributes {dimension_semantics = [#tpu.dimension_semantics<core_parallel>, #tpu.dimension_semantics<subcore_parallel>], iteration_bounds = array<i64: 2, 16>, scalar_prefetch = 0 : i64, scratch_operands = 6 : i64, tpu.core_type = #tpu.core_type<sc_vector_subcore>, window_params = [{transform_indices = #map}, {transform_indices = #map}]} {
    %mul3A = arith.constant 640 : i32
    %mul3A_0 = arith.muli %arg1, %mul3A : i32
    %mul3A_1 = arith.constant 1250 : i32
    %mul3A_2 = arith.muli %arg1, %mul3A_1 : i32
    %dma_start3A = arith.constant 0 : i32
    %dma_start3A_3 = tpu.memref_slice %arg2[%mul3A_2, %dma_start3A] : memref<20000x16xi32, #tpu.memory_space<hbm>> -> memref<1250x16xi32, #tpu.memory_space<hbm>>
    %dma_start3A_4 = arith.constant 0 : i32
    %dma_start3A_5 = tpu.memref_slice %arg2[%mul3A_2, %dma_start3A_4] : memref<20000x16xi32, #tpu.memory_space<hbm>> -> memref<1250x16xi32, #tpu.memory_space<hbm>>
    tpu.enqueue_dma source(%dma_start3A_5 : memref<1250x16xi32, #tpu.memory_space<hbm>>) target(%arg6 : memref<1250x16xi32, #tpu.memory_space<vmem>>) target_semaphore(%arg9 : memref<!tpu.dma_semaphore, #tpu.memory_space<semaphore_mem>>)
    %scan3A = arith.constant 0 : i32
    %scan3A_6 = arith.constant 0 : i32
    %scan3A_7 = arith.constant 640 : i32
    %scan3A_8 = arith.addi %scan3A_6, %scan3A_7 : i32
    %scan3A_9 = arith.constant 1 : i32
    scf.for %scan3A_418 = %scan3A_6 to %scan3A_8 step %scan3A_9  : i32 {
      %broadcast_in_dim3A_419 = arith.constant 0.000000e+00 : f32
      %broadcast_in_dim3A_420 = vector.broadcast %broadcast_in_dim3A_419 : f32 to vector<16xf32>
      %mul3A_421 = arith.constant 16 : i32
      %mul3A_422 = arith.muli %mul3A_421, %scan3A_418 : i32
      %swap3A = arith.index_cast %mul3A_422 : i32 to index
      %swap3A_423 = tpu.vector_load %arg5[%swap3A] {strides = array<i32>} : memref<10240xf32, #tpu.memory_space<vmem>>, vector<16xf32>,
      tpu.vector_store %arg5[%swap3A], %broadcast_in_dim3A_420 {strides = array<i32>} : memref<10240xf32, #tpu.memory_space<vmem>>, vector<16xf32>,
    }
    %scan3A_10 = arith.constant 640 : i32
    %dma_wait3A = arith.constant 0 : i32
    %dma_wait3A_11 = tpu.memref_slice %arg2[%mul3A_2, %dma_wait3A] : memref<20000x16xi32, #tpu.memory_space<hbm>> -> memref<1250x16xi32, #tpu.memory_space<hbm>>
    %dma_wait3A_12 = arith.constant 0 : i32
    %dma_wait3A_13 = tpu.memref_slice %arg2[%mul3A_2, %dma_wait3A_12] : memref<20000x16xi32, #tpu.memory_space<hbm>> -> memref<1250x16xi32, #tpu.memory_space<hbm>>
    tpu.wait_dma2 semaphore(%arg9 : memref<!tpu.dma_semaphore, #tpu.memory_space<semaphore_mem>>) src(%dma_wait3A_13 : memref<1250x16xi32, #tpu.memory_space<hbm>>) dst(%arg6 : memref<1250x16xi32, #tpu.memory_space<vmem>>)
    %broadcast_in_dim3A = arith.constant 1.000000e+00 : f32
    %broadcast_in_dim3A_14 = vector.broadcast %broadcast_in_dim3A : f32 to vector<16xf32>
    %scan3A_15 = arith.constant 0 : i32
    %scan3A_16 = arith.constant 0 : i32
    %scan3A_17 = arith.constant 1250 : i32
    %scan3A_18 = arith.addi %scan3A_16, %scan3A_17 : i32
    %scan3A_19 = arith.constant 1 : i32
    scf.for %scan3A_418 = %scan3A_16 to %scan3A_18 step %scan3A_19  : i32 {
      %get3A = arith.index_cast %scan3A_418 : i32 to index
      %get3A_419 = arith.constant 0 : index
      %get3A_420 = tpu.vector_load %arg6[%get3A, %get3A_419] {strides = array<i32>} : memref<1250x16xi32, #tpu.memory_space<vmem>>, vector<16xi32>,
      tpu.vector_store_idx %arg5[%get3A_420], %broadcast_in_dim3A_14 {add = true} : memref<10240xf32, #tpu.memory_space<vmem>>[vector<16xi32>], vector<16xf32>,
    }
    %scan3A_20 = arith.constant 1250 : i32
    "tpu.region"() ({
      %run_scoped3A = tpu.sem_alloc : memref<!tpu.dma_semaphore, #tpu.memory_space<semaphore_mem>>
      %dma_start3A_418 = arith.constant 0 : i32
      %dma_start3A_419 = tpu.memref_slice %arg4[%arg1, %dma_start3A_418] : memref<16x10240xf32, #tpu.memory_space<vmem_shared>> -> memref<1x10240xf32, #tpu.memory_space<vmem_shared>>
      %dma_start3A_420 = tpu.memref_squeeze %dma_start3A_419 : memref<1x10240xf32, #tpu.memory_space<vmem_shared>> -> memref<10240xf32, #tpu.memory_space<vmem_shared>>
      %dma_start3A_421 = arith.constant 0 : i32
      %dma_start3A_422 = tpu.memref_slice %arg4[%arg1, %dma_start3A_421] : memref<16x10240xf32, #tpu.memory_space<vmem_shared>> -> memref<1x10240xf32, #tpu.memory_space<vmem_shared>>
      %dma_start3A_423 = tpu.memref_squeeze %dma_start3A_422 : memref<1x10240xf32, #tpu.memory_space<vmem_shared>> -> memref<10240xf32, #tpu.memory_space<vmem_shared>>
      tpu.enqueue_dma source(%arg5 : memref<10240xf32, #tpu.memory_space<vmem>>) target(%dma_start3A_423 : memref<10240xf32, #tpu.memory_space<vmem_shared>>) target_semaphore(%run_scoped3A : memref<!tpu.dma_semaphore, #tpu.memory_space<semaphore_mem>>)
      %dma_wait3A_424 = arith.constant 0 : i32
      %dma_wait3A_425 = tpu.memref_slice %arg4[%arg1, %dma_wait3A_424] : memref<16x10240xf32, #tpu.memory_space<vmem_shared>> -> memref<1x10240xf32, #tpu.memory_space<vmem_shared>>
      %dma_wait3A_426 = tpu.memref_squeeze %dma_wait3A_425 : memref<1x10240xf32, #tpu.memory_space<vmem_shared>> -> memref<10240xf32, #tpu.memory_space<vmem_shared>>
      %dma_wait3A_427 = arith.constant 0 : i32
      %dma_wait3A_428 = tpu.memref_slice %arg4[%arg1, %dma_wait3A_427] : memref<16x10240xf32, #tpu.memory_space<vmem_shared>> -> memref<1x10240xf32, #tpu.memory_space<vmem_shared>>
      %dma_wait3A_429 = tpu.memref_squeeze %dma_wait3A_428 : memref<1x10240xf32, #tpu.memory_space<vmem_shared>> -> memref<10240xf32, #tpu.memory_space<vmem_shared>>
      tpu.wait_dma2 semaphore(%run_scoped3A : memref<!tpu.dma_semaphore, #tpu.memory_space<semaphore_mem>>) src(%arg5 : memref<10240xf32, #tpu.memory_space<vmem>>) dst(%dma_wait3A_429 : memref<10240xf32, #tpu.memory_space<vmem_shared>>)
      tpu.yield
    }) : () -> ()
    %barrier3A = arith.constant 0 : index
    tpu.barrier barrier_id(%barrier3A)
    %dma_start3A_21 = arith.constant 0 : i32
    %dma_start3A_22 = arith.constant 0 : i32
    %dma_start3A_23 = arith.constant 0 : i32
    %dma_start3A_24 = tpu.memref_slice %arg7[%dma_start3A_22, %dma_start3A_23] : memref<16x640xf32, #tpu.memory_space<vmem>> -> memref<1x640xf32, #tpu.memory_space<vmem>>
    %dma_start3A_25 = tpu.memref_squeeze %dma_start3A_24 : memref<1x640xf32, #tpu.memory_space<vmem>> -> memref<640xf32, #tpu.memory_space<vmem>>
    %dma_start3A_26 = tpu.memref_slice %arg4[%dma_start3A_21, %mul3A_0] : memref<16x10240xf32, #tpu.memory_space<vmem_shared>> -> memref<1x640xf32, #tpu.memory_space<vmem_shared>>
    %dma_start3A_27 = tpu.memref_squeeze %dma_start3A_26 : memref<1x640xf32, #tpu.memory_space<vmem_shared>> -> memref<640xf32, #tpu.memory_space<vmem_shared>>
    %dma_start3A_28 = arith.constant 0 : i32
    %dma_start3A_29 = tpu.memref_slice %arg7[%dma_start3A_22, %dma_start3A_28] : memref<16x640xf32, #tpu.memory_space<vmem>> -> memref<1x640xf32, #tpu.memory_space<vmem>>
    %dma_start3A_30 = tpu.memref_squeeze %dma_start3A_29 : memref<1x640xf32, #tpu.memory_space<vmem>> -> memref<640xf32, #tpu.memory_space<vmem>>
    %dma_start3A_31 = tpu.memref_slice %arg4[%dma_start3A_21, %mul3A_0] : memref<16x10240xf32, #tpu.memory_space<vmem_shared>> -> memref<1x640xf32, #tpu.memory_space<vmem_shared>>
    %dma_start3A_32 = tpu.memref_squeeze %dma_start3A_31 : memref<1x640xf32, #tpu.memory_space<vmem_shared>> -> memref<640xf32, #tpu.memory_space<vmem_shared>>
    tpu.enqueue_dma source(%dma_start3A_32 : memref<640xf32, #tpu.memory_space<vmem_shared>>) target(%dma_start3A_30 : memref<640xf32, #tpu.memory_space<vmem>>) target_semaphore(%arg9 : memref<!tpu.dma_semaphore, #tpu.memory_space<semaphore_mem>>)
    %dma_start3A_33 = arith.constant 1 : i32
    %dma_start3A_34 = arith.constant 1 : i32
    %dma_start3A_35 = arith.constant 0 : i32
    %dma_start3A_36 = tpu.memref_slice %arg7[%dma_start3A_34, %dma_start3A_35] : memref<16x640xf32, #tpu.memory_space<vmem>> -> memref<1x640xf32, #tpu.memory_space<vmem>>
    %dma_start3A_37 = tpu.memref_squeeze %dma_start3A_36 : memref<1x640xf32, #tpu.memory_space<vmem>> -> memref<640xf32, #tpu.memory_space<vmem>>
    %dma_start3A_38 = tpu.memref_slice %arg4[%dma_start3A_33, %mul3A_0] : memref<16x10240xf32, #tpu.memory_space<vmem_shared>> -> memref<1x640xf32, #tpu.memory_space<vmem_shared>>
    %dma_start3A_39 = tpu.memref_squeeze %dma_start3A_38 : memref<1x640xf32, #tpu.memory_space<vmem_shared>> -> memref<640xf32, #tpu.memory_space<vmem_shared>>
    %dma_start3A_40 = arith.constant 0 : i32
    %dma_start3A_41 = tpu.memref_slice %arg7[%dma_start3A_34, %dma_start3A_40] : memref<16x640xf32, #tpu.memory_space<vmem>> -> memref<1x640xf32, #tpu.memory_space<vmem>>
    %dma_start3A_42 = tpu.memref_squeeze %dma_start3A_41 : memref<1x640xf32, #tpu.memory_space<vmem>> -> memref<640xf32, #tpu.memory_space<vmem>>
    %dma_start3A_43 = tpu.memref_slice %arg4[%dma_start3A_33, %mul3A_0] : memref<16x10240xf32, #tpu.memory_space<vmem_shared>> -> memref<1x640xf32, #tpu.memory_space<vmem_shared>>
    %dma_start3A_44 = tpu.memref_squeeze %dma_start3A_43 : memref<1x640xf32, #tpu.memory_space<vmem_shared>> -> memref<640xf32, #tpu.memory_space<vmem_shared>>
    tpu.enqueue_dma source(%dma_start3A_44 : memref<640xf32, #tpu.memory_space<vmem_shared>>) target(%dma_start3A_42 : memref<640xf32, #tpu.memory_space<vmem>>) target_semaphore(%arg9 : memref<!tpu.dma_semaphore, #tpu.memory_space<semaphore_mem>>)
    %dma_start3A_45 = arith.constant 2 : i32
    %dma_start3A_46 = arith.constant 2 : i32
    %dma_start3A_47 = arith.constant 0 : i32
    %dma_start3A_48 = tpu.memref_slice %arg7[%dma_start3A_46, %dma_start3A_47] : memref<16x640xf32, #tpu.memory_space<vmem>> -> memref<1x640xf32, #tpu.memory_space<vmem>>
    %dma_start3A_49 = tpu.memref_squeeze %dma_start3A_48 : memref<1x640xf32, #tpu.memory_space<vmem>> -> memref<640xf32, #tpu.memory_space<vmem>>
    %dma_start3A_50 = tpu.memref_slice %arg4[%dma_start3A_45, %mul3A_0] : memref<16x10240xf32, #tpu.memory_space<vmem_shared>> -> memref<1x640xf32, #tpu.memory_space<vmem_shared>>
    %dma_start3A_51 = tpu.memref_squeeze %dma_start3A_50 : memref<1x640xf32, #tpu.memory_space<vmem_shared>> -> memref<640xf32, #tpu.memory_space<vmem_shared>>
    %dma_start3A_52 = arith.constant 0 : i32
    %dma_start3A_53 = tpu.memref_slice %arg7[%dma_start3A_46, %dma_start3A_52] : memref<16x640xf32, #tpu.memory_space<vmem>> -> memref<1x640xf32, #tpu.memory_space<vmem>>
    %dma_start3A_54 = tpu.memref_squeeze %dma_start3A_53 : memref<1x640xf32, #tpu.memory_space<vmem>> -> memref<640xf32, #tpu.memory_space<vmem>>
    %dma_start3A_55 = tpu.memref_slice %arg4[%dma_start3A_45, %mul3A_0] : memref<16x10240xf32, #tpu.memory_space<vmem_shared>> -> memref<1x640xf32, #tpu.memory_space<vmem_shared>>
    %dma_start3A_56 = tpu.memref_squeeze %dma_start3A_55 : memref<1x640xf32, #tpu.memory_space<vmem_shared>> -> memref<640xf32, #tpu.memory_space<vmem_shared>>
    tpu.enqueue_dma source(%dma_start3A_56 : memref<640xf32, #tpu.memory_space<vmem_shared>>) target(%dma_start3A_54 : memref<640xf32, #tpu.memory_space<vmem>>) target_semaphore(%arg9 : memref<!tpu.dma_semaphore, #tpu.memory_space<semaphore_mem>>)
    %dma_start3A_57 = arith.constant 3 : i32
    %dma_start3A_58 = arith.constant 3 : i32
    %dma_start3A_59 = arith.constant 0 : i32
    %dma_start3A_60 = tpu.memref_slice %arg7[%dma_start3A_58, %dma_start3A_59] : memref<16x640xf32, #tpu.memory_space<vmem>> -> memref<1x640xf32, #tpu.memory_space<vmem>>
    %dma_start3A_61 = tpu.memref_squeeze %dma_start3A_60 : memref<1x640xf32, #tpu.memory_space<vmem>> -> memref<640xf32, #tpu.memory_space<vmem>>
    %dma_start3A_62 = tpu.memref_slice %arg4[%dma_start3A_57, %mul3A_0] : memref<16x10240xf32, #tpu.memory_space<vmem_shared>> -> memref<1x640xf32, #tpu.memory_space<vmem_shared>>
    %dma_start3A_63 = tpu.memref_squeeze %dma_start3A_62 : memref<1x640xf32, #tpu.memory_space<vmem_shared>> -> memref<640xf32, #tpu.memory_space<vmem_shared>>
    %dma_start3A_64 = arith.constant 0 : i32
    %dma_start3A_65 = tpu.memref_slice %arg7[%dma_start3A_58, %dma_start3A_64] : memref<16x640xf32, #tpu.memory_space<vmem>> -> memref<1x640xf32, #tpu.memory_space<vmem>>
    %dma_start3A_66 = tpu.memref_squeeze %dma_start3A_65 : memref<1x640xf32, #tpu.memory_space<vmem>> -> memref<640xf32, #tpu.memory_space<vmem>>
    %dma_start3A_67 = tpu.memref_slice %arg4[%dma_start3A_57, %mul3A_0] : memref<16x10240xf32, #tpu.memory_space<vmem_shared>> -> memref<1x640xf32, #tpu.memory_space<vmem_shared>>
    %dma_start3A_68 = tpu.memref_squeeze %dma_start3A_67 : memref<1x640xf32, #tpu.memory_space<vmem_shared>> -> memref<640xf32, #tpu.memory_space<vmem_shared>>
    tpu.enqueue_dma source(%dma_start3A_68 : memref<640xf32, #tpu.memory_space<vmem_shared>>) target(%dma_start3A_66 : memref<640xf32, #tpu.memory_space<vmem>>) target_semaphore(%arg9 : memref<!tpu.dma_semaphore, #tpu.memory_space<semaphore_mem>>)
    %dma_start3A_69 = arith.constant 4 : i32
    %dma_start3A_70 = arith.constant 4 : i32
    %dma_start3A_71 = arith.constant 0 : i32
    %dma_start3A_72 = tpu.memref_slice %arg7[%dma_start3A_70, %dma_start3A_71] : memref<16x640xf32, #tpu.memory_space<vmem>> -> memref<1x640xf32, #tpu.memory_space<vmem>>
    %dma_start3A_73 = tpu.memref_squeeze %dma_start3A_72 : memref<1x640xf32, #tpu.memory_space<vmem>> -> memref<640xf32, #tpu.memory_space<vmem>>
    %dma_start3A_74 = tpu.memref_slice %arg4[%dma_start3A_69, %mul3A_0] : memref<16x10240xf32, #tpu.memory_space<vmem_shared>> -> memref<1x640xf32, #tpu.memory_space<vmem_shared>>
    %dma_start3A_75 = tpu.memref_squeeze %dma_start3A_74 : memref<1x640xf32, #tpu.memory_space<vmem_shared>> -> memref<640xf32, #tpu.memory_space<vmem_shared>>
    %dma_start3A_76 = arith.constant 0 : i32
    %dma_start3A_77 = tpu.memref_slice %arg7[%dma_start3A_70, %dma_start3A_76] : memref<16x640xf32, #tpu.memory_space<vmem>> -> memref<1x640xf32, #tpu.memory_space<vmem>>
    %dma_start3A_78 = tpu.memref_squeeze %dma_start3A_77 : memref<1x640xf32, #tpu.memory_space<vmem>> -> memref<640xf32, #tpu.memory_space<vmem>>
    %dma_start3A_79 = tpu.memref_slice %arg4[%dma_start3A_69, %mul3A_0] : memref<16x10240xf32, #tpu.memory_space<vmem_shared>> -> memref<1x640xf32, #tpu.memory_space<vmem_shared>>
    %dma_start3A_80 = tpu.memref_squeeze %dma_start3A_79 : memref<1x640xf32, #tpu.memory_space<vmem_shared>> -> memref<640xf32, #tpu.memory_space<vmem_shared>>
    tpu.enqueue_dma source(%dma_start3A_80 : memref<640xf32, #tpu.memory_space<vmem_shared>>) target(%dma_start3A_78 : memref<640xf32, #tpu.memory_space<vmem>>) target_semaphore(%arg9 : memref<!tpu.dma_semaphore, #tpu.memory_space<semaphore_mem>>)
    %dma_start3A_81 = arith.constant 5 : i32
    %dma_start3A_82 = arith.constant 5 : i32
    %dma_start3A_83 = arith.constant 0 : i32
    %dma_start3A_84 = tpu.memref_slice %arg7[%dma_start3A_82, %dma_start3A_83] : memref<16x640xf32, #tpu.memory_space<vmem>> -> memref<1x640xf32, #tpu.memory_space<vmem>>
    %dma_start3A_85 = tpu.memref_squeeze %dma_start3A_84 : memref<1x640xf32, #tpu.memory_space<vmem>> -> memref<640xf32, #tpu.memory_space<vmem>>
    %dma_start3A_86 = tpu.memref_slice %arg4[%dma_start3A_81, %mul3A_0] : memref<16x10240xf32, #tpu.memory_space<vmem_shared>> -> memref<1x640xf32, #tpu.memory_space<vmem_shared>>
    %dma_start3A_87 = tpu.memref_squeeze %dma_start3A_86 : memref<1x640xf32, #tpu.memory_space<vmem_shared>> -> memref<640xf32, #tpu.memory_space<vmem_shared>>
    %dma_start3A_88 = arith.constant 0 : i32
    %dma_start3A_89 = tpu.memref_slice %arg7[%dma_start3A_82, %dma_start3A_88] : memref<16x640xf32, #tpu.memory_space<vmem>> -> memref<1x640xf32, #tpu.memory_space<vmem>>
    %dma_start3A_90 = tpu.memref_squeeze %dma_start3A_89 : memref<1x640xf32, #tpu.memory_space<vmem>> -> memref<640xf32, #tpu.memory_space<vmem>>
    %dma_start3A_91 = tpu.memref_slice %arg4[%dma_start3A_81, %mul3A_0] : memref<16x10240xf32, #tpu.memory_space<vmem_shared>> -> memref<1x640xf32, #tpu.memory_space<vmem_shared>>
    %dma_start3A_92 = tpu.memref_squeeze %dma_start3A_91 : memref<1x640xf32, #tpu.memory_space<vmem_shared>> -> memref<640xf32, #tpu.memory_space<vmem_shared>>
    tpu.enqueue_dma source(%dma_start3A_92 : memref<640xf32, #tpu.memory_space<vmem_shared>>) target(%dma_start3A_90 : memref<640xf32, #tpu.memory_space<vmem>>) target_semaphore(%arg9 : memref<!tpu.dma_semaphore, #tpu.memory_space<semaphore_mem>>)
    %dma_start3A_93 = arith.constant 6 : i32
    %dma_start3A_94 = arith.constant 6 : i32
    %dma_start3A_95 = arith.constant 0 : i32
    %dma_start3A_96 = tpu.memref_slice %arg7[%dma_start3A_94, %dma_start3A_95] : memref<16x640xf32, #tpu.memory_space<vmem>> -> memref<1x640xf32, #tpu.memory_space<vmem>>
    %dma_start3A_97 = tpu.memref_squeeze %dma_start3A_96 : memref<1x640xf32, #tpu.memory_space<vmem>> -> memref<640xf32, #tpu.memory_space<vmem>>
    %dma_start3A_98 = tpu.memref_slice %arg4[%dma_start3A_93, %mul3A_0] : memref<16x10240xf32, #tpu.memory_space<vmem_shared>> -> memref<1x640xf32, #tpu.memory_space<vmem_shared>>
    %dma_start3A_99 = tpu.memref_squeeze %dma_start3A_98 : memref<1x640xf32, #tpu.memory_space<vmem_shared>> -> memref<640xf32, #tpu.memory_space<vmem_shared>>
    %dma_start3A_100 = arith.constant 0 : i32
    %dma_start3A_101 = tpu.memref_slice %arg7[%dma_start3A_94, %dma_start3A_100] : memref<16x640xf32, #tpu.memory_space<vmem>> -> memref<1x640xf32, #tpu.memory_space<vmem>>
    %dma_start3A_102 = tpu.memref_squeeze %dma_start3A_101 : memref<1x640xf32, #tpu.memory_space<vmem>> -> memref<640xf32, #tpu.memory_space<vmem>>
    %dma_start3A_103 = tpu.memref_slice %arg4[%dma_start3A_93, %mul3A_0] : memref<16x10240xf32, #tpu.memory_space<vmem_shared>> -> memref<1x640xf32, #tpu.memory_space<vmem_shared>>
    %dma_start3A_104 = tpu.memref_squeeze %dma_start3A_103 : memref<1x640xf32, #tpu.memory_space<vmem_shared>> -> memref<640xf32, #tpu.memory_space<vmem_shared>>
    tpu.enqueue_dma source(%dma_start3A_104 : memref<640xf32, #tpu.memory_space<vmem_shared>>) target(%dma_start3A_102 : memref<640xf32, #tpu.memory_space<vmem>>) target_semaphore(%arg9 : memref<!tpu.dma_semaphore, #tpu.memory_space<semaphore_mem>>)
    %dma_start3A_105 = arith.constant 7 : i32
    %dma_start3A_106 = arith.constant 7 : i32
    %dma_start3A_107 = arith.constant 0 : i32
    %dma_start3A_108 = tpu.memref_slice %arg7[%dma_start3A_106, %dma_start3A_107] : memref<16x640xf32, #tpu.memory_space<vmem>> -> memref<1x640xf32, #tpu.memory_space<vmem>>
    %dma_start3A_109 = tpu.memref_squeeze %dma_start3A_108 : memref<1x640xf32, #tpu.memory_space<vmem>> -> memref<640xf32, #tpu.memory_space<vmem>>
    %dma_start3A_110 = tpu.memref_slice %arg4[%dma_start3A_105, %mul3A_0] : memref<16x10240xf32, #tpu.memory_space<vmem_shared>> -> memref<1x640xf32, #tpu.memory_space<vmem_shared>>
    %dma_start3A_111 = tpu.memref_squeeze %dma_start3A_110 : memref<1x640xf32, #tpu.memory_space<vmem_shared>> -> memref<640xf32, #tpu.memory_space<vmem_shared>>
    %dma_start3A_112 = arith.constant 0 : i32
    %dma_start3A_113 = tpu.memref_slice %arg7[%dma_start3A_106, %dma_start3A_112] : memref<16x640xf32, #tpu.memory_space<vmem>> -> memref<1x640xf32, #tpu.memory_space<vmem>>
    %dma_start3A_114 = tpu.memref_squeeze %dma_start3A_113 : memref<1x640xf32, #tpu.memory_space<vmem>> -> memref<640xf32, #tpu.memory_space<vmem>>
    %dma_start3A_115 = tpu.memref_slice %arg4[%dma_start3A_105, %mul3A_0] : memref<16x10240xf32, #tpu.memory_space<vmem_shared>> -> memref<1x640xf32, #tpu.memory_space<vmem_shared>>
    %dma_start3A_116 = tpu.memref_squeeze %dma_start3A_115 : memref<1x640xf32, #tpu.memory_space<vmem_shared>> -> memref<640xf32, #tpu.memory_space<vmem_shared>>
    tpu.enqueue_dma source(%dma_start3A_116 : memref<640xf32, #tpu.memory_space<vmem_shared>>) target(%dma_start3A_114 : memref<640xf32, #tpu.memory_space<vmem>>) target_semaphore(%arg9 : memref<!tpu.dma_semaphore, #tpu.memory_space<semaphore_mem>>)
    %dma_start3A_117 = arith.constant 8 : i32
    %dma_start3A_118 = arith.constant 8 : i32
    %dma_start3A_119 = arith.constant 0 : i32
    %dma_start3A_120 = tpu.memref_slice %arg7[%dma_start3A_118, %dma_start3A_119] : memref<16x640xf32, #tpu.memory_space<vmem>> -> memref<1x640xf32, #tpu.memory_space<vmem>>
    %dma_start3A_121 = tpu.memref_squeeze %dma_start3A_120 : memref<1x640xf32, #tpu.memory_space<vmem>> -> memref<640xf32, #tpu.memory_space<vmem>>
    %dma_start3A_122 = tpu.memref_slice %arg4[%dma_start3A_117, %mul3A_0] : memref<16x10240xf32, #tpu.memory_space<vmem_shared>> -> memref<1x640xf32, #tpu.memory_space<vmem_shared>>
    %dma_start3A_123 = tpu.memref_squeeze %dma_start3A_122 : memref<1x640xf32, #tpu.memory_space<vmem_shared>> -> memref<640xf32, #tpu.memory_space<vmem_shared>>
    %dma_start3A_124 = arith.constant 0 : i32
    %dma_start3A_125 = tpu.memref_slice %arg7[%dma_start3A_118, %dma_start3A_124] : memref<16x640xf32, #tpu.memory_space<vmem>> -> memref<1x640xf32, #tpu.memory_space<vmem>>
    %dma_start3A_126 = tpu.memref_squeeze %dma_start3A_125 : memref<1x640xf32, #tpu.memory_space<vmem>> -> memref<640xf32, #tpu.memory_space<vmem>>
    %dma_start3A_127 = tpu.memref_slice %arg4[%dma_start3A_117, %mul3A_0] : memref<16x10240xf32, #tpu.memory_space<vmem_shared>> -> memref<1x640xf32, #tpu.memory_space<vmem_shared>>
    %dma_start3A_128 = tpu.memref_squeeze %dma_start3A_127 : memref<1x640xf32, #tpu.memory_space<vmem_shared>> -> memref<640xf32, #tpu.memory_space<vmem_shared>>
    tpu.enqueue_dma source(%dma_start3A_128 : memref<640xf32, #tpu.memory_space<vmem_shared>>) target(%dma_start3A_126 : memref<640xf32, #tpu.memory_space<vmem>>) target_semaphore(%arg9 : memref<!tpu.dma_semaphore, #tpu.memory_space<semaphore_mem>>)
    %dma_start3A_129 = arith.constant 9 : i32
    %dma_start3A_130 = arith.constant 9 : i32
    %dma_start3A_131 = arith.constant 0 : i32
    %dma_start3A_132 = tpu.memref_slice %arg7[%dma_start3A_130, %dma_start3A_131] : memref<16x640xf32, #tpu.memory_space<vmem>> -> memref<1x640xf32, #tpu.memory_space<vmem>>
    %dma_start3A_133 = tpu.memref_squeeze %dma_start3A_132 : memref<1x640xf32, #tpu.memory_space<vmem>> -> memref<640xf32, #tpu.memory_space<vmem>>
    %dma_start3A_134 = tpu.memref_slice %arg4[%dma_start3A_129, %mul3A_0] : memref<16x10240xf32, #tpu.memory_space<vmem_shared>> -> memref<1x640xf32, #tpu.memory_space<vmem_shared>>
    %dma_start3A_135 = tpu.memref_squeeze %dma_start3A_134 : memref<1x640xf32, #tpu.memory_space<vmem_shared>> -> memref<640xf32, #tpu.memory_space<vmem_shared>>
    %dma_start3A_136 = arith.constant 0 : i32
    %dma_start3A_137 = tpu.memref_slice %arg7[%dma_start3A_130, %dma_start3A_136] : memref<16x640xf32, #tpu.memory_space<vmem>> -> memref<1x640xf32, #tpu.memory_space<vmem>>
    %dma_start3A_138 = tpu.memref_squeeze %dma_start3A_137 : memref<1x640xf32, #tpu.memory_space<vmem>> -> memref<640xf32, #tpu.memory_space<vmem>>
    %dma_start3A_139 = tpu.memref_slice %arg4[%dma_start3A_129, %mul3A_0] : memref<16x10240xf32, #tpu.memory_space<vmem_shared>> -> memref<1x640xf32, #tpu.memory_space<vmem_shared>>
    %dma_start3A_140 = tpu.memref_squeeze %dma_start3A_139 : memref<1x640xf32, #tpu.memory_space<vmem_shared>> -> memref<640xf32, #tpu.memory_space<vmem_shared>>
    tpu.enqueue_dma source(%dma_start3A_140 : memref<640xf32, #tpu.memory_space<vmem_shared>>) target(%dma_start3A_138 : memref<640xf32, #tpu.memory_space<vmem>>) target_semaphore(%arg9 : memref<!tpu.dma_semaphore, #tpu.memory_space<semaphore_mem>>)
    %dma_start3A_141 = arith.constant 10 : i32
    %dma_start3A_142 = arith.constant 10 : i32
    %dma_start3A_143 = arith.constant 0 : i32
    %dma_start3A_144 = tpu.memref_slice %arg7[%dma_start3A_142, %dma_start3A_143] : memref<16x640xf32, #tpu.memory_space<vmem>> -> memref<1x640xf32, #tpu.memory_space<vmem>>
    %dma_start3A_145 = tpu.memref_squeeze %dma_start3A_144 : memref<1x640xf32, #tpu.memory_space<vmem>> -> memref<640xf32, #tpu.memory_space<vmem>>
    %dma_start3A_146 = tpu.memref_slice %arg4[%dma_start3A_141, %mul3A_0] : memref<16x10240xf32, #tpu.memory_space<vmem_shared>> -> memref<1x640xf32, #tpu.memory_space<vmem_shared>>
    %dma_start3A_147 = tpu.memref_squeeze %dma_start3A_146 : memref<1x640xf32, #tpu.memory_space<vmem_shared>> -> memref<640xf32, #tpu.memory_space<vmem_shared>>
    %dma_start3A_148 = arith.constant 0 : i32
    %dma_start3A_149 = tpu.memref_slice %arg7[%dma_start3A_142, %dma_start3A_148] : memref<16x640xf32, #tpu.memory_space<vmem>> -> memref<1x640xf32, #tpu.memory_space<vmem>>
    %dma_start3A_150 = tpu.memref_squeeze %dma_start3A_149 : memref<1x640xf32, #tpu.memory_space<vmem>> -> memref<640xf32, #tpu.memory_space<vmem>>
    %dma_start3A_151 = tpu.memref_slice %arg4[%dma_start3A_141, %mul3A_0] : memref<16x10240xf32, #tpu.memory_space<vmem_shared>> -> memref<1x640xf32, #tpu.memory_space<vmem_shared>>
    %dma_start3A_152 = tpu.memref_squeeze %dma_start3A_151 : memref<1x640xf32, #tpu.memory_space<vmem_shared>> -> memref<640xf32, #tpu.memory_space<vmem_shared>>
    tpu.enqueue_dma source(%dma_start3A_152 : memref<640xf32, #tpu.memory_space<vmem_shared>>) target(%dma_start3A_150 : memref<640xf32, #tpu.memory_space<vmem>>) target_semaphore(%arg9 : memref<!tpu.dma_semaphore, #tpu.memory_space<semaphore_mem>>)
    %dma_start3A_153 = arith.constant 11 : i32
    %dma_start3A_154 = arith.constant 11 : i32
    %dma_start3A_155 = arith.constant 0 : i32
    %dma_start3A_156 = tpu.memref_slice %arg7[%dma_start3A_154, %dma_start3A_155] : memref<16x640xf32, #tpu.memory_space<vmem>> -> memref<1x640xf32, #tpu.memory_space<vmem>>
    %dma_start3A_157 = tpu.memref_squeeze %dma_start3A_156 : memref<1x640xf32, #tpu.memory_space<vmem>> -> memref<640xf32, #tpu.memory_space<vmem>>
    %dma_start3A_158 = tpu.memref_slice %arg4[%dma_start3A_153, %mul3A_0] : memref<16x10240xf32, #tpu.memory_space<vmem_shared>> -> memref<1x640xf32, #tpu.memory_space<vmem_shared>>
    %dma_start3A_159 = tpu.memref_squeeze %dma_start3A_158 : memref<1x640xf32, #tpu.memory_space<vmem_shared>> -> memref<640xf32, #tpu.memory_space<vmem_shared>>
    %dma_start3A_160 = arith.constant 0 : i32
    %dma_start3A_161 = tpu.memref_slice %arg7[%dma_start3A_154, %dma_start3A_160] : memref<16x640xf32, #tpu.memory_space<vmem>> -> memref<1x640xf32, #tpu.memory_space<vmem>>
    %dma_start3A_162 = tpu.memref_squeeze %dma_start3A_161 : memref<1x640xf32, #tpu.memory_space<vmem>> -> memref<640xf32, #tpu.memory_space<vmem>>
    %dma_start3A_163 = tpu.memref_slice %arg4[%dma_start3A_153, %mul3A_0] : memref<16x10240xf32, #tpu.memory_space<vmem_shared>> -> memref<1x640xf32, #tpu.memory_space<vmem_shared>>
    %dma_start3A_164 = tpu.memref_squeeze %dma_start3A_163 : memref<1x640xf32, #tpu.memory_space<vmem_shared>> -> memref<640xf32, #tpu.memory_space<vmem_shared>>
    tpu.enqueue_dma source(%dma_start3A_164 : memref<640xf32, #tpu.memory_space<vmem_shared>>) target(%dma_start3A_162 : memref<640xf32, #tpu.memory_space<vmem>>) target_semaphore(%arg9 : memref<!tpu.dma_semaphore, #tpu.memory_space<semaphore_mem>>)
    %dma_start3A_165 = arith.constant 12 : i32
    %dma_start3A_166 = arith.constant 12 : i32
    %dma_start3A_167 = arith.constant 0 : i32
    %dma_start3A_168 = tpu.memref_slice %arg7[%dma_start3A_166, %dma_start3A_167] : memref<16x640xf32, #tpu.memory_space<vmem>> -> memref<1x640xf32, #tpu.memory_space<vmem>>
    %dma_start3A_169 = tpu.memref_squeeze %dma_start3A_168 : memref<1x640xf32, #tpu.memory_space<vmem>> -> memref<640xf32, #tpu.memory_space<vmem>>
    %dma_start3A_170 = tpu.memref_slice %arg4[%dma_start3A_165, %mul3A_0] : memref<16x10240xf32, #tpu.memory_space<vmem_shared>> -> memref<1x640xf32, #tpu.memory_space<vmem_shared>>
    %dma_start3A_171 = tpu.memref_squeeze %dma_start3A_170 : memref<1x640xf32, #tpu.memory_space<vmem_shared>> -> memref<640xf32, #tpu.memory_space<vmem_shared>>
    %dma_start3A_172 = arith.constant 0 : i32
    %dma_start3A_173 = tpu.memref_slice %arg7[%dma_start3A_166, %dma_start3A_172] : memref<16x640xf32, #tpu.memory_space<vmem>> -> memref<1x640xf32, #tpu.memory_space<vmem>>
    %dma_start3A_174 = tpu.memref_squeeze %dma_start3A_173 : memref<1x640xf32, #tpu.memory_space<vmem>> -> memref<640xf32, #tpu.memory_space<vmem>>
    %dma_start3A_175 = tpu.memref_slice %arg4[%dma_start3A_165, %mul3A_0] : memref<16x10240xf32, #tpu.memory_space<vmem_shared>> -> memref<1x640xf32, #tpu.memory_space<vmem_shared>>
    %dma_start3A_176 = tpu.memref_squeeze %dma_start3A_175 : memref<1x640xf32, #tpu.memory_space<vmem_shared>> -> memref<640xf32, #tpu.memory_space<vmem_shared>>
    tpu.enqueue_dma source(%dma_start3A_176 : memref<640xf32, #tpu.memory_space<vmem_shared>>) target(%dma_start3A_174 : memref<640xf32, #tpu.memory_space<vmem>>) target_semaphore(%arg9 : memref<!tpu.dma_semaphore, #tpu.memory_space<semaphore_mem>>)
    %dma_start3A_177 = arith.constant 13 : i32
    %dma_start3A_178 = arith.constant 13 : i32
    %dma_start3A_179 = arith.constant 0 : i32
    %dma_start3A_180 = tpu.memref_slice %arg7[%dma_start3A_178, %dma_start3A_179] : memref<16x640xf32, #tpu.memory_space<vmem>> -> memref<1x640xf32, #tpu.memory_space<vmem>>
    %dma_start3A_181 = tpu.memref_squeeze %dma_start3A_180 : memref<1x640xf32, #tpu.memory_space<vmem>> -> memref<640xf32, #tpu.memory_space<vmem>>
    %dma_start3A_182 = tpu.memref_slice %arg4[%dma_start3A_177, %mul3A_0] : memref<16x10240xf32, #tpu.memory_space<vmem_shared>> -> memref<1x640xf32, #tpu.memory_space<vmem_shared>>
    %dma_start3A_183 = tpu.memref_squeeze %dma_start3A_182 : memref<1x640xf32, #tpu.memory_space<vmem_shared>> -> memref<640xf32, #tpu.memory_space<vmem_shared>>
    %dma_start3A_184 = arith.constant 0 : i32
    %dma_start3A_185 = tpu.memref_slice %arg7[%dma_start3A_178, %dma_start3A_184] : memref<16x640xf32, #tpu.memory_space<vmem>> -> memref<1x640xf32, #tpu.memory_space<vmem>>
    %dma_start3A_186 = tpu.memref_squeeze %dma_start3A_185 : memref<1x640xf32, #tpu.memory_space<vmem>> -> memref<640xf32, #tpu.memory_space<vmem>>
    %dma_start3A_187 = tpu.memref_slice %arg4[%dma_start3A_177, %mul3A_0] : memref<16x10240xf32, #tpu.memory_space<vmem_shared>> -> memref<1x640xf32, #tpu.memory_space<vmem_shared>>
    %dma_start3A_188 = tpu.memref_squeeze %dma_start3A_187 : memref<1x640xf32, #tpu.memory_space<vmem_shared>> -> memref<640xf32, #tpu.memory_space<vmem_shared>>
    tpu.enqueue_dma source(%dma_start3A_188 : memref<640xf32, #tpu.memory_space<vmem_shared>>) target(%dma_start3A_186 : memref<640xf32, #tpu.memory_space<vmem>>) target_semaphore(%arg9 : memref<!tpu.dma_semaphore, #tpu.memory_space<semaphore_mem>>)
    %dma_start3A_189 = arith.constant 14 : i32
    %dma_start3A_190 = arith.constant 14 : i32
    %dma_start3A_191 = arith.constant 0 : i32
    %dma_start3A_192 = tpu.memref_slice %arg7[%dma_start3A_190, %dma_start3A_191] : memref<16x640xf32, #tpu.memory_space<vmem>> -> memref<1x640xf32, #tpu.memory_space<vmem>>
    %dma_start3A_193 = tpu.memref_squeeze %dma_start3A_192 : memref<1x640xf32, #tpu.memory_space<vmem>> -> memref<640xf32, #tpu.memory_space<vmem>>
    %dma_start3A_194 = tpu.memref_slice %arg4[%dma_start3A_189, %mul3A_0] : memref<16x10240xf32, #tpu.memory_space<vmem_shared>> -> memref<1x640xf32, #tpu.memory_space<vmem_shared>>
    %dma_start3A_195 = tpu.memref_squeeze %dma_start3A_194 : memref<1x640xf32, #tpu.memory_space<vmem_shared>> -> memref<640xf32, #tpu.memory_space<vmem_shared>>
    %dma_start3A_196 = arith.constant 0 : i32
    %dma_start3A_197 = tpu.memref_slice %arg7[%dma_start3A_190, %dma_start3A_196] : memref<16x640xf32, #tpu.memory_space<vmem>> -> memref<1x640xf32, #tpu.memory_space<vmem>>
    %dma_start3A_198 = tpu.memref_squeeze %dma_start3A_197 : memref<1x640xf32, #tpu.memory_space<vmem>> -> memref<640xf32, #tpu.memory_space<vmem>>
    %dma_start3A_199 = tpu.memref_slice %arg4[%dma_start3A_189, %mul3A_0] : memref<16x10240xf32, #tpu.memory_space<vmem_shared>> -> memref<1x640xf32, #tpu.memory_space<vmem_shared>>
    %dma_start3A_200 = tpu.memref_squeeze %dma_start3A_199 : memref<1x640xf32, #tpu.memory_space<vmem_shared>> -> memref<640xf32, #tpu.memory_space<vmem_shared>>
    tpu.enqueue_dma source(%dma_start3A_200 : memref<640xf32, #tpu.memory_space<vmem_shared>>) target(%dma_start3A_198 : memref<640xf32, #tpu.memory_space<vmem>>) target_semaphore(%arg9 : memref<!tpu.dma_semaphore, #tpu.memory_space<semaphore_mem>>)
    %dma_start3A_201 = arith.constant 15 : i32
    %dma_start3A_202 = arith.constant 15 : i32
    %dma_start3A_203 = arith.constant 0 : i32
    %dma_start3A_204 = tpu.memref_slice %arg7[%dma_start3A_202, %dma_start3A_203] : memref<16x640xf32, #tpu.memory_space<vmem>> -> memref<1x640xf32, #tpu.memory_space<vmem>>
    %dma_start3A_205 = tpu.memref_squeeze %dma_start3A_204 : memref<1x640xf32, #tpu.memory_space<vmem>> -> memref<640xf32, #tpu.memory_space<vmem>>
    %dma_start3A_206 = tpu.memref_slice %arg4[%dma_start3A_201, %mul3A_0] : memref<16x10240xf32, #tpu.memory_space<vmem_shared>> -> memref<1x640xf32, #tpu.memory_space<vmem_shared>>
    %dma_start3A_207 = tpu.memref_squeeze %dma_start3A_206 : memref<1x640xf32, #tpu.memory_space<vmem_shared>> -> memref<640xf32, #tpu.memory_space<vmem_shared>>
    %dma_start3A_208 = arith.constant 0 : i32
    %dma_start3A_209 = tpu.memref_slice %arg7[%dma_start3A_202, %dma_start3A_208] : memref<16x640xf32, #tpu.memory_space<vmem>> -> memref<1x640xf32, #tpu.memory_space<vmem>>
    %dma_start3A_210 = tpu.memref_squeeze %dma_start3A_209 : memref<1x640xf32, #tpu.memory_space<vmem>> -> memref<640xf32, #tpu.memory_space<vmem>>
    %dma_start3A_211 = tpu.memref_slice %arg4[%dma_start3A_201, %mul3A_0] : memref<16x10240xf32, #tpu.memory_space<vmem_shared>> -> memref<1x640xf32, #tpu.memory_space<vmem_shared>>
    %dma_start3A_212 = tpu.memref_squeeze %dma_start3A_211 : memref<1x640xf32, #tpu.memory_space<vmem_shared>> -> memref<640xf32, #tpu.memory_space<vmem_shared>>
    tpu.enqueue_dma source(%dma_start3A_212 : memref<640xf32, #tpu.memory_space<vmem_shared>>) target(%dma_start3A_210 : memref<640xf32, #tpu.memory_space<vmem>>) target_semaphore(%arg9 : memref<!tpu.dma_semaphore, #tpu.memory_space<semaphore_mem>>)
    %dma_wait3A_213 = arith.constant 0 : i32
    %dma_wait3A_214 = arith.constant 0 : i32
    %dma_wait3A_215 = arith.constant 0 : i32
    %dma_wait3A_216 = tpu.memref_slice %arg7[%dma_wait3A_214, %dma_wait3A_215] : memref<16x640xf32, #tpu.memory_space<vmem>> -> memref<1x640xf32, #tpu.memory_space<vmem>>
    %dma_wait3A_217 = tpu.memref_squeeze %dma_wait3A_216 : memref<1x640xf32, #tpu.memory_space<vmem>> -> memref<640xf32, #tpu.memory_space<vmem>>
    %dma_wait3A_218 = tpu.memref_slice %arg4[%dma_wait3A_213, %mul3A_0] : memref<16x10240xf32, #tpu.memory_space<vmem_shared>> -> memref<1x640xf32, #tpu.memory_space<vmem_shared>>
    %dma_wait3A_219 = tpu.memref_squeeze %dma_wait3A_218 : memref<1x640xf32, #tpu.memory_space<vmem_shared>> -> memref<640xf32, #tpu.memory_space<vmem_shared>>
    %dma_wait3A_220 = arith.constant 0 : i32
    %dma_wait3A_221 = tpu.memref_slice %arg7[%dma_wait3A_214, %dma_wait3A_220] : memref<16x640xf32, #tpu.memory_space<vmem>> -> memref<1x640xf32, #tpu.memory_space<vmem>>
    %dma_wait3A_222 = tpu.memref_squeeze %dma_wait3A_221 : memref<1x640xf32, #tpu.memory_space<vmem>> -> memref<640xf32, #tpu.memory_space<vmem>>
    %dma_wait3A_223 = tpu.memref_slice %arg4[%dma_wait3A_213, %mul3A_0] : memref<16x10240xf32, #tpu.memory_space<vmem_shared>> -> memref<1x640xf32, #tpu.memory_space<vmem_shared>>
    %dma_wait3A_224 = tpu.memref_squeeze %dma_wait3A_223 : memref<1x640xf32, #tpu.memory_space<vmem_shared>> -> memref<640xf32, #tpu.memory_space<vmem_shared>>
    tpu.wait_dma2 semaphore(%arg9 : memref<!tpu.dma_semaphore, #tpu.memory_space<semaphore_mem>>) src(%dma_wait3A_224 : memref<640xf32, #tpu.memory_space<vmem_shared>>) dst(%dma_wait3A_222 : memref<640xf32, #tpu.memory_space<vmem>>)
    %dma_wait3A_225 = arith.constant 1 : i32
    %dma_wait3A_226 = arith.constant 1 : i32
    %dma_wait3A_227 = arith.constant 0 : i32
    %dma_wait3A_228 = tpu.memref_slice %arg7[%dma_wait3A_226, %dma_wait3A_227] : memref<16x640xf32, #tpu.memory_space<vmem>> -> memref<1x640xf32, #tpu.memory_space<vmem>>
    %dma_wait3A_229 = tpu.memref_squeeze %dma_wait3A_228 : memref<1x640xf32, #tpu.memory_space<vmem>> -> memref<640xf32, #tpu.memory_space<vmem>>
    %dma_wait3A_230 = tpu.memref_slice %arg4[%dma_wait3A_225, %mul3A_0] : memref<16x10240xf32, #tpu.memory_space<vmem_shared>> -> memref<1x640xf32, #tpu.memory_space<vmem_shared>>
    %dma_wait3A_231 = tpu.memref_squeeze %dma_wait3A_230 : memref<1x640xf32, #tpu.memory_space<vmem_shared>> -> memref<640xf32, #tpu.memory_space<vmem_shared>>
    %dma_wait3A_232 = arith.constant 0 : i32
    %dma_wait3A_233 = tpu.memref_slice %arg7[%dma_wait3A_226, %dma_wait3A_232] : memref<16x640xf32, #tpu.memory_space<vmem>> -> memref<1x640xf32, #tpu.memory_space<vmem>>
    %dma_wait3A_234 = tpu.memref_squeeze %dma_wait3A_233 : memref<1x640xf32, #tpu.memory_space<vmem>> -> memref<640xf32, #tpu.memory_space<vmem>>
    %dma_wait3A_235 = tpu.memref_slice %arg4[%dma_wait3A_225, %mul3A_0] : memref<16x10240xf32, #tpu.memory_space<vmem_shared>> -> memref<1x640xf32, #tpu.memory_space<vmem_shared>>
    %dma_wait3A_236 = tpu.memref_squeeze %dma_wait3A_235 : memref<1x640xf32, #tpu.memory_space<vmem_shared>> -> memref<640xf32, #tpu.memory_space<vmem_shared>>
    tpu.wait_dma2 semaphore(%arg9 : memref<!tpu.dma_semaphore, #tpu.memory_space<semaphore_mem>>) src(%dma_wait3A_236 : memref<640xf32, #tpu.memory_space<vmem_shared>>) dst(%dma_wait3A_234 : memref<640xf32, #tpu.memory_space<vmem>>)
    %dma_wait3A_237 = arith.constant 2 : i32
    %dma_wait3A_238 = arith.constant 2 : i32
    %dma_wait3A_239 = arith.constant 0 : i32
    %dma_wait3A_240 = tpu.memref_slice %arg7[%dma_wait3A_238, %dma_wait3A_239] : memref<16x640xf32, #tpu.memory_space<vmem>> -> memref<1x640xf32, #tpu.memory_space<vmem>>
    %dma_wait3A_241 = tpu.memref_squeeze %dma_wait3A_240 : memref<1x640xf32, #tpu.memory_space<vmem>> -> memref<640xf32, #tpu.memory_space<vmem>>
    %dma_wait3A_242 = tpu.memref_slice %arg4[%dma_wait3A_237, %mul3A_0] : memref<16x10240xf32, #tpu.memory_space<vmem_shared>> -> memref<1x640xf32, #tpu.memory_space<vmem_shared>>
    %dma_wait3A_243 = tpu.memref_squeeze %dma_wait3A_242 : memref<1x640xf32, #tpu.memory_space<vmem_shared>> -> memref<640xf32, #tpu.memory_space<vmem_shared>>
    %dma_wait3A_244 = arith.constant 0 : i32
    %dma_wait3A_245 = tpu.memref_slice %arg7[%dma_wait3A_238, %dma_wait3A_244] : memref<16x640xf32, #tpu.memory_space<vmem>> -> memref<1x640xf32, #tpu.memory_space<vmem>>
    %dma_wait3A_246 = tpu.memref_squeeze %dma_wait3A_245 : memref<1x640xf32, #tpu.memory_space<vmem>> -> memref<640xf32, #tpu.memory_space<vmem>>
    %dma_wait3A_247 = tpu.memref_slice %arg4[%dma_wait3A_237, %mul3A_0] : memref<16x10240xf32, #tpu.memory_space<vmem_shared>> -> memref<1x640xf32, #tpu.memory_space<vmem_shared>>
    %dma_wait3A_248 = tpu.memref_squeeze %dma_wait3A_247 : memref<1x640xf32, #tpu.memory_space<vmem_shared>> -> memref<640xf32, #tpu.memory_space<vmem_shared>>
    tpu.wait_dma2 semaphore(%arg9 : memref<!tpu.dma_semaphore, #tpu.memory_space<semaphore_mem>>) src(%dma_wait3A_248 : memref<640xf32, #tpu.memory_space<vmem_shared>>) dst(%dma_wait3A_246 : memref<640xf32, #tpu.memory_space<vmem>>)
    %dma_wait3A_249 = arith.constant 3 : i32
    %dma_wait3A_250 = arith.constant 3 : i32
    %dma_wait3A_251 = arith.constant 0 : i32
    %dma_wait3A_252 = tpu.memref_slice %arg7[%dma_wait3A_250, %dma_wait3A_251] : memref<16x640xf32, #tpu.memory_space<vmem>> -> memref<1x640xf32, #tpu.memory_space<vmem>>
    %dma_wait3A_253 = tpu.memref_squeeze %dma_wait3A_252 : memref<1x640xf32, #tpu.memory_space<vmem>> -> memref<640xf32, #tpu.memory_space<vmem>>
    %dma_wait3A_254 = tpu.memref_slice %arg4[%dma_wait3A_249, %mul3A_0] : memref<16x10240xf32, #tpu.memory_space<vmem_shared>> -> memref<1x640xf32, #tpu.memory_space<vmem_shared>>
    %dma_wait3A_255 = tpu.memref_squeeze %dma_wait3A_254 : memref<1x640xf32, #tpu.memory_space<vmem_shared>> -> memref<640xf32, #tpu.memory_space<vmem_shared>>
    %dma_wait3A_256 = arith.constant 0 : i32
    %dma_wait3A_257 = tpu.memref_slice %arg7[%dma_wait3A_250, %dma_wait3A_256] : memref<16x640xf32, #tpu.memory_space<vmem>> -> memref<1x640xf32, #tpu.memory_space<vmem>>
    %dma_wait3A_258 = tpu.memref_squeeze %dma_wait3A_257 : memref<1x640xf32, #tpu.memory_space<vmem>> -> memref<640xf32, #tpu.memory_space<vmem>>
    %dma_wait3A_259 = tpu.memref_slice %arg4[%dma_wait3A_249, %mul3A_0] : memref<16x10240xf32, #tpu.memory_space<vmem_shared>> -> memref<1x640xf32, #tpu.memory_space<vmem_shared>>
    %dma_wait3A_260 = tpu.memref_squeeze %dma_wait3A_259 : memref<1x640xf32, #tpu.memory_space<vmem_shared>> -> memref<640xf32, #tpu.memory_space<vmem_shared>>
    tpu.wait_dma2 semaphore(%arg9 : memref<!tpu.dma_semaphore, #tpu.memory_space<semaphore_mem>>) src(%dma_wait3A_260 : memref<640xf32, #tpu.memory_space<vmem_shared>>) dst(%dma_wait3A_258 : memref<640xf32, #tpu.memory_space<vmem>>)
    %dma_wait3A_261 = arith.constant 4 : i32
    %dma_wait3A_262 = arith.constant 4 : i32
    %dma_wait3A_263 = arith.constant 0 : i32
    %dma_wait3A_264 = tpu.memref_slice %arg7[%dma_wait3A_262, %dma_wait3A_263] : memref<16x640xf32, #tpu.memory_space<vmem>> -> memref<1x640xf32, #tpu.memory_space<vmem>>
    %dma_wait3A_265 = tpu.memref_squeeze %dma_wait3A_264 : memref<1x640xf32, #tpu.memory_space<vmem>> -> memref<640xf32, #tpu.memory_space<vmem>>
    %dma_wait3A_266 = tpu.memref_slice %arg4[%dma_wait3A_261, %mul3A_0] : memref<16x10240xf32, #tpu.memory_space<vmem_shared>> -> memref<1x640xf32, #tpu.memory_space<vmem_shared>>
    %dma_wait3A_267 = tpu.memref_squeeze %dma_wait3A_266 : memref<1x640xf32, #tpu.memory_space<vmem_shared>> -> memref<640xf32, #tpu.memory_space<vmem_shared>>
    %dma_wait3A_268 = arith.constant 0 : i32
    %dma_wait3A_269 = tpu.memref_slice %arg7[%dma_wait3A_262, %dma_wait3A_268] : memref<16x640xf32, #tpu.memory_space<vmem>> -> memref<1x640xf32, #tpu.memory_space<vmem>>
    %dma_wait3A_270 = tpu.memref_squeeze %dma_wait3A_269 : memref<1x640xf32, #tpu.memory_space<vmem>> -> memref<640xf32, #tpu.memory_space<vmem>>
    %dma_wait3A_271 = tpu.memref_slice %arg4[%dma_wait3A_261, %mul3A_0] : memref<16x10240xf32, #tpu.memory_space<vmem_shared>> -> memref<1x640xf32, #tpu.memory_space<vmem_shared>>
    %dma_wait3A_272 = tpu.memref_squeeze %dma_wait3A_271 : memref<1x640xf32, #tpu.memory_space<vmem_shared>> -> memref<640xf32, #tpu.memory_space<vmem_shared>>
    tpu.wait_dma2 semaphore(%arg9 : memref<!tpu.dma_semaphore, #tpu.memory_space<semaphore_mem>>) src(%dma_wait3A_272 : memref<640xf32, #tpu.memory_space<vmem_shared>>) dst(%dma_wait3A_270 : memref<640xf32, #tpu.memory_space<vmem>>)
    %dma_wait3A_273 = arith.constant 5 : i32
    %dma_wait3A_274 = arith.constant 5 : i32
    %dma_wait3A_275 = arith.constant 0 : i32
    %dma_wait3A_276 = tpu.memref_slice %arg7[%dma_wait3A_274, %dma_wait3A_275] : memref<16x640xf32, #tpu.memory_space<vmem>> -> memref<1x640xf32, #tpu.memory_space<vmem>>
    %dma_wait3A_277 = tpu.memref_squeeze %dma_wait3A_276 : memref<1x640xf32, #tpu.memory_space<vmem>> -> memref<640xf32, #tpu.memory_space<vmem>>
    %dma_wait3A_278 = tpu.memref_slice %arg4[%dma_wait3A_273, %mul3A_0] : memref<16x10240xf32, #tpu.memory_space<vmem_shared>> -> memref<1x640xf32, #tpu.memory_space<vmem_shared>>
    %dma_wait3A_279 = tpu.memref_squeeze %dma_wait3A_278 : memref<1x640xf32, #tpu.memory_space<vmem_shared>> -> memref<640xf32, #tpu.memory_space<vmem_shared>>
    %dma_wait3A_280 = arith.constant 0 : i32
    %dma_wait3A_281 = tpu.memref_slice %arg7[%dma_wait3A_274, %dma_wait3A_280] : memref<16x640xf32, #tpu.memory_space<vmem>> -> memref<1x640xf32, #tpu.memory_space<vmem>>
    %dma_wait3A_282 = tpu.memref_squeeze %dma_wait3A_281 : memref<1x640xf32, #tpu.memory_space<vmem>> -> memref<640xf32, #tpu.memory_space<vmem>>
    %dma_wait3A_283 = tpu.memref_slice %arg4[%dma_wait3A_273, %mul3A_0] : memref<16x10240xf32, #tpu.memory_space<vmem_shared>> -> memref<1x640xf32, #tpu.memory_space<vmem_shared>>
    %dma_wait3A_284 = tpu.memref_squeeze %dma_wait3A_283 : memref<1x640xf32, #tpu.memory_space<vmem_shared>> -> memref<640xf32, #tpu.memory_space<vmem_shared>>
    tpu.wait_dma2 semaphore(%arg9 : memref<!tpu.dma_semaphore, #tpu.memory_space<semaphore_mem>>) src(%dma_wait3A_284 : memref<640xf32, #tpu.memory_space<vmem_shared>>) dst(%dma_wait3A_282 : memref<640xf32, #tpu.memory_space<vmem>>)
    %dma_wait3A_285 = arith.constant 6 : i32
    %dma_wait3A_286 = arith.constant 6 : i32
    %dma_wait3A_287 = arith.constant 0 : i32
    %dma_wait3A_288 = tpu.memref_slice %arg7[%dma_wait3A_286, %dma_wait3A_287] : memref<16x640xf32, #tpu.memory_space<vmem>> -> memref<1x640xf32, #tpu.memory_space<vmem>>
    %dma_wait3A_289 = tpu.memref_squeeze %dma_wait3A_288 : memref<1x640xf32, #tpu.memory_space<vmem>> -> memref<640xf32, #tpu.memory_space<vmem>>
    %dma_wait3A_290 = tpu.memref_slice %arg4[%dma_wait3A_285, %mul3A_0] : memref<16x10240xf32, #tpu.memory_space<vmem_shared>> -> memref<1x640xf32, #tpu.memory_space<vmem_shared>>
    %dma_wait3A_291 = tpu.memref_squeeze %dma_wait3A_290 : memref<1x640xf32, #tpu.memory_space<vmem_shared>> -> memref<640xf32, #tpu.memory_space<vmem_shared>>
    %dma_wait3A_292 = arith.constant 0 : i32
    %dma_wait3A_293 = tpu.memref_slice %arg7[%dma_wait3A_286, %dma_wait3A_292] : memref<16x640xf32, #tpu.memory_space<vmem>> -> memref<1x640xf32, #tpu.memory_space<vmem>>
    %dma_wait3A_294 = tpu.memref_squeeze %dma_wait3A_293 : memref<1x640xf32, #tpu.memory_space<vmem>> -> memref<640xf32, #tpu.memory_space<vmem>>
    %dma_wait3A_295 = tpu.memref_slice %arg4[%dma_wait3A_285, %mul3A_0] : memref<16x10240xf32, #tpu.memory_space<vmem_shared>> -> memref<1x640xf32, #tpu.memory_space<vmem_shared>>
    %dma_wait3A_296 = tpu.memref_squeeze %dma_wait3A_295 : memref<1x640xf32, #tpu.memory_space<vmem_shared>> -> memref<640xf32, #tpu.memory_space<vmem_shared>>
    tpu.wait_dma2 semaphore(%arg9 : memref<!tpu.dma_semaphore, #tpu.memory_space<semaphore_mem>>) src(%dma_wait3A_296 : memref<640xf32, #tpu.memory_space<vmem_shared>>) dst(%dma_wait3A_294 : memref<640xf32, #tpu.memory_space<vmem>>)
    %dma_wait3A_297 = arith.constant 7 : i32
    %dma_wait3A_298 = arith.constant 7 : i32
    %dma_wait3A_299 = arith.constant 0 : i32
    %dma_wait3A_300 = tpu.memref_slice %arg7[%dma_wait3A_298, %dma_wait3A_299] : memref<16x640xf32, #tpu.memory_space<vmem>> -> memref<1x640xf32, #tpu.memory_space<vmem>>
    %dma_wait3A_301 = tpu.memref_squeeze %dma_wait3A_300 : memref<1x640xf32, #tpu.memory_space<vmem>> -> memref<640xf32, #tpu.memory_space<vmem>>
    %dma_wait3A_302 = tpu.memref_slice %arg4[%dma_wait3A_297, %mul3A_0] : memref<16x10240xf32, #tpu.memory_space<vmem_shared>> -> memref<1x640xf32, #tpu.memory_space<vmem_shared>>
    %dma_wait3A_303 = tpu.memref_squeeze %dma_wait3A_302 : memref<1x640xf32, #tpu.memory_space<vmem_shared>> -> memref<640xf32, #tpu.memory_space<vmem_shared>>
    %dma_wait3A_304 = arith.constant 0 : i32
    %dma_wait3A_305 = tpu.memref_slice %arg7[%dma_wait3A_298, %dma_wait3A_304] : memref<16x640xf32, #tpu.memory_space<vmem>> -> memref<1x640xf32, #tpu.memory_space<vmem>>
    %dma_wait3A_306 = tpu.memref_squeeze %dma_wait3A_305 : memref<1x640xf32, #tpu.memory_space<vmem>> -> memref<640xf32, #tpu.memory_space<vmem>>
    %dma_wait3A_307 = tpu.memref_slice %arg4[%dma_wait3A_297, %mul3A_0] : memref<16x10240xf32, #tpu.memory_space<vmem_shared>> -> memref<1x640xf32, #tpu.memory_space<vmem_shared>>
    %dma_wait3A_308 = tpu.memref_squeeze %dma_wait3A_307 : memref<1x640xf32, #tpu.memory_space<vmem_shared>> -> memref<640xf32, #tpu.memory_space<vmem_shared>>
    tpu.wait_dma2 semaphore(%arg9 : memref<!tpu.dma_semaphore, #tpu.memory_space<semaphore_mem>>) src(%dma_wait3A_308 : memref<640xf32, #tpu.memory_space<vmem_shared>>) dst(%dma_wait3A_306 : memref<640xf32, #tpu.memory_space<vmem>>)
    %dma_wait3A_309 = arith.constant 8 : i32
    %dma_wait3A_310 = arith.constant 8 : i32
    %dma_wait3A_311 = arith.constant 0 : i32
    %dma_wait3A_312 = tpu.memref_slice %arg7[%dma_wait3A_310, %dma_wait3A_311] : memref<16x640xf32, #tpu.memory_space<vmem>> -> memref<1x640xf32, #tpu.memory_space<vmem>>
    %dma_wait3A_313 = tpu.memref_squeeze %dma_wait3A_312 : memref<1x640xf32, #tpu.memory_space<vmem>> -> memref<640xf32, #tpu.memory_space<vmem>>
    %dma_wait3A_314 = tpu.memref_slice %arg4[%dma_wait3A_309, %mul3A_0] : memref<16x10240xf32, #tpu.memory_space<vmem_shared>> -> memref<1x640xf32, #tpu.memory_space<vmem_shared>>
    %dma_wait3A_315 = tpu.memref_squeeze %dma_wait3A_314 : memref<1x640xf32, #tpu.memory_space<vmem_shared>> -> memref<640xf32, #tpu.memory_space<vmem_shared>>
    %dma_wait3A_316 = arith.constant 0 : i32
    %dma_wait3A_317 = tpu.memref_slice %arg7[%dma_wait3A_310, %dma_wait3A_316] : memref<16x640xf32, #tpu.memory_space<vmem>> -> memref<1x640xf32, #tpu.memory_space<vmem>>
    %dma_wait3A_318 = tpu.memref_squeeze %dma_wait3A_317 : memref<1x640xf32, #tpu.memory_space<vmem>> -> memref<640xf32, #tpu.memory_space<vmem>>
    %dma_wait3A_319 = tpu.memref_slice %arg4[%dma_wait3A_309, %mul3A_0] : memref<16x10240xf32, #tpu.memory_space<vmem_shared>> -> memref<1x640xf32, #tpu.memory_space<vmem_shared>>
    %dma_wait3A_320 = tpu.memref_squeeze %dma_wait3A_319 : memref<1x640xf32, #tpu.memory_space<vmem_shared>> -> memref<640xf32, #tpu.memory_space<vmem_shared>>
    tpu.wait_dma2 semaphore(%arg9 : memref<!tpu.dma_semaphore, #tpu.memory_space<semaphore_mem>>) src(%dma_wait3A_320 : memref<640xf32, #tpu.memory_space<vmem_shared>>) dst(%dma_wait3A_318 : memref<640xf32, #tpu.memory_space<vmem>>)
    %dma_wait3A_321 = arith.constant 9 : i32
    %dma_wait3A_322 = arith.constant 9 : i32
    %dma_wait3A_323 = arith.constant 0 : i32
    %dma_wait3A_324 = tpu.memref_slice %arg7[%dma_wait3A_322, %dma_wait3A_323] : memref<16x640xf32, #tpu.memory_space<vmem>> -> memref<1x640xf32, #tpu.memory_space<vmem>>
    %dma_wait3A_325 = tpu.memref_squeeze %dma_wait3A_324 : memref<1x640xf32, #tpu.memory_space<vmem>> -> memref<640xf32, #tpu.memory_space<vmem>>
    %dma_wait3A_326 = tpu.memref_slice %arg4[%dma_wait3A_321, %mul3A_0] : memref<16x10240xf32, #tpu.memory_space<vmem_shared>> -> memref<1x640xf32, #tpu.memory_space<vmem_shared>>
    %dma_wait3A_327 = tpu.memref_squeeze %dma_wait3A_326 : memref<1x640xf32, #tpu.memory_space<vmem_shared>> -> memref<640xf32, #tpu.memory_space<vmem_shared>>
    %dma_wait3A_328 = arith.constant 0 : i32
    %dma_wait3A_329 = tpu.memref_slice %arg7[%dma_wait3A_322, %dma_wait3A_328] : memref<16x640xf32, #tpu.memory_space<vmem>> -> memref<1x640xf32, #tpu.memory_space<vmem>>
    %dma_wait3A_330 = tpu.memref_squeeze %dma_wait3A_329 : memref<1x640xf32, #tpu.memory_space<vmem>> -> memref<640xf32, #tpu.memory_space<vmem>>
    %dma_wait3A_331 = tpu.memref_slice %arg4[%dma_wait3A_321, %mul3A_0] : memref<16x10240xf32, #tpu.memory_space<vmem_shared>> -> memref<1x640xf32, #tpu.memory_space<vmem_shared>>
    %dma_wait3A_332 = tpu.memref_squeeze %dma_wait3A_331 : memref<1x640xf32, #tpu.memory_space<vmem_shared>> -> memref<640xf32, #tpu.memory_space<vmem_shared>>
    tpu.wait_dma2 semaphore(%arg9 : memref<!tpu.dma_semaphore, #tpu.memory_space<semaphore_mem>>) src(%dma_wait3A_332 : memref<640xf32, #tpu.memory_space<vmem_shared>>) dst(%dma_wait3A_330 : memref<640xf32, #tpu.memory_space<vmem>>)
    %dma_wait3A_333 = arith.constant 10 : i32
    %dma_wait3A_334 = arith.constant 10 : i32
    %dma_wait3A_335 = arith.constant 0 : i32
    %dma_wait3A_336 = tpu.memref_slice %arg7[%dma_wait3A_334, %dma_wait3A_335] : memref<16x640xf32, #tpu.memory_space<vmem>> -> memref<1x640xf32, #tpu.memory_space<vmem>>
    %dma_wait3A_337 = tpu.memref_squeeze %dma_wait3A_336 : memref<1x640xf32, #tpu.memory_space<vmem>> -> memref<640xf32, #tpu.memory_space<vmem>>
    %dma_wait3A_338 = tpu.memref_slice %arg4[%dma_wait3A_333, %mul3A_0] : memref<16x10240xf32, #tpu.memory_space<vmem_shared>> -> memref<1x640xf32, #tpu.memory_space<vmem_shared>>
    %dma_wait3A_339 = tpu.memref_squeeze %dma_wait3A_338 : memref<1x640xf32, #tpu.memory_space<vmem_shared>> -> memref<640xf32, #tpu.memory_space<vmem_shared>>
    %dma_wait3A_340 = arith.constant 0 : i32
    %dma_wait3A_341 = tpu.memref_slice %arg7[%dma_wait3A_334, %dma_wait3A_340] : memref<16x640xf32, #tpu.memory_space<vmem>> -> memref<1x640xf32, #tpu.memory_space<vmem>>
    %dma_wait3A_342 = tpu.memref_squeeze %dma_wait3A_341 : memref<1x640xf32, #tpu.memory_space<vmem>> -> memref<640xf32, #tpu.memory_space<vmem>>
    %dma_wait3A_343 = tpu.memref_slice %arg4[%dma_wait3A_333, %mul3A_0] : memref<16x10240xf32, #tpu.memory_space<vmem_shared>> -> memref<1x640xf32, #tpu.memory_space<vmem_shared>>
    %dma_wait3A_344 = tpu.memref_squeeze %dma_wait3A_343 : memref<1x640xf32, #tpu.memory_space<vmem_shared>> -> memref<640xf32, #tpu.memory_space<vmem_shared>>
    tpu.wait_dma2 semaphore(%arg9 : memref<!tpu.dma_semaphore, #tpu.memory_space<semaphore_mem>>) src(%dma_wait3A_344 : memref<640xf32, #tpu.memory_space<vmem_shared>>) dst(%dma_wait3A_342 : memref<640xf32, #tpu.memory_space<vmem>>)
    %dma_wait3A_345 = arith.constant 11 : i32
    %dma_wait3A_346 = arith.constant 11 : i32
    %dma_wait3A_347 = arith.constant 0 : i32
    %dma_wait3A_348 = tpu.memref_slice %arg7[%dma_wait3A_346, %dma_wait3A_347] : memref<16x640xf32, #tpu.memory_space<vmem>> -> memref<1x640xf32, #tpu.memory_space<vmem>>
    %dma_wait3A_349 = tpu.memref_squeeze %dma_wait3A_348 : memref<1x640xf32, #tpu.memory_space<vmem>> -> memref<640xf32, #tpu.memory_space<vmem>>
    %dma_wait3A_350 = tpu.memref_slice %arg4[%dma_wait3A_345, %mul3A_0] : memref<16x10240xf32, #tpu.memory_space<vmem_shared>> -> memref<1x640xf32, #tpu.memory_space<vmem_shared>>
    %dma_wait3A_351 = tpu.memref_squeeze %dma_wait3A_350 : memref<1x640xf32, #tpu.memory_space<vmem_shared>> -> memref<640xf32, #tpu.memory_space<vmem_shared>>
    %dma_wait3A_352 = arith.constant 0 : i32
    %dma_wait3A_353 = tpu.memref_slice %arg7[%dma_wait3A_346, %dma_wait3A_352] : memref<16x640xf32, #tpu.memory_space<vmem>> -> memref<1x640xf32, #tpu.memory_space<vmem>>
    %dma_wait3A_354 = tpu.memref_squeeze %dma_wait3A_353 : memref<1x640xf32, #tpu.memory_space<vmem>> -> memref<640xf32, #tpu.memory_space<vmem>>
    %dma_wait3A_355 = tpu.memref_slice %arg4[%dma_wait3A_345, %mul3A_0] : memref<16x10240xf32, #tpu.memory_space<vmem_shared>> -> memref<1x640xf32, #tpu.memory_space<vmem_shared>>
    %dma_wait3A_356 = tpu.memref_squeeze %dma_wait3A_355 : memref<1x640xf32, #tpu.memory_space<vmem_shared>> -> memref<640xf32, #tpu.memory_space<vmem_shared>>
    tpu.wait_dma2 semaphore(%arg9 : memref<!tpu.dma_semaphore, #tpu.memory_space<semaphore_mem>>) src(%dma_wait3A_356 : memref<640xf32, #tpu.memory_space<vmem_shared>>) dst(%dma_wait3A_354 : memref<640xf32, #tpu.memory_space<vmem>>)
    %dma_wait3A_357 = arith.constant 12 : i32
    %dma_wait3A_358 = arith.constant 12 : i32
    %dma_wait3A_359 = arith.constant 0 : i32
    %dma_wait3A_360 = tpu.memref_slice %arg7[%dma_wait3A_358, %dma_wait3A_359] : memref<16x640xf32, #tpu.memory_space<vmem>> -> memref<1x640xf32, #tpu.memory_space<vmem>>
    %dma_wait3A_361 = tpu.memref_squeeze %dma_wait3A_360 : memref<1x640xf32, #tpu.memory_space<vmem>> -> memref<640xf32, #tpu.memory_space<vmem>>
    %dma_wait3A_362 = tpu.memref_slice %arg4[%dma_wait3A_357, %mul3A_0] : memref<16x10240xf32, #tpu.memory_space<vmem_shared>> -> memref<1x640xf32, #tpu.memory_space<vmem_shared>>
    %dma_wait3A_363 = tpu.memref_squeeze %dma_wait3A_362 : memref<1x640xf32, #tpu.memory_space<vmem_shared>> -> memref<640xf32, #tpu.memory_space<vmem_shared>>
    %dma_wait3A_364 = arith.constant 0 : i32
    %dma_wait3A_365 = tpu.memref_slice %arg7[%dma_wait3A_358, %dma_wait3A_364] : memref<16x640xf32, #tpu.memory_space<vmem>> -> memref<1x640xf32, #tpu.memory_space<vmem>>
    %dma_wait3A_366 = tpu.memref_squeeze %dma_wait3A_365 : memref<1x640xf32, #tpu.memory_space<vmem>> -> memref<640xf32, #tpu.memory_space<vmem>>
    %dma_wait3A_367 = tpu.memref_slice %arg4[%dma_wait3A_357, %mul3A_0] : memref<16x10240xf32, #tpu.memory_space<vmem_shared>> -> memref<1x640xf32, #tpu.memory_space<vmem_shared>>
    %dma_wait3A_368 = tpu.memref_squeeze %dma_wait3A_367 : memref<1x640xf32, #tpu.memory_space<vmem_shared>> -> memref<640xf32, #tpu.memory_space<vmem_shared>>
    tpu.wait_dma2 semaphore(%arg9 : memref<!tpu.dma_semaphore, #tpu.memory_space<semaphore_mem>>) src(%dma_wait3A_368 : memref<640xf32, #tpu.memory_space<vmem_shared>>) dst(%dma_wait3A_366 : memref<640xf32, #tpu.memory_space<vmem>>)
    %dma_wait3A_369 = arith.constant 13 : i32
    %dma_wait3A_370 = arith.constant 13 : i32
    %dma_wait3A_371 = arith.constant 0 : i32
    %dma_wait3A_372 = tpu.memref_slice %arg7[%dma_wait3A_370, %dma_wait3A_371] : memref<16x640xf32, #tpu.memory_space<vmem>> -> memref<1x640xf32, #tpu.memory_space<vmem>>
    %dma_wait3A_373 = tpu.memref_squeeze %dma_wait3A_372 : memref<1x640xf32, #tpu.memory_space<vmem>> -> memref<640xf32, #tpu.memory_space<vmem>>
    %dma_wait3A_374 = tpu.memref_slice %arg4[%dma_wait3A_369, %mul3A_0] : memref<16x10240xf32, #tpu.memory_space<vmem_shared>> -> memref<1x640xf32, #tpu.memory_space<vmem_shared>>
    %dma_wait3A_375 = tpu.memref_squeeze %dma_wait3A_374 : memref<1x640xf32, #tpu.memory_space<vmem_shared>> -> memref<640xf32, #tpu.memory_space<vmem_shared>>
    %dma_wait3A_376 = arith.constant 0 : i32
    %dma_wait3A_377 = tpu.memref_slice %arg7[%dma_wait3A_370, %dma_wait3A_376] : memref<16x640xf32, #tpu.memory_space<vmem>> -> memref<1x640xf32, #tpu.memory_space<vmem>>
    %dma_wait3A_378 = tpu.memref_squeeze %dma_wait3A_377 : memref<1x640xf32, #tpu.memory_space<vmem>> -> memref<640xf32, #tpu.memory_space<vmem>>
    %dma_wait3A_379 = tpu.memref_slice %arg4[%dma_wait3A_369, %mul3A_0] : memref<16x10240xf32, #tpu.memory_space<vmem_shared>> -> memref<1x640xf32, #tpu.memory_space<vmem_shared>>
    %dma_wait3A_380 = tpu.memref_squeeze %dma_wait3A_379 : memref<1x640xf32, #tpu.memory_space<vmem_shared>> -> memref<640xf32, #tpu.memory_space<vmem_shared>>
    tpu.wait_dma2 semaphore(%arg9 : memref<!tpu.dma_semaphore, #tpu.memory_space<semaphore_mem>>) src(%dma_wait3A_380 : memref<640xf32, #tpu.memory_space<vmem_shared>>) dst(%dma_wait3A_378 : memref<640xf32, #tpu.memory_space<vmem>>)
    %dma_wait3A_381 = arith.constant 14 : i32
    %dma_wait3A_382 = arith.constant 14 : i32
    %dma_wait3A_383 = arith.constant 0 : i32
    %dma_wait3A_384 = tpu.memref_slice %arg7[%dma_wait3A_382, %dma_wait3A_383] : memref<16x640xf32, #tpu.memory_space<vmem>> -> memref<1x640xf32, #tpu.memory_space<vmem>>
    %dma_wait3A_385 = tpu.memref_squeeze %dma_wait3A_384 : memref<1x640xf32, #tpu.memory_space<vmem>> -> memref<640xf32, #tpu.memory_space<vmem>>
    %dma_wait3A_386 = tpu.memref_slice %arg4[%dma_wait3A_381, %mul3A_0] : memref<16x10240xf32, #tpu.memory_space<vmem_shared>> -> memref<1x640xf32, #tpu.memory_space<vmem_shared>>
    %dma_wait3A_387 = tpu.memref_squeeze %dma_wait3A_386 : memref<1x640xf32, #tpu.memory_space<vmem_shared>> -> memref<640xf32, #tpu.memory_space<vmem_shared>>
    %dma_wait3A_388 = arith.constant 0 : i32
    %dma_wait3A_389 = tpu.memref_slice %arg7[%dma_wait3A_382, %dma_wait3A_388] : memref<16x640xf32, #tpu.memory_space<vmem>> -> memref<1x640xf32, #tpu.memory_space<vmem>>
    %dma_wait3A_390 = tpu.memref_squeeze %dma_wait3A_389 : memref<1x640xf32, #tpu.memory_space<vmem>> -> memref<640xf32, #tpu.memory_space<vmem>>
    %dma_wait3A_391 = tpu.memref_slice %arg4[%dma_wait3A_381, %mul3A_0] : memref<16x10240xf32, #tpu.memory_space<vmem_shared>> -> memref<1x640xf32, #tpu.memory_space<vmem_shared>>
    %dma_wait3A_392 = tpu.memref_squeeze %dma_wait3A_391 : memref<1x640xf32, #tpu.memory_space<vmem_shared>> -> memref<640xf32, #tpu.memory_space<vmem_shared>>
    tpu.wait_dma2 semaphore(%arg9 : memref<!tpu.dma_semaphore, #tpu.memory_space<semaphore_mem>>) src(%dma_wait3A_392 : memref<640xf32, #tpu.memory_space<vmem_shared>>) dst(%dma_wait3A_390 : memref<640xf32, #tpu.memory_space<vmem>>)
    %dma_wait3A_393 = arith.constant 15 : i32
    %dma_wait3A_394 = arith.constant 15 : i32
    %dma_wait3A_395 = arith.constant 0 : i32
    %dma_wait3A_396 = tpu.memref_slice %arg7[%dma_wait3A_394, %dma_wait3A_395] : memref<16x640xf32, #tpu.memory_space<vmem>> -> memref<1x640xf32, #tpu.memory_space<vmem>>
    %dma_wait3A_397 = tpu.memref_squeeze %dma_wait3A_396 : memref<1x640xf32, #tpu.memory_space<vmem>> -> memref<640xf32, #tpu.memory_space<vmem>>
    %dma_wait3A_398 = tpu.memref_slice %arg4[%dma_wait3A_393, %mul3A_0] : memref<16x10240xf32, #tpu.memory_space<vmem_shared>> -> memref<1x640xf32, #tpu.memory_space<vmem_shared>>
    %dma_wait3A_399 = tpu.memref_squeeze %dma_wait3A_398 : memref<1x640xf32, #tpu.memory_space<vmem_shared>> -> memref<640xf32, #tpu.memory_space<vmem_shared>>
    %dma_wait3A_400 = arith.constant 0 : i32
    %dma_wait3A_401 = tpu.memref_slice %arg7[%dma_wait3A_394, %dma_wait3A_400] : memref<16x640xf32, #tpu.memory_space<vmem>> -> memref<1x640xf32, #tpu.memory_space<vmem>>
    %dma_wait3A_402 = tpu.memref_squeeze %dma_wait3A_401 : memref<1x640xf32, #tpu.memory_space<vmem>> -> memref<640xf32, #tpu.memory_space<vmem>>
    %dma_wait3A_403 = tpu.memref_slice %arg4[%dma_wait3A_393, %mul3A_0] : memref<16x10240xf32, #tpu.memory_space<vmem_shared>> -> memref<1x640xf32, #tpu.memory_space<vmem_shared>>
    %dma_wait3A_404 = tpu.memref_squeeze %dma_wait3A_403 : memref<1x640xf32, #tpu.memory_space<vmem_shared>> -> memref<640xf32, #tpu.memory_space<vmem_shared>>
    tpu.wait_dma2 semaphore(%arg9 : memref<!tpu.dma_semaphore, #tpu.memory_space<semaphore_mem>>) src(%dma_wait3A_404 : memref<640xf32, #tpu.memory_space<vmem_shared>>) dst(%dma_wait3A_402 : memref<640xf32, #tpu.memory_space<vmem>>)
    %scan3A_405 = arith.constant 0 : i32
    %scan3A_406 = arith.constant 0 : i32
    %scan3A_407 = arith.constant 40 : i32
    %scan3A_408 = arith.addi %scan3A_406, %scan3A_407 : i32
    %scan3A_409 = arith.constant 1 : i32
    scf.for %scan3A_418 = %scan3A_406 to %scan3A_408 step %scan3A_409  : i32 {
      %mul3A_419 = arith.constant 16 : i32
      %mul3A_420 = arith.muli %mul3A_419, %scan3A_418 : i32
      %get3A = arith.constant 0 : i32
      %get3A_421 = arith.index_cast %get3A : i32 to index
      %get3A_422 = arith.index_cast %mul3A_420 : i32 to index
      %get3A_423 = tpu.vector_load %arg7[%get3A_421, %get3A_422] {strides = array<i32>} : memref<16x640xf32, #tpu.memory_space<vmem>>, vector<16xf32>,
      %get3A_424 = arith.constant 1 : i32
      %get3A_425 = arith.index_cast %get3A_424 : i32 to index
      %get3A_426 = arith.index_cast %mul3A_420 : i32 to index
      %get3A_427 = tpu.vector_load %arg7[%get3A_425, %get3A_426] {strides = array<i32>} : memref<16x640xf32, #tpu.memory_space<vmem>>, vector<16xf32>,
      %add3A = arith.addf %get3A_423, %get3A_427 : vector<16xf32>
      %get3A_428 = arith.constant 2 : i32
      %get3A_429 = arith.index_cast %get3A_428 : i32 to index
      %get3A_430 = arith.index_cast %mul3A_420 : i32 to index
      %get3A_431 = tpu.vector_load %arg7[%get3A_429, %get3A_430] {strides = array<i32>} : memref<16x640xf32, #tpu.memory_space<vmem>>, vector<16xf32>,
      %add3A_432 = arith.addf %add3A, %get3A_431 : vector<16xf32>
      %get3A_433 = arith.constant 3 : i32
      %get3A_434 = arith.index_cast %get3A_433 : i32 to index
      %get3A_435 = arith.index_cast %mul3A_420 : i32 to index
      %get3A_436 = tpu.vector_load %arg7[%get3A_434, %get3A_435] {strides = array<i32>} : memref<16x640xf32, #tpu.memory_space<vmem>>, vector<16xf32>,
      %add3A_437 = arith.addf %add3A_432, %get3A_436 : vector<16xf32>
      %get3A_438 = arith.constant 4 : i32
      %get3A_439 = arith.index_cast %get3A_438 : i32 to index
      %get3A_440 = arith.index_cast %mul3A_420 : i32 to index
      %get3A_441 = tpu.vector_load %arg7[%get3A_439, %get3A_440] {strides = array<i32>} : memref<16x640xf32, #tpu.memory_space<vmem>>, vector<16xf32>,
      %add3A_442 = arith.addf %add3A_437, %get3A_441 : vector<16xf32>
      %get3A_443 = arith.constant 5 : i32
      %get3A_444 = arith.index_cast %get3A_443 : i32 to index
      %get3A_445 = arith.index_cast %mul3A_420 : i32 to index
      %get3A_446 = tpu.vector_load %arg7[%get3A_444, %get3A_445] {strides = array<i32>} : memref<16x640xf32, #tpu.memory_space<vmem>>, vector<16xf32>,
      %add3A_447 = arith.addf %add3A_442, %get3A_446 : vector<16xf32>
      %get3A_448 = arith.constant 6 : i32
      %get3A_449 = arith.index_cast %get3A_448 : i32 to index
      %get3A_450 = arith.index_cast %mul3A_420 : i32 to index
      %get3A_451 = tpu.vector_load %arg7[%get3A_449, %get3A_450] {strides = array<i32>} : memref<16x640xf32, #tpu.memory_space<vmem>>, vector<16xf32>,
      %add3A_452 = arith.addf %add3A_447, %get3A_451 : vector<16xf32>
      %get3A_453 = arith.constant 7 : i32
      %get3A_454 = arith.index_cast %get3A_453 : i32 to index
      %get3A_455 = arith.index_cast %mul3A_420 : i32 to index
      %get3A_456 = tpu.vector_load %arg7[%get3A_454, %get3A_455] {strides = array<i32>} : memref<16x640xf32, #tpu.memory_space<vmem>>, vector<16xf32>,
      %add3A_457 = arith.addf %add3A_452, %get3A_456 : vector<16xf32>
      %get3A_458 = arith.constant 8 : i32
      %get3A_459 = arith.index_cast %get3A_458 : i32 to index
      %get3A_460 = arith.index_cast %mul3A_420 : i32 to index
      %get3A_461 = tpu.vector_load %arg7[%get3A_459, %get3A_460] {strides = array<i32>} : memref<16x640xf32, #tpu.memory_space<vmem>>, vector<16xf32>,
      %add3A_462 = arith.addf %add3A_457, %get3A_461 : vector<16xf32>
      %get3A_463 = arith.constant 9 : i32
      %get3A_464 = arith.index_cast %get3A_463 : i32 to index
      %get3A_465 = arith.index_cast %mul3A_420 : i32 to index
      %get3A_466 = tpu.vector_load %arg7[%get3A_464, %get3A_465] {strides = array<i32>} : memref<16x640xf32, #tpu.memory_space<vmem>>, vector<16xf32>,
      %add3A_467 = arith.addf %add3A_462, %get3A_466 : vector<16xf32>
      %get3A_468 = arith.constant 10 : i32
      %get3A_469 = arith.index_cast %get3A_468 : i32 to index
      %get3A_470 = arith.index_cast %mul3A_420 : i32 to index
      %get3A_471 = tpu.vector_load %arg7[%get3A_469, %get3A_470] {strides = array<i32>} : memref<16x640xf32, #tpu.memory_space<vmem>>, vector<16xf32>,
      %add3A_472 = arith.addf %add3A_467, %get3A_471 : vector<16xf32>
      %get3A_473 = arith.constant 11 : i32
      %get3A_474 = arith.index_cast %get3A_473 : i32 to index
      %get3A_475 = arith.index_cast %mul3A_420 : i32 to index
      %get3A_476 = tpu.vector_load %arg7[%get3A_474, %get3A_475] {strides = array<i32>} : memref<16x640xf32, #tpu.memory_space<vmem>>, vector<16xf32>,
      %add3A_477 = arith.addf %add3A_472, %get3A_476 : vector<16xf32>
      %get3A_478 = arith.constant 12 : i32
      %get3A_479 = arith.index_cast %get3A_478 : i32 to index
      %get3A_480 = arith.index_cast %mul3A_420 : i32 to index
      %get3A_481 = tpu.vector_load %arg7[%get3A_479, %get3A_480] {strides = array<i32>} : memref<16x640xf32, #tpu.memory_space<vmem>>, vector<16xf32>,
      %add3A_482 = arith.addf %add3A_477, %get3A_481 : vector<16xf32>
      %get3A_483 = arith.constant 13 : i32
      %get3A_484 = arith.index_cast %get3A_483 : i32 to index
      %get3A_485 = arith.index_cast %mul3A_420 : i32 to index
      %get3A_486 = tpu.vector_load %arg7[%get3A_484, %get3A_485] {strides = array<i32>} : memref<16x640xf32, #tpu.memory_space<vmem>>, vector<16xf32>,
      %add3A_487 = arith.addf %add3A_482, %get3A_486 : vector<16xf32>
      %get3A_488 = arith.constant 14 : i32
      %get3A_489 = arith.index_cast %get3A_488 : i32 to index
      %get3A_490 = arith.index_cast %mul3A_420 : i32 to index
      %get3A_491 = tpu.vector_load %arg7[%get3A_489, %get3A_490] {strides = array<i32>} : memref<16x640xf32, #tpu.memory_space<vmem>>, vector<16xf32>,
      %add3A_492 = arith.addf %add3A_487, %get3A_491 : vector<16xf32>
      %get3A_493 = arith.constant 15 : i32
      %get3A_494 = arith.index_cast %get3A_493 : i32 to index
      %get3A_495 = arith.index_cast %mul3A_420 : i32 to index
      %get3A_496 = tpu.vector_load %arg7[%get3A_494, %get3A_495] {strides = array<i32>} : memref<16x640xf32, #tpu.memory_space<vmem>>, vector<16xf32>,
      %add3A_497 = arith.addf %add3A_492, %get3A_496 : vector<16xf32>
      %add3A_498 = arith.constant 1.000000e+00 : f32
      %add3A_499 = vector.broadcast %add3A_498 : f32 to vector<16xf32>
      %add3A_500 = arith.addf %add3A_497, %add3A_499 : vector<16xf32>
      %bitcast3A = vector.bitcast %add3A_500 : vector<16xf32> to vector<16xi32>
      %shift_right_logical3A = arith.constant 1 : i32
      %shift_right_logical3A_501 = vector.broadcast %shift_right_logical3A : i32 to vector<16xi32>
      %shift_right_logical3A_502 = arith.shrui %bitcast3A, %shift_right_logical3A_501 : vector<16xi32>
      %sub3A = arith.constant 1597463007 : i32
      %sub3A_503 = vector.broadcast %sub3A : i32 to vector<16xi32>
      %sub3A_504 = arith.subi %sub3A_503, %shift_right_logical3A_502 : vector<16xi32>
      %bitcast3A_505 = vector.bitcast %sub3A_504 : vector<16xi32> to vector<16xf32>
      %mul3A_506 = arith.constant 5.000000e-01 : f32
      %mul3A_507 = vector.broadcast %mul3A_506 : f32 to vector<16xf32>
      %mul3A_508 = arith.mulf %mul3A_507, %add3A_500 : vector<16xf32>
      %mul3A_509 = arith.mulf %mul3A_508, %bitcast3A_505 : vector<16xf32>
      %mul3A_510 = arith.mulf %mul3A_509, %bitcast3A_505 : vector<16xf32>
      %sub3A_511 = arith.constant 1.500000e+00 : f32
      %sub3A_512 = vector.broadcast %sub3A_511 : f32 to vector<16xf32>
      %sub3A_513 = arith.subf %sub3A_512, %mul3A_510 : vector<16xf32>
      %mul3A_514 = arith.mulf %bitcast3A_505, %sub3A_513 : vector<16xf32>
      %mul3A_515 = arith.constant 5.000000e-01 : f32
      %mul3A_516 = vector.broadcast %mul3A_515 : f32 to vector<16xf32>
      %mul3A_517 = arith.mulf %mul3A_516, %add3A_500 : vector<16xf32>
      %mul3A_518 = arith.mulf %mul3A_517, %mul3A_514 : vector<16xf32>
      %mul3A_519 = arith.mulf %mul3A_518, %mul3A_514 : vector<16xf32>
      %sub3A_520 = arith.constant 1.500000e+00 : f32
      %sub3A_521 = vector.broadcast %sub3A_520 : f32 to vector<16xf32>
      %sub3A_522 = arith.subf %sub3A_521, %mul3A_519 : vector<16xf32>
      %mul3A_523 = arith.mulf %mul3A_514, %sub3A_522 : vector<16xf32>
      %mul3A_524 = arith.constant 5.000000e-01 : f32
      %mul3A_525 = vector.broadcast %mul3A_524 : f32 to vector<16xf32>
      %mul3A_526 = arith.mulf %mul3A_525, %add3A_500 : vector<16xf32>
      %mul3A_527 = arith.mulf %mul3A_526, %mul3A_523 : vector<16xf32>
      %mul3A_528 = arith.mulf %mul3A_527, %mul3A_523 : vector<16xf32>
      %sub3A_529 = arith.constant 1.500000e+00 : f32
      %sub3A_530 = vector.broadcast %sub3A_529 : f32 to vector<16xf32>
      %sub3A_531 = arith.subf %sub3A_530, %mul3A_528 : vector<16xf32>
      %mul3A_532 = arith.mulf %mul3A_523, %sub3A_531 : vector<16xf32>
      %slice3A = vector.extract_strided_slice %mul3A_532 {offsets = [0], sizes = [1], strides = [1]} : vector<16xf32> to vector<1xf32>
      %squeeze3A = vector.extract %slice3A[0] : f32 from vector<1xf32>
      %broadcast_in_dim3A_533 = vector.broadcast %squeeze3A : f32 to vector<16xf32>
      %add3A_534 = arith.constant 0 : i32
      %add3A_535 = arith.addi %mul3A_420, %add3A_534 : i32
      %swap3A = arith.index_cast %add3A_535 : i32 to index
      %swap3A_536 = arith.constant 0 : index
      %swap3A_537 = tpu.vector_load %arg8[%swap3A, %swap3A_536] {strides = array<i32>} : memref<640x64xf32, #tpu.memory_space<vmem>>, vector<16xf32>,
      tpu.vector_store %arg8[%swap3A, %swap3A_536], %broadcast_in_dim3A_533 {strides = array<i32>} : memref<640x64xf32, #tpu.memory_space<vmem>>, vector<16xf32>,
      %add3A_538 = arith.constant 0 : i32
      %add3A_539 = arith.addi %mul3A_420, %add3A_538 : i32
      %swap3A_540 = arith.index_cast %add3A_539 : i32 to index
      %swap3A_541 = arith.constant 16 : index
      %swap3A_542 = tpu.vector_load %arg8[%swap3A_540, %swap3A_541] {strides = array<i32>} : memref<640x64xf32, #tpu.memory_space<vmem>>, vector<16xf32>,
      tpu.vector_store %arg8[%swap3A_540, %swap3A_541], %broadcast_in_dim3A_533 {strides = array<i32>} : memref<640x64xf32, #tpu.memory_space<vmem>>, vector<16xf32>,
      %add3A_543 = arith.constant 0 : i32
      %add3A_544 = arith.addi %mul3A_420, %add3A_543 : i32
      %swap3A_545 = arith.index_cast %add3A_544 : i32 to index
      %swap3A_546 = arith.constant 32 : index
      %swap3A_547 = tpu.vector_load %arg8[%swap3A_545, %swap3A_546] {strides = array<i32>} : memref<640x64xf32, #tpu.memory_space<vmem>>, vector<16xf32>,
      tpu.vector_store %arg8[%swap3A_545, %swap3A_546], %broadcast_in_dim3A_533 {strides = array<i32>} : memref<640x64xf32, #tpu.memory_space<vmem>>, vector<16xf32>,
      %add3A_548 = arith.constant 0 : i32
      %add3A_549 = arith.addi %mul3A_420, %add3A_548 : i32
      %swap3A_550 = arith.index_cast %add3A_549 : i32 to index
      %swap3A_551 = arith.constant 48 : index
      %swap3A_552 = tpu.vector_load %arg8[%swap3A_550, %swap3A_551] {strides = array<i32>} : memref<640x64xf32, #tpu.memory_space<vmem>>, vector<16xf32>,
      tpu.vector_store %arg8[%swap3A_550, %swap3A_551], %broadcast_in_dim3A_533 {strides = array<i32>} : memref<640x64xf32, #tpu.memory_space<vmem>>, vector<16xf32>,
      %slice3A_553 = vector.extract_strided_slice %mul3A_532 {offsets = [1], sizes = [1], strides = [1]} : vector<16xf32> to vector<1xf32>
      %squeeze3A_554 = vector.extract %slice3A_553[0] : f32 from vector<1xf32>
      %broadcast_in_dim3A_555 = vector.broadcast %squeeze3A_554 : f32 to vector<16xf32>
      %add3A_556 = arith.constant 1 : i32
      %add3A_557 = arith.addi %mul3A_420, %add3A_556 : i32
      %swap3A_558 = arith.index_cast %add3A_557 : i32 to index
      %swap3A_559 = arith.constant 0 : index
      %swap3A_560 = tpu.vector_load %arg8[%swap3A_558, %swap3A_559] {strides = array<i32>} : memref<640x64xf32, #tpu.memory_space<vmem>>, vector<16xf32>,
      tpu.vector_store %arg8[%swap3A_558, %swap3A_559], %broadcast_in_dim3A_555 {strides = array<i32>} : memref<640x64xf32, #tpu.memory_space<vmem>>, vector<16xf32>,
      %add3A_561 = arith.constant 1 : i32
      %add3A_562 = arith.addi %mul3A_420, %add3A_561 : i32
      %swap3A_563 = arith.index_cast %add3A_562 : i32 to index
      %swap3A_564 = arith.constant 16 : index
      %swap3A_565 = tpu.vector_load %arg8[%swap3A_563, %swap3A_564] {strides = array<i32>} : memref<640x64xf32, #tpu.memory_space<vmem>>, vector<16xf32>,
      tpu.vector_store %arg8[%swap3A_563, %swap3A_564], %broadcast_in_dim3A_555 {strides = array<i32>} : memref<640x64xf32, #tpu.memory_space<vmem>>, vector<16xf32>,
      %add3A_566 = arith.constant 1 : i32
      %add3A_567 = arith.addi %mul3A_420, %add3A_566 : i32
      %swap3A_568 = arith.index_cast %add3A_567 : i32 to index
      %swap3A_569 = arith.constant 32 : index
      %swap3A_570 = tpu.vector_load %arg8[%swap3A_568, %swap3A_569] {strides = array<i32>} : memref<640x64xf32, #tpu.memory_space<vmem>>, vector<16xf32>,
      tpu.vector_store %arg8[%swap3A_568, %swap3A_569], %broadcast_in_dim3A_555 {strides = array<i32>} : memref<640x64xf32, #tpu.memory_space<vmem>>, vector<16xf32>,
      %add3A_571 = arith.constant 1 : i32
      %add3A_572 = arith.addi %mul3A_420, %add3A_571 : i32
      %swap3A_573 = arith.index_cast %add3A_572 : i32 to index
      %swap3A_574 = arith.constant 48 : index
      %swap3A_575 = tpu.vector_load %arg8[%swap3A_573, %swap3A_574] {strides = array<i32>} : memref<640x64xf32, #tpu.memory_space<vmem>>, vector<16xf32>,
      tpu.vector_store %arg8[%swap3A_573, %swap3A_574], %broadcast_in_dim3A_555 {strides = array<i32>} : memref<640x64xf32, #tpu.memory_space<vmem>>, vector<16xf32>,
      %slice3A_576 = vector.extract_strided_slice %mul3A_532 {offsets = [2], sizes = [1], strides = [1]} : vector<16xf32> to vector<1xf32>
      %squeeze3A_577 = vector.extract %slice3A_576[0] : f32 from vector<1xf32>
      %broadcast_in_dim3A_578 = vector.broadcast %squeeze3A_577 : f32 to vector<16xf32>
      %add3A_579 = arith.constant 2 : i32
      %add3A_580 = arith.addi %mul3A_420, %add3A_579 : i32
      %swap3A_581 = arith.index_cast %add3A_580 : i32 to index
      %swap3A_582 = arith.constant 0 : index
      %swap3A_583 = tpu.vector_load %arg8[%swap3A_581, %swap3A_582] {strides = array<i32>} : memref<640x64xf32, #tpu.memory_space<vmem>>, vector<16xf32>,
      tpu.vector_store %arg8[%swap3A_581, %swap3A_582], %broadcast_in_dim3A_578 {strides = array<i32>} : memref<640x64xf32, #tpu.memory_space<vmem>>, vector<16xf32>,
      %add3A_584 = arith.constant 2 : i32
      %add3A_585 = arith.addi %mul3A_420, %add3A_584 : i32
      %swap3A_586 = arith.index_cast %add3A_585 : i32 to index
      %swap3A_587 = arith.constant 16 : index
      %swap3A_588 = tpu.vector_load %arg8[%swap3A_586, %swap3A_587] {strides = array<i32>} : memref<640x64xf32, #tpu.memory_space<vmem>>, vector<16xf32>,
      tpu.vector_store %arg8[%swap3A_586, %swap3A_587], %broadcast_in_dim3A_578 {strides = array<i32>} : memref<640x64xf32, #tpu.memory_space<vmem>>, vector<16xf32>,
      %add3A_589 = arith.constant 2 : i32
      %add3A_590 = arith.addi %mul3A_420, %add3A_589 : i32
      %swap3A_591 = arith.index_cast %add3A_590 : i32 to index
      %swap3A_592 = arith.constant 32 : index
      %swap3A_593 = tpu.vector_load %arg8[%swap3A_591, %swap3A_592] {strides = array<i32>} : memref<640x64xf32, #tpu.memory_space<vmem>>, vector<16xf32>,
      tpu.vector_store %arg8[%swap3A_591, %swap3A_592], %broadcast_in_dim3A_578 {strides = array<i32>} : memref<640x64xf32, #tpu.memory_space<vmem>>, vector<16xf32>,
      %add3A_594 = arith.constant 2 : i32
      %add3A_595 = arith.addi %mul3A_420, %add3A_594 : i32
      %swap3A_596 = arith.index_cast %add3A_595 : i32 to index
      %swap3A_597 = arith.constant 48 : index
      %swap3A_598 = tpu.vector_load %arg8[%swap3A_596, %swap3A_597] {strides = array<i32>} : memref<640x64xf32, #tpu.memory_space<vmem>>, vector<16xf32>,
      tpu.vector_store %arg8[%swap3A_596, %swap3A_597], %broadcast_in_dim3A_578 {strides = array<i32>} : memref<640x64xf32, #tpu.memory_space<vmem>>, vector<16xf32>,
      %slice3A_599 = vector.extract_strided_slice %mul3A_532 {offsets = [3], sizes = [1], strides = [1]} : vector<16xf32> to vector<1xf32>
      %squeeze3A_600 = vector.extract %slice3A_599[0] : f32 from vector<1xf32>
      %broadcast_in_dim3A_601 = vector.broadcast %squeeze3A_600 : f32 to vector<16xf32>
      %add3A_602 = arith.constant 3 : i32
      %add3A_603 = arith.addi %mul3A_420, %add3A_602 : i32
      %swap3A_604 = arith.index_cast %add3A_603 : i32 to index
      %swap3A_605 = arith.constant 0 : index
      %swap3A_606 = tpu.vector_load %arg8[%swap3A_604, %swap3A_605] {strides = array<i32>} : memref<640x64xf32, #tpu.memory_space<vmem>>, vector<16xf32>,
      tpu.vector_store %arg8[%swap3A_604, %swap3A_605], %broadcast_in_dim3A_601 {strides = array<i32>} : memref<640x64xf32, #tpu.memory_space<vmem>>, vector<16xf32>,
      %add3A_607 = arith.constant 3 : i32
      %add3A_608 = arith.addi %mul3A_420, %add3A_607 : i32
      %swap3A_609 = arith.index_cast %add3A_608 : i32 to index
      %swap3A_610 = arith.constant 16 : index
      %swap3A_611 = tpu.vector_load %arg8[%swap3A_609, %swap3A_610] {strides = array<i32>} : memref<640x64xf32, #tpu.memory_space<vmem>>, vector<16xf32>,
      tpu.vector_store %arg8[%swap3A_609, %swap3A_610], %broadcast_in_dim3A_601 {strides = array<i32>} : memref<640x64xf32, #tpu.memory_space<vmem>>, vector<16xf32>,
      %add3A_612 = arith.constant 3 : i32
      %add3A_613 = arith.addi %mul3A_420, %add3A_612 : i32
      %swap3A_614 = arith.index_cast %add3A_613 : i32 to index
      %swap3A_615 = arith.constant 32 : index
      %swap3A_616 = tpu.vector_load %arg8[%swap3A_614, %swap3A_615] {strides = array<i32>} : memref<640x64xf32, #tpu.memory_space<vmem>>, vector<16xf32>,
      tpu.vector_store %arg8[%swap3A_614, %swap3A_615], %broadcast_in_dim3A_601 {strides = array<i32>} : memref<640x64xf32, #tpu.memory_space<vmem>>, vector<16xf32>,
      %add3A_617 = arith.constant 3 : i32
      %add3A_618 = arith.addi %mul3A_420, %add3A_617 : i32
      %swap3A_619 = arith.index_cast %add3A_618 : i32 to index
      %swap3A_620 = arith.constant 48 : index
      %swap3A_621 = tpu.vector_load %arg8[%swap3A_619, %swap3A_620] {strides = array<i32>} : memref<640x64xf32, #tpu.memory_space<vmem>>, vector<16xf32>,
      tpu.vector_store %arg8[%swap3A_619, %swap3A_620], %broadcast_in_dim3A_601 {strides = array<i32>} : memref<640x64xf32, #tpu.memory_space<vmem>>, vector<16xf32>,
      %slice3A_622 = vector.extract_strided_slice %mul3A_532 {offsets = [4], sizes = [1], strides = [1]} : vector<16xf32> to vector<1xf32>
      %squeeze3A_623 = vector.extract %slice3A_622[0] : f32 from vector<1xf32>
      %broadcast_in_dim3A_624 = vector.broadcast %squeeze3A_623 : f32 to vector<16xf32>
      %add3A_625 = arith.constant 4 : i32
      %add3A_626 = arith.addi %mul3A_420, %add3A_625 : i32
      %swap3A_627 = arith.index_cast %add3A_626 : i32 to index
      %swap3A_628 = arith.constant 0 : index
      %swap3A_629 = tpu.vector_load %arg8[%swap3A_627, %swap3A_628] {strides = array<i32>} : memref<640x64xf32, #tpu.memory_space<vmem>>, vector<16xf32>,
      tpu.vector_store %arg8[%swap3A_627, %swap3A_628], %broadcast_in_dim3A_624 {strides = array<i32>} : memref<640x64xf32, #tpu.memory_space<vmem>>, vector<16xf32>,
      %add3A_630 = arith.constant 4 : i32
      %add3A_631 = arith.addi %mul3A_420, %add3A_630 : i32
      %swap3A_632 = arith.index_cast %add3A_631 : i32 to index
      %swap3A_633 = arith.constant 16 : index
      %swap3A_634 = tpu.vector_load %arg8[%swap3A_632, %swap3A_633] {strides = array<i32>} : memref<640x64xf32, #tpu.memory_space<vmem>>, vector<16xf32>,
      tpu.vector_store %arg8[%swap3A_632, %swap3A_633], %broadcast_in_dim3A_624 {strides = array<i32>} : memref<640x64xf32, #tpu.memory_space<vmem>>, vector<16xf32>,
      %add3A_635 = arith.constant 4 : i32
      %add3A_636 = arith.addi %mul3A_420, %add3A_635 : i32
      %swap3A_637 = arith.index_cast %add3A_636 : i32 to index
      %swap3A_638 = arith.constant 32 : index
      %swap3A_639 = tpu.vector_load %arg8[%swap3A_637, %swap3A_638] {strides = array<i32>} : memref<640x64xf32, #tpu.memory_space<vmem>>, vector<16xf32>,
      tpu.vector_store %arg8[%swap3A_637, %swap3A_638], %broadcast_in_dim3A_624 {strides = array<i32>} : memref<640x64xf32, #tpu.memory_space<vmem>>, vector<16xf32>,
      %add3A_640 = arith.constant 4 : i32
      %add3A_641 = arith.addi %mul3A_420, %add3A_640 : i32
      %swap3A_642 = arith.index_cast %add3A_641 : i32 to index
      %swap3A_643 = arith.constant 48 : index
      %swap3A_644 = tpu.vector_load %arg8[%swap3A_642, %swap3A_643] {strides = array<i32>} : memref<640x64xf32, #tpu.memory_space<vmem>>, vector<16xf32>,
      tpu.vector_store %arg8[%swap3A_642, %swap3A_643], %broadcast_in_dim3A_624 {strides = array<i32>} : memref<640x64xf32, #tpu.memory_space<vmem>>, vector<16xf32>,
      %slice3A_645 = vector.extract_strided_slice %mul3A_532 {offsets = [5], sizes = [1], strides = [1]} : vector<16xf32> to vector<1xf32>
      %squeeze3A_646 = vector.extract %slice3A_645[0] : f32 from vector<1xf32>
      %broadcast_in_dim3A_647 = vector.broadcast %squeeze3A_646 : f32 to vector<16xf32>
      %add3A_648 = arith.constant 5 : i32
      %add3A_649 = arith.addi %mul3A_420, %add3A_648 : i32
      %swap3A_650 = arith.index_cast %add3A_649 : i32 to index
      %swap3A_651 = arith.constant 0 : index
      %swap3A_652 = tpu.vector_load %arg8[%swap3A_650, %swap3A_651] {strides = array<i32>} : memref<640x64xf32, #tpu.memory_space<vmem>>, vector<16xf32>,
      tpu.vector_store %arg8[%swap3A_650, %swap3A_651], %broadcast_in_dim3A_647 {strides = array<i32>} : memref<640x64xf32, #tpu.memory_space<vmem>>, vector<16xf32>,
      %add3A_653 = arith.constant 5 : i32
      %add3A_654 = arith.addi %mul3A_420, %add3A_653 : i32
      %swap3A_655 = arith.index_cast %add3A_654 : i32 to index
      %swap3A_656 = arith.constant 16 : index
      %swap3A_657 = tpu.vector_load %arg8[%swap3A_655, %swap3A_656] {strides = array<i32>} : memref<640x64xf32, #tpu.memory_space<vmem>>, vector<16xf32>,
      tpu.vector_store %arg8[%swap3A_655, %swap3A_656], %broadcast_in_dim3A_647 {strides = array<i32>} : memref<640x64xf32, #tpu.memory_space<vmem>>, vector<16xf32>,
      %add3A_658 = arith.constant 5 : i32
      %add3A_659 = arith.addi %mul3A_420, %add3A_658 : i32
      %swap3A_660 = arith.index_cast %add3A_659 : i32 to index
      %swap3A_661 = arith.constant 32 : index
      %swap3A_662 = tpu.vector_load %arg8[%swap3A_660, %swap3A_661] {strides = array<i32>} : memref<640x64xf32, #tpu.memory_space<vmem>>, vector<16xf32>,
      tpu.vector_store %arg8[%swap3A_660, %swap3A_661], %broadcast_in_dim3A_647 {strides = array<i32>} : memref<640x64xf32, #tpu.memory_space<vmem>>, vector<16xf32>,
      %add3A_663 = arith.constant 5 : i32
      %add3A_664 = arith.addi %mul3A_420, %add3A_663 : i32
      %swap3A_665 = arith.index_cast %add3A_664 : i32 to index
      %swap3A_666 = arith.constant 48 : index
      %swap3A_667 = tpu.vector_load %arg8[%swap3A_665, %swap3A_666] {strides = array<i32>} : memref<640x64xf32, #tpu.memory_space<vmem>>, vector<16xf32>,
      tpu.vector_store %arg8[%swap3A_665, %swap3A_666], %broadcast_in_dim3A_647 {strides = array<i32>} : memref<640x64xf32, #tpu.memory_space<vmem>>, vector<16xf32>,
      %slice3A_668 = vector.extract_strided_slice %mul3A_532 {offsets = [6], sizes = [1], strides = [1]} : vector<16xf32> to vector<1xf32>
      %squeeze3A_669 = vector.extract %slice3A_668[0] : f32 from vector<1xf32>
      %broadcast_in_dim3A_670 = vector.broadcast %squeeze3A_669 : f32 to vector<16xf32>
      %add3A_671 = arith.constant 6 : i32
      %add3A_672 = arith.addi %mul3A_420, %add3A_671 : i32
      %swap3A_673 = arith.index_cast %add3A_672 : i32 to index
      %swap3A_674 = arith.constant 0 : index
      %swap3A_675 = tpu.vector_load %arg8[%swap3A_673, %swap3A_674] {strides = array<i32>} : memref<640x64xf32, #tpu.memory_space<vmem>>, vector<16xf32>,
      tpu.vector_store %arg8[%swap3A_673, %swap3A_674], %broadcast_in_dim3A_670 {strides = array<i32>} : memref<640x64xf32, #tpu.memory_space<vmem>>, vector<16xf32>,
      %add3A_676 = arith.constant 6 : i32
      %add3A_677 = arith.addi %mul3A_420, %add3A_676 : i32
      %swap3A_678 = arith.index_cast %add3A_677 : i32 to index
      %swap3A_679 = arith.constant 16 : index
      %swap3A_680 = tpu.vector_load %arg8[%swap3A_678, %swap3A_679] {strides = array<i32>} : memref<640x64xf32, #tpu.memory_space<vmem>>, vector<16xf32>,
      tpu.vector_store %arg8[%swap3A_678, %swap3A_679], %broadcast_in_dim3A_670 {strides = array<i32>} : memref<640x64xf32, #tpu.memory_space<vmem>>, vector<16xf32>,
      %add3A_681 = arith.constant 6 : i32
      %add3A_682 = arith.addi %mul3A_420, %add3A_681 : i32
      %swap3A_683 = arith.index_cast %add3A_682 : i32 to index
      %swap3A_684 = arith.constant 32 : index
      %swap3A_685 = tpu.vector_load %arg8[%swap3A_683, %swap3A_684] {strides = array<i32>} : memref<640x64xf32, #tpu.memory_space<vmem>>, vector<16xf32>,
      tpu.vector_store %arg8[%swap3A_683, %swap3A_684], %broadcast_in_dim3A_670 {strides = array<i32>} : memref<640x64xf32, #tpu.memory_space<vmem>>, vector<16xf32>,
      %add3A_686 = arith.constant 6 : i32
      %add3A_687 = arith.addi %mul3A_420, %add3A_686 : i32
      %swap3A_688 = arith.index_cast %add3A_687 : i32 to index
      %swap3A_689 = arith.constant 48 : index
      %swap3A_690 = tpu.vector_load %arg8[%swap3A_688, %swap3A_689] {strides = array<i32>} : memref<640x64xf32, #tpu.memory_space<vmem>>, vector<16xf32>,
      tpu.vector_store %arg8[%swap3A_688, %swap3A_689], %broadcast_in_dim3A_670 {strides = array<i32>} : memref<640x64xf32, #tpu.memory_space<vmem>>, vector<16xf32>,
      %slice3A_691 = vector.extract_strided_slice %mul3A_532 {offsets = [7], sizes = [1], strides = [1]} : vector<16xf32> to vector<1xf32>
      %squeeze3A_692 = vector.extract %slice3A_691[0] : f32 from vector<1xf32>
      %broadcast_in_dim3A_693 = vector.broadcast %squeeze3A_692 : f32 to vector<16xf32>
      %add3A_694 = arith.constant 7 : i32
      %add3A_695 = arith.addi %mul3A_420, %add3A_694 : i32
      %swap3A_696 = arith.index_cast %add3A_695 : i32 to index
      %swap3A_697 = arith.constant 0 : index
      %swap3A_698 = tpu.vector_load %arg8[%swap3A_696, %swap3A_697] {strides = array<i32>} : memref<640x64xf32, #tpu.memory_space<vmem>>, vector<16xf32>,
      tpu.vector_store %arg8[%swap3A_696, %swap3A_697], %broadcast_in_dim3A_693 {strides = array<i32>} : memref<640x64xf32, #tpu.memory_space<vmem>>, vector<16xf32>,
      %add3A_699 = arith.constant 7 : i32
      %add3A_700 = arith.addi %mul3A_420, %add3A_699 : i32
      %swap3A_701 = arith.index_cast %add3A_700 : i32 to index
      %swap3A_702 = arith.constant 16 : index
      %swap3A_703 = tpu.vector_load %arg8[%swap3A_701, %swap3A_702] {strides = array<i32>} : memref<640x64xf32, #tpu.memory_space<vmem>>, vector<16xf32>,
      tpu.vector_store %arg8[%swap3A_701, %swap3A_702], %broadcast_in_dim3A_693 {strides = array<i32>} : memref<640x64xf32, #tpu.memory_space<vmem>>, vector<16xf32>,
      %add3A_704 = arith.constant 7 : i32
      %add3A_705 = arith.addi %mul3A_420, %add3A_704 : i32
      %swap3A_706 = arith.index_cast %add3A_705 : i32 to index
      %swap3A_707 = arith.constant 32 : index
      %swap3A_708 = tpu.vector_load %arg8[%swap3A_706, %swap3A_707] {strides = array<i32>} : memref<640x64xf32, #tpu.memory_space<vmem>>, vector<16xf32>,
      tpu.vector_store %arg8[%swap3A_706, %swap3A_707], %broadcast_in_dim3A_693 {strides = array<i32>} : memref<640x64xf32, #tpu.memory_space<vmem>>, vector<16xf32>,
      %add3A_709 = arith.constant 7 : i32
      %add3A_710 = arith.addi %mul3A_420, %add3A_709 : i32
      %swap3A_711 = arith.index_cast %add3A_710 : i32 to index
      %swap3A_712 = arith.constant 48 : index
      %swap3A_713 = tpu.vector_load %arg8[%swap3A_711, %swap3A_712] {strides = array<i32>} : memref<640x64xf32, #tpu.memory_space<vmem>>, vector<16xf32>,
      tpu.vector_store %arg8[%swap3A_711, %swap3A_712], %broadcast_in_dim3A_693 {strides = array<i32>} : memref<640x64xf32, #tpu.memory_space<vmem>>, vector<16xf32>,
      %slice3A_714 = vector.extract_strided_slice %mul3A_532 {offsets = [8], sizes = [1], strides = [1]} : vector<16xf32> to vector<1xf32>
      %squeeze3A_715 = vector.extract %slice3A_714[0] : f32 from vector<1xf32>
      %broadcast_in_dim3A_716 = vector.broadcast %squeeze3A_715 : f32 to vector<16xf32>
      %add3A_717 = arith.constant 8 : i32
      %add3A_718 = arith.addi %mul3A_420, %add3A_717 : i32
      %swap3A_719 = arith.index_cast %add3A_718 : i32 to index
      %swap3A_720 = arith.constant 0 : index
      %swap3A_721 = tpu.vector_load %arg8[%swap3A_719, %swap3A_720] {strides = array<i32>} : memref<640x64xf32, #tpu.memory_space<vmem>>, vector<16xf32>,
      tpu.vector_store %arg8[%swap3A_719, %swap3A_720], %broadcast_in_dim3A_716 {strides = array<i32>} : memref<640x64xf32, #tpu.memory_space<vmem>>, vector<16xf32>,
      %add3A_722 = arith.constant 8 : i32
      %add3A_723 = arith.addi %mul3A_420, %add3A_722 : i32
      %swap3A_724 = arith.index_cast %add3A_723 : i32 to index
      %swap3A_725 = arith.constant 16 : index
      %swap3A_726 = tpu.vector_load %arg8[%swap3A_724, %swap3A_725] {strides = array<i32>} : memref<640x64xf32, #tpu.memory_space<vmem>>, vector<16xf32>,
      tpu.vector_store %arg8[%swap3A_724, %swap3A_725], %broadcast_in_dim3A_716 {strides = array<i32>} : memref<640x64xf32, #tpu.memory_space<vmem>>, vector<16xf32>,
      %add3A_727 = arith.constant 8 : i32
      %add3A_728 = arith.addi %mul3A_420, %add3A_727 : i32
      %swap3A_729 = arith.index_cast %add3A_728 : i32 to index
      %swap3A_730 = arith.constant 32 : index
      %swap3A_731 = tpu.vector_load %arg8[%swap3A_729, %swap3A_730] {strides = array<i32>} : memref<640x64xf32, #tpu.memory_space<vmem>>, vector<16xf32>,
      tpu.vector_store %arg8[%swap3A_729, %swap3A_730], %broadcast_in_dim3A_716 {strides = array<i32>} : memref<640x64xf32, #tpu.memory_space<vmem>>, vector<16xf32>,
      %add3A_732 = arith.constant 8 : i32
      %add3A_733 = arith.addi %mul3A_420, %add3A_732 : i32
      %swap3A_734 = arith.index_cast %add3A_733 : i32 to index
      %swap3A_735 = arith.constant 48 : index
      %swap3A_736 = tpu.vector_load %arg8[%swap3A_734, %swap3A_735] {strides = array<i32>} : memref<640x64xf32, #tpu.memory_space<vmem>>, vector<16xf32>,
      tpu.vector_store %arg8[%swap3A_734, %swap3A_735], %broadcast_in_dim3A_716 {strides = array<i32>} : memref<640x64xf32, #tpu.memory_space<vmem>>, vector<16xf32>,
      %slice3A_737 = vector.extract_strided_slice %mul3A_532 {offsets = [9], sizes = [1], strides = [1]} : vector<16xf32> to vector<1xf32>
      %squeeze3A_738 = vector.extract %slice3A_737[0] : f32 from vector<1xf32>
      %broadcast_in_dim3A_739 = vector.broadcast %squeeze3A_738 : f32 to vector<16xf32>
      %add3A_740 = arith.constant 9 : i32
      %add3A_741 = arith.addi %mul3A_420, %add3A_740 : i32
      %swap3A_742 = arith.index_cast %add3A_741 : i32 to index
      %swap3A_743 = arith.constant 0 : index
      %swap3A_744 = tpu.vector_load %arg8[%swap3A_742, %swap3A_743] {strides = array<i32>} : memref<640x64xf32, #tpu.memory_space<vmem>>, vector<16xf32>,
      tpu.vector_store %arg8[%swap3A_742, %swap3A_743], %broadcast_in_dim3A_739 {strides = array<i32>} : memref<640x64xf32, #tpu.memory_space<vmem>>, vector<16xf32>,
      %add3A_745 = arith.constant 9 : i32
      %add3A_746 = arith.addi %mul3A_420, %add3A_745 : i32
      %swap3A_747 = arith.index_cast %add3A_746 : i32 to index
      %swap3A_748 = arith.constant 16 : index
      %swap3A_749 = tpu.vector_load %arg8[%swap3A_747, %swap3A_748] {strides = array<i32>} : memref<640x64xf32, #tpu.memory_space<vmem>>, vector<16xf32>,
      tpu.vector_store %arg8[%swap3A_747, %swap3A_748], %broadcast_in_dim3A_739 {strides = array<i32>} : memref<640x64xf32, #tpu.memory_space<vmem>>, vector<16xf32>,
      %add3A_750 = arith.constant 9 : i32
      %add3A_751 = arith.addi %mul3A_420, %add3A_750 : i32
      %swap3A_752 = arith.index_cast %add3A_751 : i32 to index
      %swap3A_753 = arith.constant 32 : index
      %swap3A_754 = tpu.vector_load %arg8[%swap3A_752, %swap3A_753] {strides = array<i32>} : memref<640x64xf32, #tpu.memory_space<vmem>>, vector<16xf32>,
      tpu.vector_store %arg8[%swap3A_752, %swap3A_753], %broadcast_in_dim3A_739 {strides = array<i32>} : memref<640x64xf32, #tpu.memory_space<vmem>>, vector<16xf32>,
      %add3A_755 = arith.constant 9 : i32
      %add3A_756 = arith.addi %mul3A_420, %add3A_755 : i32
      %swap3A_757 = arith.index_cast %add3A_756 : i32 to index
      %swap3A_758 = arith.constant 48 : index
      %swap3A_759 = tpu.vector_load %arg8[%swap3A_757, %swap3A_758] {strides = array<i32>} : memref<640x64xf32, #tpu.memory_space<vmem>>, vector<16xf32>,
      tpu.vector_store %arg8[%swap3A_757, %swap3A_758], %broadcast_in_dim3A_739 {strides = array<i32>} : memref<640x64xf32, #tpu.memory_space<vmem>>, vector<16xf32>,
      %slice3A_760 = vector.extract_strided_slice %mul3A_532 {offsets = [10], sizes = [1], strides = [1]} : vector<16xf32> to vector<1xf32>
      %squeeze3A_761 = vector.extract %slice3A_760[0] : f32 from vector<1xf32>
      %broadcast_in_dim3A_762 = vector.broadcast %squeeze3A_761 : f32 to vector<16xf32>
      %add3A_763 = arith.constant 10 : i32
      %add3A_764 = arith.addi %mul3A_420, %add3A_763 : i32
      %swap3A_765 = arith.index_cast %add3A_764 : i32 to index
      %swap3A_766 = arith.constant 0 : index
      %swap3A_767 = tpu.vector_load %arg8[%swap3A_765, %swap3A_766] {strides = array<i32>} : memref<640x64xf32, #tpu.memory_space<vmem>>, vector<16xf32>,
      tpu.vector_store %arg8[%swap3A_765, %swap3A_766], %broadcast_in_dim3A_762 {strides = array<i32>} : memref<640x64xf32, #tpu.memory_space<vmem>>, vector<16xf32>,
      %add3A_768 = arith.constant 10 : i32
      %add3A_769 = arith.addi %mul3A_420, %add3A_768 : i32
      %swap3A_770 = arith.index_cast %add3A_769 : i32 to index
      %swap3A_771 = arith.constant 16 : index
      %swap3A_772 = tpu.vector_load %arg8[%swap3A_770, %swap3A_771] {strides = array<i32>} : memref<640x64xf32, #tpu.memory_space<vmem>>, vector<16xf32>,
      tpu.vector_store %arg8[%swap3A_770, %swap3A_771], %broadcast_in_dim3A_762 {strides = array<i32>} : memref<640x64xf32, #tpu.memory_space<vmem>>, vector<16xf32>,
      %add3A_773 = arith.constant 10 : i32
      %add3A_774 = arith.addi %mul3A_420, %add3A_773 : i32
      %swap3A_775 = arith.index_cast %add3A_774 : i32 to index
      %swap3A_776 = arith.constant 32 : index
      %swap3A_777 = tpu.vector_load %arg8[%swap3A_775, %swap3A_776] {strides = array<i32>} : memref<640x64xf32, #tpu.memory_space<vmem>>, vector<16xf32>,
      tpu.vector_store %arg8[%swap3A_775, %swap3A_776], %broadcast_in_dim3A_762 {strides = array<i32>} : memref<640x64xf32, #tpu.memory_space<vmem>>, vector<16xf32>,
      %add3A_778 = arith.constant 10 : i32
      %add3A_779 = arith.addi %mul3A_420, %add3A_778 : i32
      %swap3A_780 = arith.index_cast %add3A_779 : i32 to index
      %swap3A_781 = arith.constant 48 : index
      %swap3A_782 = tpu.vector_load %arg8[%swap3A_780, %swap3A_781] {strides = array<i32>} : memref<640x64xf32, #tpu.memory_space<vmem>>, vector<16xf32>,
      tpu.vector_store %arg8[%swap3A_780, %swap3A_781], %broadcast_in_dim3A_762 {strides = array<i32>} : memref<640x64xf32, #tpu.memory_space<vmem>>, vector<16xf32>,
      %slice3A_783 = vector.extract_strided_slice %mul3A_532 {offsets = [11], sizes = [1], strides = [1]} : vector<16xf32> to vector<1xf32>
      %squeeze3A_784 = vector.extract %slice3A_783[0] : f32 from vector<1xf32>
      %broadcast_in_dim3A_785 = vector.broadcast %squeeze3A_784 : f32 to vector<16xf32>
      %add3A_786 = arith.constant 11 : i32
      %add3A_787 = arith.addi %mul3A_420, %add3A_786 : i32
      %swap3A_788 = arith.index_cast %add3A_787 : i32 to index
      %swap3A_789 = arith.constant 0 : index
      %swap3A_790 = tpu.vector_load %arg8[%swap3A_788, %swap3A_789] {strides = array<i32>} : memref<640x64xf32, #tpu.memory_space<vmem>>, vector<16xf32>,
      tpu.vector_store %arg8[%swap3A_788, %swap3A_789], %broadcast_in_dim3A_785 {strides = array<i32>} : memref<640x64xf32, #tpu.memory_space<vmem>>, vector<16xf32>,
      %add3A_791 = arith.constant 11 : i32
      %add3A_792 = arith.addi %mul3A_420, %add3A_791 : i32
      %swap3A_793 = arith.index_cast %add3A_792 : i32 to index
      %swap3A_794 = arith.constant 16 : index
      %swap3A_795 = tpu.vector_load %arg8[%swap3A_793, %swap3A_794] {strides = array<i32>} : memref<640x64xf32, #tpu.memory_space<vmem>>, vector<16xf32>,
      tpu.vector_store %arg8[%swap3A_793, %swap3A_794], %broadcast_in_dim3A_785 {strides = array<i32>} : memref<640x64xf32, #tpu.memory_space<vmem>>, vector<16xf32>,
      %add3A_796 = arith.constant 11 : i32
      %add3A_797 = arith.addi %mul3A_420, %add3A_796 : i32
      %swap3A_798 = arith.index_cast %add3A_797 : i32 to index
      %swap3A_799 = arith.constant 32 : index
      %swap3A_800 = tpu.vector_load %arg8[%swap3A_798, %swap3A_799] {strides = array<i32>} : memref<640x64xf32, #tpu.memory_space<vmem>>, vector<16xf32>,
      tpu.vector_store %arg8[%swap3A_798, %swap3A_799], %broadcast_in_dim3A_785 {strides = array<i32>} : memref<640x64xf32, #tpu.memory_space<vmem>>, vector<16xf32>,
      %add3A_801 = arith.constant 11 : i32
      %add3A_802 = arith.addi %mul3A_420, %add3A_801 : i32
      %swap3A_803 = arith.index_cast %add3A_802 : i32 to index
      %swap3A_804 = arith.constant 48 : index
      %swap3A_805 = tpu.vector_load %arg8[%swap3A_803, %swap3A_804] {strides = array<i32>} : memref<640x64xf32, #tpu.memory_space<vmem>>, vector<16xf32>,
      tpu.vector_store %arg8[%swap3A_803, %swap3A_804], %broadcast_in_dim3A_785 {strides = array<i32>} : memref<640x64xf32, #tpu.memory_space<vmem>>, vector<16xf32>,
      %slice3A_806 = vector.extract_strided_slice %mul3A_532 {offsets = [12], sizes = [1], strides = [1]} : vector<16xf32> to vector<1xf32>
      %squeeze3A_807 = vector.extract %slice3A_806[0] : f32 from vector<1xf32>
      %broadcast_in_dim3A_808 = vector.broadcast %squeeze3A_807 : f32 to vector<16xf32>
      %add3A_809 = arith.constant 12 : i32
      %add3A_810 = arith.addi %mul3A_420, %add3A_809 : i32
      %swap3A_811 = arith.index_cast %add3A_810 : i32 to index
      %swap3A_812 = arith.constant 0 : index
      %swap3A_813 = tpu.vector_load %arg8[%swap3A_811, %swap3A_812] {strides = array<i32>} : memref<640x64xf32, #tpu.memory_space<vmem>>, vector<16xf32>,
      tpu.vector_store %arg8[%swap3A_811, %swap3A_812], %broadcast_in_dim3A_808 {strides = array<i32>} : memref<640x64xf32, #tpu.memory_space<vmem>>, vector<16xf32>,
      %add3A_814 = arith.constant 12 : i32
      %add3A_815 = arith.addi %mul3A_420, %add3A_814 : i32
      %swap3A_816 = arith.index_cast %add3A_815 : i32 to index
      %swap3A_817 = arith.constant 16 : index
      %swap3A_818 = tpu.vector_load %arg8[%swap3A_816, %swap3A_817] {strides = array<i32>} : memref<640x64xf32, #tpu.memory_space<vmem>>, vector<16xf32>,
      tpu.vector_store %arg8[%swap3A_816, %swap3A_817], %broadcast_in_dim3A_808 {strides = array<i32>} : memref<640x64xf32, #tpu.memory_space<vmem>>, vector<16xf32>,
      %add3A_819 = arith.constant 12 : i32
      %add3A_820 = arith.addi %mul3A_420, %add3A_819 : i32
      %swap3A_821 = arith.index_cast %add3A_820 : i32 to index
      %swap3A_822 = arith.constant 32 : index
      %swap3A_823 = tpu.vector_load %arg8[%swap3A_821, %swap3A_822] {strides = array<i32>} : memref<640x64xf32, #tpu.memory_space<vmem>>, vector<16xf32>,
      tpu.vector_store %arg8[%swap3A_821, %swap3A_822], %broadcast_in_dim3A_808 {strides = array<i32>} : memref<640x64xf32, #tpu.memory_space<vmem>>, vector<16xf32>,
      %add3A_824 = arith.constant 12 : i32
      %add3A_825 = arith.addi %mul3A_420, %add3A_824 : i32
      %swap3A_826 = arith.index_cast %add3A_825 : i32 to index
      %swap3A_827 = arith.constant 48 : index
      %swap3A_828 = tpu.vector_load %arg8[%swap3A_826, %swap3A_827] {strides = array<i32>} : memref<640x64xf32, #tpu.memory_space<vmem>>, vector<16xf32>,
      tpu.vector_store %arg8[%swap3A_826, %swap3A_827], %broadcast_in_dim3A_808 {strides = array<i32>} : memref<640x64xf32, #tpu.memory_space<vmem>>, vector<16xf32>,
      %slice3A_829 = vector.extract_strided_slice %mul3A_532 {offsets = [13], sizes = [1], strides = [1]} : vector<16xf32> to vector<1xf32>
      %squeeze3A_830 = vector.extract %slice3A_829[0] : f32 from vector<1xf32>
      %broadcast_in_dim3A_831 = vector.broadcast %squeeze3A_830 : f32 to vector<16xf32>
      %add3A_832 = arith.constant 13 : i32
      %add3A_833 = arith.addi %mul3A_420, %add3A_832 : i32
      %swap3A_834 = arith.index_cast %add3A_833 : i32 to index
      %swap3A_835 = arith.constant 0 : index
      %swap3A_836 = tpu.vector_load %arg8[%swap3A_834, %swap3A_835] {strides = array<i32>} : memref<640x64xf32, #tpu.memory_space<vmem>>, vector<16xf32>,
      tpu.vector_store %arg8[%swap3A_834, %swap3A_835], %broadcast_in_dim3A_831 {strides = array<i32>} : memref<640x64xf32, #tpu.memory_space<vmem>>, vector<16xf32>,
      %add3A_837 = arith.constant 13 : i32
      %add3A_838 = arith.addi %mul3A_420, %add3A_837 : i32
      %swap3A_839 = arith.index_cast %add3A_838 : i32 to index
      %swap3A_840 = arith.constant 16 : index
      %swap3A_841 = tpu.vector_load %arg8[%swap3A_839, %swap3A_840] {strides = array<i32>} : memref<640x64xf32, #tpu.memory_space<vmem>>, vector<16xf32>,
      tpu.vector_store %arg8[%swap3A_839, %swap3A_840], %broadcast_in_dim3A_831 {strides = array<i32>} : memref<640x64xf32, #tpu.memory_space<vmem>>, vector<16xf32>,
      %add3A_842 = arith.constant 13 : i32
      %add3A_843 = arith.addi %mul3A_420, %add3A_842 : i32
      %swap3A_844 = arith.index_cast %add3A_843 : i32 to index
      %swap3A_845 = arith.constant 32 : index
      %swap3A_846 = tpu.vector_load %arg8[%swap3A_844, %swap3A_845] {strides = array<i32>} : memref<640x64xf32, #tpu.memory_space<vmem>>, vector<16xf32>,
      tpu.vector_store %arg8[%swap3A_844, %swap3A_845], %broadcast_in_dim3A_831 {strides = array<i32>} : memref<640x64xf32, #tpu.memory_space<vmem>>, vector<16xf32>,
      %add3A_847 = arith.constant 13 : i32
      %add3A_848 = arith.addi %mul3A_420, %add3A_847 : i32
      %swap3A_849 = arith.index_cast %add3A_848 : i32 to index
      %swap3A_850 = arith.constant 48 : index
      %swap3A_851 = tpu.vector_load %arg8[%swap3A_849, %swap3A_850] {strides = array<i32>} : memref<640x64xf32, #tpu.memory_space<vmem>>, vector<16xf32>,
      tpu.vector_store %arg8[%swap3A_849, %swap3A_850], %broadcast_in_dim3A_831 {strides = array<i32>} : memref<640x64xf32, #tpu.memory_space<vmem>>, vector<16xf32>,
      %slice3A_852 = vector.extract_strided_slice %mul3A_532 {offsets = [14], sizes = [1], strides = [1]} : vector<16xf32> to vector<1xf32>
      %squeeze3A_853 = vector.extract %slice3A_852[0] : f32 from vector<1xf32>
      %broadcast_in_dim3A_854 = vector.broadcast %squeeze3A_853 : f32 to vector<16xf32>
      %add3A_855 = arith.constant 14 : i32
      %add3A_856 = arith.addi %mul3A_420, %add3A_855 : i32
      %swap3A_857 = arith.index_cast %add3A_856 : i32 to index
      %swap3A_858 = arith.constant 0 : index
      %swap3A_859 = tpu.vector_load %arg8[%swap3A_857, %swap3A_858] {strides = array<i32>} : memref<640x64xf32, #tpu.memory_space<vmem>>, vector<16xf32>,
      tpu.vector_store %arg8[%swap3A_857, %swap3A_858], %broadcast_in_dim3A_854 {strides = array<i32>} : memref<640x64xf32, #tpu.memory_space<vmem>>, vector<16xf32>,
      %add3A_860 = arith.constant 14 : i32
      %add3A_861 = arith.addi %mul3A_420, %add3A_860 : i32
      %swap3A_862 = arith.index_cast %add3A_861 : i32 to index
      %swap3A_863 = arith.constant 16 : index
      %swap3A_864 = tpu.vector_load %arg8[%swap3A_862, %swap3A_863] {strides = array<i32>} : memref<640x64xf32, #tpu.memory_space<vmem>>, vector<16xf32>,
      tpu.vector_store %arg8[%swap3A_862, %swap3A_863], %broadcast_in_dim3A_854 {strides = array<i32>} : memref<640x64xf32, #tpu.memory_space<vmem>>, vector<16xf32>,
      %add3A_865 = arith.constant 14 : i32
      %add3A_866 = arith.addi %mul3A_420, %add3A_865 : i32
      %swap3A_867 = arith.index_cast %add3A_866 : i32 to index
      %swap3A_868 = arith.constant 32 : index
      %swap3A_869 = tpu.vector_load %arg8[%swap3A_867, %swap3A_868] {strides = array<i32>} : memref<640x64xf32, #tpu.memory_space<vmem>>, vector<16xf32>,
      tpu.vector_store %arg8[%swap3A_867, %swap3A_868], %broadcast_in_dim3A_854 {strides = array<i32>} : memref<640x64xf32, #tpu.memory_space<vmem>>, vector<16xf32>,
      %add3A_870 = arith.constant 14 : i32
      %add3A_871 = arith.addi %mul3A_420, %add3A_870 : i32
      %swap3A_872 = arith.index_cast %add3A_871 : i32 to index
      %swap3A_873 = arith.constant 48 : index
      %swap3A_874 = tpu.vector_load %arg8[%swap3A_872, %swap3A_873] {strides = array<i32>} : memref<640x64xf32, #tpu.memory_space<vmem>>, vector<16xf32>,
      tpu.vector_store %arg8[%swap3A_872, %swap3A_873], %broadcast_in_dim3A_854 {strides = array<i32>} : memref<640x64xf32, #tpu.memory_space<vmem>>, vector<16xf32>,
      %slice3A_875 = vector.extract_strided_slice %mul3A_532 {offsets = [15], sizes = [1], strides = [1]} : vector<16xf32> to vector<1xf32>
      %squeeze3A_876 = vector.extract %slice3A_875[0] : f32 from vector<1xf32>
      %broadcast_in_dim3A_877 = vector.broadcast %squeeze3A_876 : f32 to vector<16xf32>
      %add3A_878 = arith.constant 15 : i32
      %add3A_879 = arith.addi %mul3A_420, %add3A_878 : i32
      %swap3A_880 = arith.index_cast %add3A_879 : i32 to index
      %swap3A_881 = arith.constant 0 : index
      %swap3A_882 = tpu.vector_load %arg8[%swap3A_880, %swap3A_881] {strides = array<i32>} : memref<640x64xf32, #tpu.memory_space<vmem>>, vector<16xf32>,
      tpu.vector_store %arg8[%swap3A_880, %swap3A_881], %broadcast_in_dim3A_877 {strides = array<i32>} : memref<640x64xf32, #tpu.memory_space<vmem>>, vector<16xf32>,
      %add3A_883 = arith.constant 15 : i32
      %add3A_884 = arith.addi %mul3A_420, %add3A_883 : i32
      %swap3A_885 = arith.index_cast %add3A_884 : i32 to index
      %swap3A_886 = arith.constant 16 : index
      %swap3A_887 = tpu.vector_load %arg8[%swap3A_885, %swap3A_886] {strides = array<i32>} : memref<640x64xf32, #tpu.memory_space<vmem>>, vector<16xf32>,
      tpu.vector_store %arg8[%swap3A_885, %swap3A_886], %broadcast_in_dim3A_877 {strides = array<i32>} : memref<640x64xf32, #tpu.memory_space<vmem>>, vector<16xf32>,
      %add3A_888 = arith.constant 15 : i32
      %add3A_889 = arith.addi %mul3A_420, %add3A_888 : i32
      %swap3A_890 = arith.index_cast %add3A_889 : i32 to index
      %swap3A_891 = arith.constant 32 : index
      %swap3A_892 = tpu.vector_load %arg8[%swap3A_890, %swap3A_891] {strides = array<i32>} : memref<640x64xf32, #tpu.memory_space<vmem>>, vector<16xf32>,
      tpu.vector_store %arg8[%swap3A_890, %swap3A_891], %broadcast_in_dim3A_877 {strides = array<i32>} : memref<640x64xf32, #tpu.memory_space<vmem>>, vector<16xf32>,
      %add3A_893 = arith.constant 15 : i32
      %add3A_894 = arith.addi %mul3A_420, %add3A_893 : i32
      %swap3A_895 = arith.index_cast %add3A_894 : i32 to index
      %swap3A_896 = arith.constant 48 : index
      %swap3A_897 = tpu.vector_load %arg8[%swap3A_895, %swap3A_896] {strides = array<i32>} : memref<640x64xf32, #tpu.memory_space<vmem>>, vector<16xf32>,
      tpu.vector_store %arg8[%swap3A_895, %swap3A_896], %broadcast_in_dim3A_877 {strides = array<i32>} : memref<640x64xf32, #tpu.memory_space<vmem>>, vector<16xf32>,
    }
    %scan3A_410 = arith.constant 40 : i32
    %eq3A = arith.constant 0 : i32
    %eq3A_411 = arith.cmpi eq, %arg0, %eq3A : i32
    %convert_element_type3A = arith.extui %eq3A_411 : i1 to i32
    %cond3A = arith.constant 0 : i32
    %cond3A_412 = arith.cmpi ne, %convert_element_type3A, %cond3A : i32
    scf.if %cond3A_412 {
      "tpu.region"() ({
        %run_scoped3A = tpu.sem_alloc : memref<!tpu.dma_semaphore, #tpu.memory_space<semaphore_mem>>
        %dma_start3A_418 = arith.constant 0 : i32
        %dma_start3A_419 = arith.constant 0 : i32
        %dma_start3A_420 = tpu.memref_slice %arg8[%dma_start3A_418, %dma_start3A_419] : memref<640x64xf32, #tpu.memory_space<vmem>> -> memref<320x64xf32, #tpu.memory_space<vmem>>
        %dma_start3A_421 = arith.constant 0 : i32
        %dma_start3A_422 = tpu.memref_slice %arg3[%mul3A_0, %dma_start3A_421] : memref<10240x64xf32, #tpu.memory_space<hbm>> -> memref<320x64xf32, #tpu.memory_space<hbm>>
        %dma_start3A_423 = arith.constant 0 : i32
        %dma_start3A_424 = tpu.memref_slice %arg3[%mul3A_0, %dma_start3A_423] : memref<10240x64xf32, #tpu.memory_space<hbm>> -> memref<320x64xf32, #tpu.memory_space<hbm>>
        %dma_start3A_425 = arith.constant 0 : i32
        %dma_start3A_426 = arith.constant 0 : i32
        %dma_start3A_427 = tpu.memref_slice %arg8[%dma_start3A_425, %dma_start3A_426] : memref<640x64xf32, #tpu.memory_space<vmem>> -> memref<320x64xf32, #tpu.memory_space<vmem>>
        tpu.enqueue_dma source(%dma_start3A_427 : memref<320x64xf32, #tpu.memory_space<vmem>>) target(%dma_start3A_424 : memref<320x64xf32, #tpu.memory_space<hbm>>) target_semaphore(%run_scoped3A : memref<!tpu.dma_semaphore, #tpu.memory_space<semaphore_mem>>)
        %dma_wait3A_428 = arith.constant 0 : i32
        %dma_wait3A_429 = arith.constant 0 : i32
        %dma_wait3A_430 = tpu.memref_slice %arg8[%dma_wait3A_428, %dma_wait3A_429] : memref<640x64xf32, #tpu.memory_space<vmem>> -> memref<320x64xf32, #tpu.memory_space<vmem>>
        %dma_wait3A_431 = arith.constant 0 : i32
        %dma_wait3A_432 = tpu.memref_slice %arg3[%mul3A_0, %dma_wait3A_431] : memref<10240x64xf32, #tpu.memory_space<hbm>> -> memref<320x64xf32, #tpu.memory_space<hbm>>
        %dma_wait3A_433 = arith.constant 0 : i32
        %dma_wait3A_434 = tpu.memref_slice %arg3[%mul3A_0, %dma_wait3A_433] : memref<10240x64xf32, #tpu.memory_space<hbm>> -> memref<320x64xf32, #tpu.memory_space<hbm>>
        %dma_wait3A_435 = arith.constant 0 : i32
        %dma_wait3A_436 = arith.constant 0 : i32
        %dma_wait3A_437 = tpu.memref_slice %arg8[%dma_wait3A_435, %dma_wait3A_436] : memref<640x64xf32, #tpu.memory_space<vmem>> -> memref<320x64xf32, #tpu.memory_space<vmem>>
        tpu.wait_dma2 semaphore(%run_scoped3A : memref<!tpu.dma_semaphore, #tpu.memory_space<semaphore_mem>>) src(%dma_wait3A_437 : memref<320x64xf32, #tpu.memory_space<vmem>>) dst(%dma_wait3A_434 : memref<320x64xf32, #tpu.memory_space<hbm>>)
        tpu.yield
      }) : () -> ()
    } else {
    }
    %eq3A_413 = arith.constant 1 : i32
    %eq3A_414 = arith.cmpi eq, %arg0, %eq3A_413 : i32
    %convert_element_type3A_415 = arith.extui %eq3A_414 : i1 to i32
    %cond3A_416 = arith.constant 0 : i32
    %cond3A_417 = arith.cmpi ne, %convert_element_type3A_415, %cond3A_416 : i32
    scf.if %cond3A_417 {
      %add3A = arith.constant 320 : i32
      %add3A_418 = arith.addi %mul3A_0, %add3A : i32
      "tpu.region"() ({
        %run_scoped3A = tpu.sem_alloc : memref<!tpu.dma_semaphore, #tpu.memory_space<semaphore_mem>>
        %dma_start3A_419 = arith.constant 320 : i32
        %dma_start3A_420 = arith.constant 0 : i32
        %dma_start3A_421 = tpu.memref_slice %arg8[%dma_start3A_419, %dma_start3A_420] : memref<640x64xf32, #tpu.memory_space<vmem>> -> memref<320x64xf32, #tpu.memory_space<vmem>>
        %dma_start3A_422 = arith.constant 0 : i32
        %dma_start3A_423 = tpu.memref_slice %arg3[%add3A_418, %dma_start3A_422] : memref<10240x64xf32, #tpu.memory_space<hbm>> -> memref<320x64xf32, #tpu.memory_space<hbm>>
        %dma_start3A_424 = arith.constant 0 : i32
        %dma_start3A_425 = tpu.memref_slice %arg3[%add3A_418, %dma_start3A_424] : memref<10240x64xf32, #tpu.memory_space<hbm>> -> memref<320x64xf32, #tpu.memory_space<hbm>>
        %dma_start3A_426 = arith.constant 320 : i32
        %dma_start3A_427 = arith.constant 0 : i32
        %dma_start3A_428 = tpu.memref_slice %arg8[%dma_start3A_426, %dma_start3A_427] : memref<640x64xf32, #tpu.memory_space<vmem>> -> memref<320x64xf32, #tpu.memory_space<vmem>>
        tpu.enqueue_dma source(%dma_start3A_428 : memref<320x64xf32, #tpu.memory_space<vmem>>) target(%dma_start3A_425 : memref<320x64xf32, #tpu.memory_space<hbm>>) target_semaphore(%run_scoped3A : memref<!tpu.dma_semaphore, #tpu.memory_space<semaphore_mem>>)
        %dma_wait3A_429 = arith.constant 320 : i32
        %dma_wait3A_430 = arith.constant 0 : i32
        %dma_wait3A_431 = tpu.memref_slice %arg8[%dma_wait3A_429, %dma_wait3A_430] : memref<640x64xf32, #tpu.memory_space<vmem>> -> memref<320x64xf32, #tpu.memory_space<vmem>>
        %dma_wait3A_432 = arith.constant 0 : i32
        %dma_wait3A_433 = tpu.memref_slice %arg3[%add3A_418, %dma_wait3A_432] : memref<10240x64xf32, #tpu.memory_space<hbm>> -> memref<320x64xf32, #tpu.memory_space<hbm>>
        %dma_wait3A_434 = arith.constant 0 : i32
        %dma_wait3A_435 = tpu.memref_slice %arg3[%add3A_418, %dma_wait3A_434] : memref<10240x64xf32, #tpu.memory_space<hbm>> -> memref<320x64xf32, #tpu.memory_space<hbm>>
        %dma_wait3A_436 = arith.constant 320 : i32
        %dma_wait3A_437 = arith.constant 0 : i32
        %dma_wait3A_438 = tpu.memref_slice %arg8[%dma_wait3A_436, %dma_wait3A_437] : memref<640x64xf32, #tpu.memory_space<vmem>> -> memref<320x64xf32, #tpu.memory_space<vmem>>
        tpu.wait_dma2 semaphore(%run_scoped3A : memref<!tpu.dma_semaphore, #tpu.memory_space<semaphore_mem>>) src(%dma_wait3A_438 : memref<320x64xf32, #tpu.memory_space<vmem>>) dst(%dma_wait3A_435 : memref<320x64xf32, #tpu.memory_space<hbm>>)
        tpu.yield
      }) : () -> ()
    } else {
    }
    return
  }
}

#map = affine_map<(d0, d1) -> (0, 0)>
#map1 = affine_map<(d0, d1) -> (0, 0, 0)>
module attributes {stable_mosaic.version = 14 : i64} {
  func.func @kern(%arg0: i32, %arg1: i32, %arg2: memref<2560x125xi32, #tpu.memory_space<hbm>>, %arg3: memref<2560x125xi32, #tpu.memory_space<hbm>>, %arg4: memref<10000x64xf32, #tpu.memory_space<hbm>>, %arg5: memref<10240x64xf32, #tpu.memory_space<hbm>>, %arg6: memref<2x10240x64xf32, #tpu.memory_space<hbm>>, %arg7: memref<10240x64xf32, #tpu.memory_space<vmem_shared>>, %arg8: memref<80x125xi32, #tpu.memory_space<vmem>>, %arg9: memref<80x125xi32, #tpu.memory_space<vmem>>, %arg10: memref<125x64xf32, #tpu.memory_space<vmem>>, %arg11: memref<125x64xf32, #tpu.memory_space<vmem>>, %arg12: memref<125x64xf32, #tpu.memory_space<vmem>>, %arg13: memref<125x64xf32, #tpu.memory_space<vmem>>, %arg14: memref<!tpu.dma_semaphore, #tpu.memory_space<semaphore_mem>>, %arg15: memref<!tpu.dma_semaphore, #tpu.memory_space<semaphore_mem>>, %arg16: memref<!tpu.dma_semaphore, #tpu.memory_space<semaphore_mem>>, %arg17: memref<!tpu.dma_semaphore, #tpu.memory_space<semaphore_mem>>, %arg18: memref<!tpu.dma_semaphore, #tpu.memory_space<semaphore_mem>>, %arg19: memref<!tpu.dma_semaphore, #tpu.memory_space<semaphore_mem>>, %arg20: memref<!tpu.dma_semaphore, #tpu.memory_space<semaphore_mem>>, %arg21: memref<!tpu.dma_semaphore, #tpu.memory_space<semaphore_mem>>, %arg22: memref<!tpu.dma_semaphore, #tpu.memory_space<semaphore_mem>>, %arg23: memref<!tpu.dma_semaphore, #tpu.memory_space<semaphore_mem>>) attributes {dimension_semantics = [#tpu.dimension_semantics<core_parallel>, #tpu.dimension_semantics<subcore_parallel>], iteration_bounds = array<i64: 2, 16>, scalar_prefetch = 0 : i64, scratch_operands = 17 : i64, tpu.core_type = #tpu.core_type<sc_vector_subcore>, window_params = [{transform_indices = #map}, {transform_indices = #map}, {transform_indices = #map}, {transform_indices = #map}, {transform_indices = #map1}]} {
    %mul3A = arith.constant 640 : i32
    %mul3A_0 = arith.muli %arg1, %mul3A : i32
    %dma_start3A = arith.constant 0 : i32
    %dma_start3A_1 = tpu.memref_slice %arg7[%mul3A_0, %dma_start3A] : memref<10240x64xf32, #tpu.memory_space<vmem_shared>> -> memref<640x64xf32, #tpu.memory_space<vmem_shared>>
    %dma_start3A_2 = arith.constant 0 : i32
    %dma_start3A_3 = tpu.memref_slice %arg5[%mul3A_0, %dma_start3A_2] : memref<10240x64xf32, #tpu.memory_space<hbm>> -> memref<640x64xf32, #tpu.memory_space<hbm>>
    tpu.enqueue_dma source(%dma_start3A_3 : memref<640x64xf32, #tpu.memory_space<hbm>>) target(%dma_start3A_1 : memref<640x64xf32, #tpu.memory_space<vmem_shared>>) target_semaphore(%arg22 : memref<!tpu.dma_semaphore, #tpu.memory_space<semaphore_mem>>)
    %mul3A_4 = arith.constant 1280 : i32
    %mul3A_5 = arith.muli %arg0, %mul3A_4 : i32
    %mul3A_6 = arith.constant 80 : i32
    %mul3A_7 = arith.muli %arg1, %mul3A_6 : i32
    %add3A = arith.addi %mul3A_5, %mul3A_7 : i32
    %dma_start3A_8 = arith.constant 0 : i32
    %dma_start3A_9 = tpu.memref_slice %arg2[%add3A, %dma_start3A_8] : memref<2560x125xi32, #tpu.memory_space<hbm>> -> memref<80x125xi32, #tpu.memory_space<hbm>>
    %dma_start3A_10 = arith.constant 0 : i32
    %dma_start3A_11 = tpu.memref_slice %arg2[%add3A, %dma_start3A_10] : memref<2560x125xi32, #tpu.memory_space<hbm>> -> memref<80x125xi32, #tpu.memory_space<hbm>>
    tpu.enqueue_dma source(%dma_start3A_11 : memref<80x125xi32, #tpu.memory_space<hbm>>) target(%arg8 : memref<80x125xi32, #tpu.memory_space<vmem>>) target_semaphore(%arg23 : memref<!tpu.dma_semaphore, #tpu.memory_space<semaphore_mem>>)
    %dma_start3A_12 = arith.constant 0 : i32
    %dma_start3A_13 = tpu.memref_slice %arg3[%add3A, %dma_start3A_12] : memref<2560x125xi32, #tpu.memory_space<hbm>> -> memref<80x125xi32, #tpu.memory_space<hbm>>
    %dma_start3A_14 = arith.constant 0 : i32
    %dma_start3A_15 = tpu.memref_slice %arg3[%add3A, %dma_start3A_14] : memref<2560x125xi32, #tpu.memory_space<hbm>> -> memref<80x125xi32, #tpu.memory_space<hbm>>
    tpu.enqueue_dma source(%dma_start3A_15 : memref<80x125xi32, #tpu.memory_space<hbm>>) target(%arg9 : memref<80x125xi32, #tpu.memory_space<vmem>>) target_semaphore(%arg23 : memref<!tpu.dma_semaphore, #tpu.memory_space<semaphore_mem>>)
    %dma_wait3A = arith.constant 0 : i32
    %dma_wait3A_16 = tpu.memref_slice %arg2[%add3A, %dma_wait3A] : memref<2560x125xi32, #tpu.memory_space<hbm>> -> memref<80x125xi32, #tpu.memory_space<hbm>>
    %dma_wait3A_17 = arith.constant 0 : i32
    %dma_wait3A_18 = tpu.memref_slice %arg2[%add3A, %dma_wait3A_17] : memref<2560x125xi32, #tpu.memory_space<hbm>> -> memref<80x125xi32, #tpu.memory_space<hbm>>
    tpu.wait_dma2 semaphore(%arg23 : memref<!tpu.dma_semaphore, #tpu.memory_space<semaphore_mem>>) src(%dma_wait3A_18 : memref<80x125xi32, #tpu.memory_space<hbm>>) dst(%arg8 : memref<80x125xi32, #tpu.memory_space<vmem>>)
    %dma_wait3A_19 = arith.constant 0 : i32
    %dma_wait3A_20 = tpu.memref_slice %arg3[%add3A, %dma_wait3A_19] : memref<2560x125xi32, #tpu.memory_space<hbm>> -> memref<80x125xi32, #tpu.memory_space<hbm>>
    %dma_wait3A_21 = arith.constant 0 : i32
    %dma_wait3A_22 = tpu.memref_slice %arg3[%add3A, %dma_wait3A_21] : memref<2560x125xi32, #tpu.memory_space<hbm>> -> memref<80x125xi32, #tpu.memory_space<hbm>>
    tpu.wait_dma2 semaphore(%arg23 : memref<!tpu.dma_semaphore, #tpu.memory_space<semaphore_mem>>) src(%dma_wait3A_22 : memref<80x125xi32, #tpu.memory_space<hbm>>) dst(%arg9 : memref<80x125xi32, #tpu.memory_space<vmem>>)
    %dma_start3A_23 = arith.constant 0 : i32
    %dma_start3A_24 = arith.constant 0 : i32
    %dma_start3A_25 = tpu.memref_slice %arg8[%dma_start3A_23, %dma_start3A_24] : memref<80x125xi32, #tpu.memory_space<vmem>> -> memref<1x125xi32, #tpu.memory_space<vmem>>
    %dma_start3A_26 = tpu.memref_squeeze %dma_start3A_25 : memref<1x125xi32, #tpu.memory_space<vmem>> -> memref<125xi32, #tpu.memory_space<vmem>>
    %dma_start3A_27 = arith.constant 0 : i32
    %dma_start3A_28 = arith.constant 0 : i32
    %dma_start3A_29 = tpu.memref_slice %arg4[%dma_start3A_27, %dma_start3A_28] : memref<10000x64xf32, #tpu.memory_space<hbm>> -> memref<10000x64xf32, #tpu.memory_space<hbm>>
    tpu.enqueue_indirect_dma source(%dma_start3A_29 : memref<10000x64xf32, #tpu.memory_space<hbm>>) target(%arg10 : memref<125x64xf32, #tpu.memory_space<vmem>>) offsets(%dma_start3A_26 : memref<125xi32, #tpu.memory_space<vmem>>) semaphore(%arg14 : memref<!tpu.dma_semaphore, #tpu.memory_space<semaphore_mem>>)
    %dma_start3A_30 = arith.constant 1 : i32
    %dma_start3A_31 = arith.constant 0 : i32
    %dma_start3A_32 = tpu.memref_slice %arg8[%dma_start3A_30, %dma_start3A_31] : memref<80x125xi32, #tpu.memory_space<vmem>> -> memref<1x125xi32, #tpu.memory_space<vmem>>
    %dma_start3A_33 = tpu.memref_squeeze %dma_start3A_32 : memref<1x125xi32, #tpu.memory_space<vmem>> -> memref<125xi32, #tpu.memory_space<vmem>>
    %dma_start3A_34 = arith.constant 0 : i32
    %dma_start3A_35 = arith.constant 0 : i32
    %dma_start3A_36 = tpu.memref_slice %arg4[%dma_start3A_34, %dma_start3A_35] : memref<10000x64xf32, #tpu.memory_space<hbm>> -> memref<10000x64xf32, #tpu.memory_space<hbm>>
    tpu.enqueue_indirect_dma source(%dma_start3A_36 : memref<10000x64xf32, #tpu.memory_space<hbm>>) target(%arg11 : memref<125x64xf32, #tpu.memory_space<vmem>>) offsets(%dma_start3A_33 : memref<125xi32, #tpu.memory_space<vmem>>) semaphore(%arg15 : memref<!tpu.dma_semaphore, #tpu.memory_space<semaphore_mem>>)
    %dma_start3A_37 = arith.constant 2 : i32
    %dma_start3A_38 = arith.constant 0 : i32
    %dma_start3A_39 = tpu.memref_slice %arg8[%dma_start3A_37, %dma_start3A_38] : memref<80x125xi32, #tpu.memory_space<vmem>> -> memref<1x125xi32, #tpu.memory_space<vmem>>
    %dma_start3A_40 = tpu.memref_squeeze %dma_start3A_39 : memref<1x125xi32, #tpu.memory_space<vmem>> -> memref<125xi32, #tpu.memory_space<vmem>>
    %dma_start3A_41 = arith.constant 0 : i32
    %dma_start3A_42 = arith.constant 0 : i32
    %dma_start3A_43 = tpu.memref_slice %arg4[%dma_start3A_41, %dma_start3A_42] : memref<10000x64xf32, #tpu.memory_space<hbm>> -> memref<10000x64xf32, #tpu.memory_space<hbm>>
    tpu.enqueue_indirect_dma source(%dma_start3A_43 : memref<10000x64xf32, #tpu.memory_space<hbm>>) target(%arg12 : memref<125x64xf32, #tpu.memory_space<vmem>>) offsets(%dma_start3A_40 : memref<125xi32, #tpu.memory_space<vmem>>) semaphore(%arg16 : memref<!tpu.dma_semaphore, #tpu.memory_space<semaphore_mem>>)
    %dma_start3A_44 = arith.constant 3 : i32
    %dma_start3A_45 = arith.constant 0 : i32
    %dma_start3A_46 = tpu.memref_slice %arg8[%dma_start3A_44, %dma_start3A_45] : memref<80x125xi32, #tpu.memory_space<vmem>> -> memref<1x125xi32, #tpu.memory_space<vmem>>
    %dma_start3A_47 = tpu.memref_squeeze %dma_start3A_46 : memref<1x125xi32, #tpu.memory_space<vmem>> -> memref<125xi32, #tpu.memory_space<vmem>>
    %dma_start3A_48 = arith.constant 0 : i32
    %dma_start3A_49 = arith.constant 0 : i32
    %dma_start3A_50 = tpu.memref_slice %arg4[%dma_start3A_48, %dma_start3A_49] : memref<10000x64xf32, #tpu.memory_space<hbm>> -> memref<10000x64xf32, #tpu.memory_space<hbm>>
    tpu.enqueue_indirect_dma source(%dma_start3A_50 : memref<10000x64xf32, #tpu.memory_space<hbm>>) target(%arg13 : memref<125x64xf32, #tpu.memory_space<vmem>>) offsets(%dma_start3A_47 : memref<125xi32, #tpu.memory_space<vmem>>) semaphore(%arg17 : memref<!tpu.dma_semaphore, #tpu.memory_space<semaphore_mem>>)
    %dma_wait3A_51 = arith.constant 0 : i32
    %dma_wait3A_52 = tpu.memref_slice %arg7[%mul3A_0, %dma_wait3A_51] : memref<10240x64xf32, #tpu.memory_space<vmem_shared>> -> memref<640x64xf32, #tpu.memory_space<vmem_shared>>
    %dma_wait3A_53 = arith.constant 0 : i32
    %dma_wait3A_54 = tpu.memref_slice %arg5[%mul3A_0, %dma_wait3A_53] : memref<10240x64xf32, #tpu.memory_space<hbm>> -> memref<640x64xf32, #tpu.memory_space<hbm>>
    tpu.wait_dma2 semaphore(%arg22 : memref<!tpu.dma_semaphore, #tpu.memory_space<semaphore_mem>>) src(%dma_wait3A_54 : memref<640x64xf32, #tpu.memory_space<hbm>>) dst(%dma_wait3A_52 : memref<640x64xf32, #tpu.memory_space<vmem_shared>>)
    %barrier3A = arith.constant 0 : index
    tpu.barrier barrier_id(%barrier3A)
    %scan3A = arith.constant 0 : i32
    %scan3A_55 = arith.constant 0 : i32
    %scan3A_56 = arith.constant 20 : i32
    %scan3A_57 = arith.addi %scan3A_55, %scan3A_56 : i32
    %scan3A_58 = arith.constant 1 : i32
    scf.for %scan3A_89 = %scan3A_55 to %scan3A_57 step %scan3A_58  : i32 {
      %mul3A_90 = arith.constant 4 : i32
      %mul3A_91 = arith.muli %mul3A_90, %scan3A_89 : i32
      %add3A_92 = arith.constant 0 : i32
      %add3A_93 = arith.addi %mul3A_91, %add3A_92 : i32
      %dma_wait3A_94 = arith.constant 0 : i32
      %dma_wait3A_95 = tpu.memref_slice %arg8[%add3A_93, %dma_wait3A_94] : memref<80x125xi32, #tpu.memory_space<vmem>> -> memref<1x125xi32, #tpu.memory_space<vmem>>
      %dma_wait3A_96 = tpu.memref_squeeze %dma_wait3A_95 : memref<1x125xi32, #tpu.memory_space<vmem>> -> memref<125xi32, #tpu.memory_space<vmem>>
      %dma_wait3A_97 = arith.constant 0 : i32
      %dma_wait3A_98 = arith.constant 0 : i32
      %dma_wait3A_99 = tpu.memref_slice %arg4[%dma_wait3A_97, %dma_wait3A_98] : memref<10000x64xf32, #tpu.memory_space<hbm>> -> memref<10000x64xf32, #tpu.memory_space<hbm>>
      tpu.wait_indirect_dma semaphore(%arg14 : memref<!tpu.dma_semaphore, #tpu.memory_space<semaphore_mem>>) src(%dma_wait3A_99 : memref<10000x64xf32, #tpu.memory_space<hbm>>) dst(%arg10 : memref<125x64xf32, #tpu.memory_space<vmem>>)
      %dma_start3A_100 = arith.constant 0 : i32
      %dma_start3A_101 = tpu.memref_slice %arg9[%add3A_93, %dma_start3A_100] : memref<80x125xi32, #tpu.memory_space<vmem>> -> memref<1x125xi32, #tpu.memory_space<vmem>>
      %dma_start3A_102 = tpu.memref_squeeze %dma_start3A_101 : memref<1x125xi32, #tpu.memory_space<vmem>> -> memref<125xi32, #tpu.memory_space<vmem>>
      %dma_start3A_103 = arith.constant 0 : i32
      %dma_start3A_104 = arith.constant 0 : i32
      %dma_start3A_105 = tpu.memref_slice %arg7[%dma_start3A_103, %dma_start3A_104] : memref<10240x64xf32, #tpu.memory_space<vmem_shared>> -> memref<10240x64xf32, #tpu.memory_space<vmem_shared>>
      tpu.enqueue_indirect_dma source(%arg10 : memref<125x64xf32, #tpu.memory_space<vmem>>) target(%dma_start3A_105 : memref<10240x64xf32, #tpu.memory_space<vmem_shared>>) offsets(%dma_start3A_102 : memref<125xi32, #tpu.memory_space<vmem>>) semaphore(%arg18 : memref<!tpu.dma_semaphore, #tpu.memory_space<semaphore_mem>>) {add = true}
      %sub3A = arith.constant 1 : i32
      %sub3A_106 = arith.subi %add3A_93, %sub3A : i32
      %ge3A = arith.constant 0 : i32
      %ge3A_107 = arith.cmpi sge, %sub3A_106, %ge3A : i32
      %add3A_108 = arith.constant 4 : i32
      %add3A_109 = arith.addi %sub3A_106, %add3A_108 : i32
      %lt3A = arith.constant 80 : i32
      %lt3A_110 = arith.cmpi slt, %add3A_109, %lt3A : i32
      %and3A = arith.andi %ge3A_107, %lt3A_110 : i1
      %convert_element_type3A = arith.extui %and3A : i1 to i32
      %cond3A = arith.constant 0 : i32
      %cond3A_111 = arith.cmpi ne, %convert_element_type3A, %cond3A : i32
      scf.if %cond3A_111 {
        %dma_wait3A_196 = arith.constant 0 : i32
        %dma_wait3A_197 = arith.constant 0 : i32
        %dma_wait3A_198 = tpu.memref_slice %arg9[%dma_wait3A_196, %dma_wait3A_197] : memref<80x125xi32, #tpu.memory_space<vmem>> -> memref<1x125xi32, #tpu.memory_space<vmem>>
        %dma_wait3A_199 = tpu.memref_squeeze %dma_wait3A_198 : memref<1x125xi32, #tpu.memory_space<vmem>> -> memref<125xi32, #tpu.memory_space<vmem>>
        %dma_wait3A_200 = arith.constant 0 : i32
        %dma_wait3A_201 = arith.constant 0 : i32
        %dma_wait3A_202 = tpu.memref_slice %arg7[%dma_wait3A_200, %dma_wait3A_201] : memref<10240x64xf32, #tpu.memory_space<vmem_shared>> -> memref<10240x64xf32, #tpu.memory_space<vmem_shared>>
        tpu.wait_indirect_dma semaphore(%arg21 : memref<!tpu.dma_semaphore, #tpu.memory_space<semaphore_mem>>) src(%arg13 : memref<125x64xf32, #tpu.memory_space<vmem>>) dst(%dma_wait3A_202 : memref<10240x64xf32, #tpu.memory_space<vmem_shared>>)
        %add3A_203 = arith.constant 4 : i32
        %add3A_204 = arith.addi %sub3A_106, %add3A_203 : i32
        %dma_start3A_205 = arith.constant 0 : i32
        %dma_start3A_206 = tpu.memref_slice %arg8[%add3A_204, %dma_start3A_205] : memref<80x125xi32, #tpu.memory_space<vmem>> -> memref<1x125xi32, #tpu.memory_space<vmem>>
        %dma_start3A_207 = tpu.memref_squeeze %dma_start3A_206 : memref<1x125xi32, #tpu.memory_space<vmem>> -> memref<125xi32, #tpu.memory_space<vmem>>
        %dma_start3A_208 = arith.constant 0 : i32
        %dma_start3A_209 = arith.constant 0 : i32
        %dma_start3A_210 = tpu.memref_slice %arg4[%dma_start3A_208, %dma_start3A_209] : memref<10000x64xf32, #tpu.memory_space<hbm>> -> memref<10000x64xf32, #tpu.memory_space<hbm>>
        tpu.enqueue_indirect_dma source(%dma_start3A_210 : memref<10000x64xf32, #tpu.memory_space<hbm>>) target(%arg13 : memref<125x64xf32, #tpu.memory_space<vmem>>) offsets(%dma_start3A_207 : memref<125xi32, #tpu.memory_space<vmem>>) semaphore(%arg17 : memref<!tpu.dma_semaphore, #tpu.memory_space<semaphore_mem>>)
      } else {
      }
      %mul3A_112 = arith.constant 4 : i32
      %mul3A_113 = arith.muli %mul3A_112, %scan3A_89 : i32
      %add3A_114 = arith.constant 1 : i32
      %add3A_115 = arith.addi %mul3A_113, %add3A_114 : i32
      %dma_wait3A_116 = arith.constant 0 : i32
      %dma_wait3A_117 = tpu.memref_slice %arg8[%add3A_115, %dma_wait3A_116] : memref<80x125xi32, #tpu.memory_space<vmem>> -> memref<1x125xi32, #tpu.memory_space<vmem>>
      %dma_wait3A_118 = tpu.memref_squeeze %dma_wait3A_117 : memref<1x125xi32, #tpu.memory_space<vmem>> -> memref<125xi32, #tpu.memory_space<vmem>>
      %dma_wait3A_119 = arith.constant 0 : i32
      %dma_wait3A_120 = arith.constant 0 : i32
      %dma_wait3A_121 = tpu.memref_slice %arg4[%dma_wait3A_119, %dma_wait3A_120] : memref<10000x64xf32, #tpu.memory_space<hbm>> -> memref<10000x64xf32, #tpu.memory_space<hbm>>
      tpu.wait_indirect_dma semaphore(%arg15 : memref<!tpu.dma_semaphore, #tpu.memory_space<semaphore_mem>>) src(%dma_wait3A_121 : memref<10000x64xf32, #tpu.memory_space<hbm>>) dst(%arg11 : memref<125x64xf32, #tpu.memory_space<vmem>>)
      %dma_start3A_122 = arith.constant 0 : i32
      %dma_start3A_123 = tpu.memref_slice %arg9[%add3A_115, %dma_start3A_122] : memref<80x125xi32, #tpu.memory_space<vmem>> -> memref<1x125xi32, #tpu.memory_space<vmem>>
      %dma_start3A_124 = tpu.memref_squeeze %dma_start3A_123 : memref<1x125xi32, #tpu.memory_space<vmem>> -> memref<125xi32, #tpu.memory_space<vmem>>
      %dma_start3A_125 = arith.constant 0 : i32
      %dma_start3A_126 = arith.constant 0 : i32
      %dma_start3A_127 = tpu.memref_slice %arg7[%dma_start3A_125, %dma_start3A_126] : memref<10240x64xf32, #tpu.memory_space<vmem_shared>> -> memref<10240x64xf32, #tpu.memory_space<vmem_shared>>
      tpu.enqueue_indirect_dma source(%arg11 : memref<125x64xf32, #tpu.memory_space<vmem>>) target(%dma_start3A_127 : memref<10240x64xf32, #tpu.memory_space<vmem_shared>>) offsets(%dma_start3A_124 : memref<125xi32, #tpu.memory_space<vmem>>) semaphore(%arg19 : memref<!tpu.dma_semaphore, #tpu.memory_space<semaphore_mem>>) {add = true}
      %sub3A_128 = arith.constant 1 : i32
      %sub3A_129 = arith.subi %add3A_115, %sub3A_128 : i32
      %ge3A_130 = arith.constant 0 : i32
      %ge3A_131 = arith.cmpi sge, %sub3A_129, %ge3A_130 : i32
      %add3A_132 = arith.constant 4 : i32
      %add3A_133 = arith.addi %sub3A_129, %add3A_132 : i32
      %lt3A_134 = arith.constant 80 : i32
      %lt3A_135 = arith.cmpi slt, %add3A_133, %lt3A_134 : i32
      %and3A_136 = arith.andi %ge3A_131, %lt3A_135 : i1
      %convert_element_type3A_137 = arith.extui %and3A_136 : i1 to i32
      %cond3A_138 = arith.constant 0 : i32
      %cond3A_139 = arith.cmpi ne, %convert_element_type3A_137, %cond3A_138 : i32
      scf.if %cond3A_139 {
        %dma_wait3A_196 = arith.constant 0 : i32
        %dma_wait3A_197 = arith.constant 0 : i32
        %dma_wait3A_198 = tpu.memref_slice %arg9[%dma_wait3A_196, %dma_wait3A_197] : memref<80x125xi32, #tpu.memory_space<vmem>> -> memref<1x125xi32, #tpu.memory_space<vmem>>
        %dma_wait3A_199 = tpu.memref_squeeze %dma_wait3A_198 : memref<1x125xi32, #tpu.memory_space<vmem>> -> memref<125xi32, #tpu.memory_space<vmem>>
        %dma_wait3A_200 = arith.constant 0 : i32
        %dma_wait3A_201 = arith.constant 0 : i32
        %dma_wait3A_202 = tpu.memref_slice %arg7[%dma_wait3A_200, %dma_wait3A_201] : memref<10240x64xf32, #tpu.memory_space<vmem_shared>> -> memref<10240x64xf32, #tpu.memory_space<vmem_shared>>
        tpu.wait_indirect_dma semaphore(%arg18 : memref<!tpu.dma_semaphore, #tpu.memory_space<semaphore_mem>>) src(%arg10 : memref<125x64xf32, #tpu.memory_space<vmem>>) dst(%dma_wait3A_202 : memref<10240x64xf32, #tpu.memory_space<vmem_shared>>)
        %add3A_203 = arith.constant 4 : i32
        %add3A_204 = arith.addi %sub3A_129, %add3A_203 : i32
        %dma_start3A_205 = arith.constant 0 : i32
        %dma_start3A_206 = tpu.memref_slice %arg8[%add3A_204, %dma_start3A_205] : memref<80x125xi32, #tpu.memory_space<vmem>> -> memref<1x125xi32, #tpu.memory_space<vmem>>
        %dma_start3A_207 = tpu.memref_squeeze %dma_start3A_206 : memref<1x125xi32, #tpu.memory_space<vmem>> -> memref<125xi32, #tpu.memory_space<vmem>>
        %dma_start3A_208 = arith.constant 0 : i32
        %dma_start3A_209 = arith.constant 0 : i32
        %dma_start3A_210 = tpu.memref_slice %arg4[%dma_start3A_208, %dma_start3A_209] : memref<10000x64xf32, #tpu.memory_space<hbm>> -> memref<10000x64xf32, #tpu.memory_space<hbm>>
        tpu.enqueue_indirect_dma source(%dma_start3A_210 : memref<10000x64xf32, #tpu.memory_space<hbm>>) target(%arg10 : memref<125x64xf32, #tpu.memory_space<vmem>>) offsets(%dma_start3A_207 : memref<125xi32, #tpu.memory_space<vmem>>) semaphore(%arg14 : memref<!tpu.dma_semaphore, #tpu.memory_space<semaphore_mem>>)
      } else {
      }
      %mul3A_140 = arith.constant 4 : i32
      %mul3A_141 = arith.muli %mul3A_140, %scan3A_89 : i32
      %add3A_142 = arith.constant 2 : i32
      %add3A_143 = arith.addi %mul3A_141, %add3A_142 : i32
      %dma_wait3A_144 = arith.constant 0 : i32
      %dma_wait3A_145 = tpu.memref_slice %arg8[%add3A_143, %dma_wait3A_144] : memref<80x125xi32, #tpu.memory_space<vmem>> -> memref<1x125xi32, #tpu.memory_space<vmem>>
      %dma_wait3A_146 = tpu.memref_squeeze %dma_wait3A_145 : memref<1x125xi32, #tpu.memory_space<vmem>> -> memref<125xi32, #tpu.memory_space<vmem>>
      %dma_wait3A_147 = arith.constant 0 : i32
      %dma_wait3A_148 = arith.constant 0 : i32
      %dma_wait3A_149 = tpu.memref_slice %arg4[%dma_wait3A_147, %dma_wait3A_148] : memref<10000x64xf32, #tpu.memory_space<hbm>> -> memref<10000x64xf32, #tpu.memory_space<hbm>>
      tpu.wait_indirect_dma semaphore(%arg16 : memref<!tpu.dma_semaphore, #tpu.memory_space<semaphore_mem>>) src(%dma_wait3A_149 : memref<10000x64xf32, #tpu.memory_space<hbm>>) dst(%arg12 : memref<125x64xf32, #tpu.memory_space<vmem>>)
      %dma_start3A_150 = arith.constant 0 : i32
      %dma_start3A_151 = tpu.memref_slice %arg9[%add3A_143, %dma_start3A_150] : memref<80x125xi32, #tpu.memory_space<vmem>> -> memref<1x125xi32, #tpu.memory_space<vmem>>
      %dma_start3A_152 = tpu.memref_squeeze %dma_start3A_151 : memref<1x125xi32, #tpu.memory_space<vmem>> -> memref<125xi32, #tpu.memory_space<vmem>>
      %dma_start3A_153 = arith.constant 0 : i32
      %dma_start3A_154 = arith.constant 0 : i32
      %dma_start3A_155 = tpu.memref_slice %arg7[%dma_start3A_153, %dma_start3A_154] : memref<10240x64xf32, #tpu.memory_space<vmem_shared>> -> memref<10240x64xf32, #tpu.memory_space<vmem_shared>>
      tpu.enqueue_indirect_dma source(%arg12 : memref<125x64xf32, #tpu.memory_space<vmem>>) target(%dma_start3A_155 : memref<10240x64xf32, #tpu.memory_space<vmem_shared>>) offsets(%dma_start3A_152 : memref<125xi32, #tpu.memory_space<vmem>>) semaphore(%arg20 : memref<!tpu.dma_semaphore, #tpu.memory_space<semaphore_mem>>) {add = true}
      %sub3A_156 = arith.constant 1 : i32
      %sub3A_157 = arith.subi %add3A_143, %sub3A_156 : i32
      %ge3A_158 = arith.constant 0 : i32
      %ge3A_159 = arith.cmpi sge, %sub3A_157, %ge3A_158 : i32
      %add3A_160 = arith.constant 4 : i32
      %add3A_161 = arith.addi %sub3A_157, %add3A_160 : i32
      %lt3A_162 = arith.constant 80 : i32
      %lt3A_163 = arith.cmpi slt, %add3A_161, %lt3A_162 : i32
      %and3A_164 = arith.andi %ge3A_159, %lt3A_163 : i1
      %convert_element_type3A_165 = arith.extui %and3A_164 : i1 to i32
      %cond3A_166 = arith.constant 0 : i32
      %cond3A_167 = arith.cmpi ne, %convert_element_type3A_165, %cond3A_166 : i32
      scf.if %cond3A_167 {
        %dma_wait3A_196 = arith.constant 0 : i32
        %dma_wait3A_197 = arith.constant 0 : i32
        %dma_wait3A_198 = tpu.memref_slice %arg9[%dma_wait3A_196, %dma_wait3A_197] : memref<80x125xi32, #tpu.memory_space<vmem>> -> memref<1x125xi32, #tpu.memory_space<vmem>>
        %dma_wait3A_199 = tpu.memref_squeeze %dma_wait3A_198 : memref<1x125xi32, #tpu.memory_space<vmem>> -> memref<125xi32, #tpu.memory_space<vmem>>
        %dma_wait3A_200 = arith.constant 0 : i32
        %dma_wait3A_201 = arith.constant 0 : i32
        %dma_wait3A_202 = tpu.memref_slice %arg7[%dma_wait3A_200, %dma_wait3A_201] : memref<10240x64xf32, #tpu.memory_space<vmem_shared>> -> memref<10240x64xf32, #tpu.memory_space<vmem_shared>>
        tpu.wait_indirect_dma semaphore(%arg19 : memref<!tpu.dma_semaphore, #tpu.memory_space<semaphore_mem>>) src(%arg11 : memref<125x64xf32, #tpu.memory_space<vmem>>) dst(%dma_wait3A_202 : memref<10240x64xf32, #tpu.memory_space<vmem_shared>>)
        %add3A_203 = arith.constant 4 : i32
        %add3A_204 = arith.addi %sub3A_157, %add3A_203 : i32
        %dma_start3A_205 = arith.constant 0 : i32
        %dma_start3A_206 = tpu.memref_slice %arg8[%add3A_204, %dma_start3A_205] : memref<80x125xi32, #tpu.memory_space<vmem>> -> memref<1x125xi32, #tpu.memory_space<vmem>>
        %dma_start3A_207 = tpu.memref_squeeze %dma_start3A_206 : memref<1x125xi32, #tpu.memory_space<vmem>> -> memref<125xi32, #tpu.memory_space<vmem>>
        %dma_start3A_208 = arith.constant 0 : i32
        %dma_start3A_209 = arith.constant 0 : i32
        %dma_start3A_210 = tpu.memref_slice %arg4[%dma_start3A_208, %dma_start3A_209] : memref<10000x64xf32, #tpu.memory_space<hbm>> -> memref<10000x64xf32, #tpu.memory_space<hbm>>
        tpu.enqueue_indirect_dma source(%dma_start3A_210 : memref<10000x64xf32, #tpu.memory_space<hbm>>) target(%arg11 : memref<125x64xf32, #tpu.memory_space<vmem>>) offsets(%dma_start3A_207 : memref<125xi32, #tpu.memory_space<vmem>>) semaphore(%arg15 : memref<!tpu.dma_semaphore, #tpu.memory_space<semaphore_mem>>)
      } else {
      }
      %mul3A_168 = arith.constant 4 : i32
      %mul3A_169 = arith.muli %mul3A_168, %scan3A_89 : i32
      %add3A_170 = arith.constant 3 : i32
      %add3A_171 = arith.addi %mul3A_169, %add3A_170 : i32
      %dma_wait3A_172 = arith.constant 0 : i32
      %dma_wait3A_173 = tpu.memref_slice %arg8[%add3A_171, %dma_wait3A_172] : memref<80x125xi32, #tpu.memory_space<vmem>> -> memref<1x125xi32, #tpu.memory_space<vmem>>
      %dma_wait3A_174 = tpu.memref_squeeze %dma_wait3A_173 : memref<1x125xi32, #tpu.memory_space<vmem>> -> memref<125xi32, #tpu.memory_space<vmem>>
      %dma_wait3A_175 = arith.constant 0 : i32
      %dma_wait3A_176 = arith.constant 0 : i32
      %dma_wait3A_177 = tpu.memref_slice %arg4[%dma_wait3A_175, %dma_wait3A_176] : memref<10000x64xf32, #tpu.memory_space<hbm>> -> memref<10000x64xf32, #tpu.memory_space<hbm>>
      tpu.wait_indirect_dma semaphore(%arg17 : memref<!tpu.dma_semaphore, #tpu.memory_space<semaphore_mem>>) src(%dma_wait3A_177 : memref<10000x64xf32, #tpu.memory_space<hbm>>) dst(%arg13 : memref<125x64xf32, #tpu.memory_space<vmem>>)
      %dma_start3A_178 = arith.constant 0 : i32
      %dma_start3A_179 = tpu.memref_slice %arg9[%add3A_171, %dma_start3A_178] : memref<80x125xi32, #tpu.memory_space<vmem>> -> memref<1x125xi32, #tpu.memory_space<vmem>>
      %dma_start3A_180 = tpu.memref_squeeze %dma_start3A_179 : memref<1x125xi32, #tpu.memory_space<vmem>> -> memref<125xi32, #tpu.memory_space<vmem>>
      %dma_start3A_181 = arith.constant 0 : i32
      %dma_start3A_182 = arith.constant 0 : i32
      %dma_start3A_183 = tpu.memref_slice %arg7[%dma_start3A_181, %dma_start3A_182] : memref<10240x64xf32, #tpu.memory_space<vmem_shared>> -> memref<10240x64xf32, #tpu.memory_space<vmem_shared>>
      tpu.enqueue_indirect_dma source(%arg13 : memref<125x64xf32, #tpu.memory_space<vmem>>) target(%dma_start3A_183 : memref<10240x64xf32, #tpu.memory_space<vmem_shared>>) offsets(%dma_start3A_180 : memref<125xi32, #tpu.memory_space<vmem>>) semaphore(%arg21 : memref<!tpu.dma_semaphore, #tpu.memory_space<semaphore_mem>>) {add = true}
      %sub3A_184 = arith.constant 1 : i32
      %sub3A_185 = arith.subi %add3A_171, %sub3A_184 : i32
      %ge3A_186 = arith.constant 0 : i32
      %ge3A_187 = arith.cmpi sge, %sub3A_185, %ge3A_186 : i32
      %add3A_188 = arith.constant 4 : i32
      %add3A_189 = arith.addi %sub3A_185, %add3A_188 : i32
      %lt3A_190 = arith.constant 80 : i32
      %lt3A_191 = arith.cmpi slt, %add3A_189, %lt3A_190 : i32
      %and3A_192 = arith.andi %ge3A_187, %lt3A_191 : i1
      %convert_element_type3A_193 = arith.extui %and3A_192 : i1 to i32
      %cond3A_194 = arith.constant 0 : i32
      %cond3A_195 = arith.cmpi ne, %convert_element_type3A_193, %cond3A_194 : i32
      scf.if %cond3A_195 {
        %dma_wait3A_196 = arith.constant 0 : i32
        %dma_wait3A_197 = arith.constant 0 : i32
        %dma_wait3A_198 = tpu.memref_slice %arg9[%dma_wait3A_196, %dma_wait3A_197] : memref<80x125xi32, #tpu.memory_space<vmem>> -> memref<1x125xi32, #tpu.memory_space<vmem>>
        %dma_wait3A_199 = tpu.memref_squeeze %dma_wait3A_198 : memref<1x125xi32, #tpu.memory_space<vmem>> -> memref<125xi32, #tpu.memory_space<vmem>>
        %dma_wait3A_200 = arith.constant 0 : i32
        %dma_wait3A_201 = arith.constant 0 : i32
        %dma_wait3A_202 = tpu.memref_slice %arg7[%dma_wait3A_200, %dma_wait3A_201] : memref<10240x64xf32, #tpu.memory_space<vmem_shared>> -> memref<10240x64xf32, #tpu.memory_space<vmem_shared>>
        tpu.wait_indirect_dma semaphore(%arg20 : memref<!tpu.dma_semaphore, #tpu.memory_space<semaphore_mem>>) src(%arg12 : memref<125x64xf32, #tpu.memory_space<vmem>>) dst(%dma_wait3A_202 : memref<10240x64xf32, #tpu.memory_space<vmem_shared>>)
        %add3A_203 = arith.constant 4 : i32
        %add3A_204 = arith.addi %sub3A_185, %add3A_203 : i32
        %dma_start3A_205 = arith.constant 0 : i32
        %dma_start3A_206 = tpu.memref_slice %arg8[%add3A_204, %dma_start3A_205] : memref<80x125xi32, #tpu.memory_space<vmem>> -> memref<1x125xi32, #tpu.memory_space<vmem>>
        %dma_start3A_207 = tpu.memref_squeeze %dma_start3A_206 : memref<1x125xi32, #tpu.memory_space<vmem>> -> memref<125xi32, #tpu.memory_space<vmem>>
        %dma_start3A_208 = arith.constant 0 : i32
        %dma_start3A_209 = arith.constant 0 : i32
        %dma_start3A_210 = tpu.memref_slice %arg4[%dma_start3A_208, %dma_start3A_209] : memref<10000x64xf32, #tpu.memory_space<hbm>> -> memref<10000x64xf32, #tpu.memory_space<hbm>>
        tpu.enqueue_indirect_dma source(%dma_start3A_210 : memref<10000x64xf32, #tpu.memory_space<hbm>>) target(%arg12 : memref<125x64xf32, #tpu.memory_space<vmem>>) offsets(%dma_start3A_207 : memref<125xi32, #tpu.memory_space<vmem>>) semaphore(%arg16 : memref<!tpu.dma_semaphore, #tpu.memory_space<semaphore_mem>>)
      } else {
      }
    }
    %scan3A_59 = arith.constant 20 : i32
    %dma_wait3A_60 = arith.constant 0 : i32
    %dma_wait3A_61 = arith.constant 0 : i32
    %dma_wait3A_62 = tpu.memref_slice %arg9[%dma_wait3A_60, %dma_wait3A_61] : memref<80x125xi32, #tpu.memory_space<vmem>> -> memref<1x125xi32, #tpu.memory_space<vmem>>
    %dma_wait3A_63 = tpu.memref_squeeze %dma_wait3A_62 : memref<1x125xi32, #tpu.memory_space<vmem>> -> memref<125xi32, #tpu.memory_space<vmem>>
    %dma_wait3A_64 = arith.constant 0 : i32
    %dma_wait3A_65 = arith.constant 0 : i32
    %dma_wait3A_66 = tpu.memref_slice %arg7[%dma_wait3A_64, %dma_wait3A_65] : memref<10240x64xf32, #tpu.memory_space<vmem_shared>> -> memref<10240x64xf32, #tpu.memory_space<vmem_shared>>
    tpu.wait_indirect_dma semaphore(%arg18 : memref<!tpu.dma_semaphore, #tpu.memory_space<semaphore_mem>>) src(%arg10 : memref<125x64xf32, #tpu.memory_space<vmem>>) dst(%dma_wait3A_66 : memref<10240x64xf32, #tpu.memory_space<vmem_shared>>)
    %dma_wait3A_67 = arith.constant 0 : i32
    %dma_wait3A_68 = arith.constant 0 : i32
    %dma_wait3A_69 = tpu.memref_slice %arg9[%dma_wait3A_67, %dma_wait3A_68] : memref<80x125xi32, #tpu.memory_space<vmem>> -> memref<1x125xi32, #tpu.memory_space<vmem>>
    %dma_wait3A_70 = tpu.memref_squeeze %dma_wait3A_69 : memref<1x125xi32, #tpu.memory_space<vmem>> -> memref<125xi32, #tpu.memory_space<vmem>>
    %dma_wait3A_71 = arith.constant 0 : i32
    %dma_wait3A_72 = arith.constant 0 : i32
    %dma_wait3A_73 = tpu.memref_slice %arg7[%dma_wait3A_71, %dma_wait3A_72] : memref<10240x64xf32, #tpu.memory_space<vmem_shared>> -> memref<10240x64xf32, #tpu.memory_space<vmem_shared>>
    tpu.wait_indirect_dma semaphore(%arg19 : memref<!tpu.dma_semaphore, #tpu.memory_space<semaphore_mem>>) src(%arg11 : memref<125x64xf32, #tpu.memory_space<vmem>>) dst(%dma_wait3A_73 : memref<10240x64xf32, #tpu.memory_space<vmem_shared>>)
    %dma_wait3A_74 = arith.constant 0 : i32
    %dma_wait3A_75 = arith.constant 0 : i32
    %dma_wait3A_76 = tpu.memref_slice %arg9[%dma_wait3A_74, %dma_wait3A_75] : memref<80x125xi32, #tpu.memory_space<vmem>> -> memref<1x125xi32, #tpu.memory_space<vmem>>
    %dma_wait3A_77 = tpu.memref_squeeze %dma_wait3A_76 : memref<1x125xi32, #tpu.memory_space<vmem>> -> memref<125xi32, #tpu.memory_space<vmem>>
    %dma_wait3A_78 = arith.constant 0 : i32
    %dma_wait3A_79 = arith.constant 0 : i32
    %dma_wait3A_80 = tpu.memref_slice %arg7[%dma_wait3A_78, %dma_wait3A_79] : memref<10240x64xf32, #tpu.memory_space<vmem_shared>> -> memref<10240x64xf32, #tpu.memory_space<vmem_shared>>
    tpu.wait_indirect_dma semaphore(%arg20 : memref<!tpu.dma_semaphore, #tpu.memory_space<semaphore_mem>>) src(%arg12 : memref<125x64xf32, #tpu.memory_space<vmem>>) dst(%dma_wait3A_80 : memref<10240x64xf32, #tpu.memory_space<vmem_shared>>)
    %dma_wait3A_81 = arith.constant 0 : i32
    %dma_wait3A_82 = arith.constant 0 : i32
    %dma_wait3A_83 = tpu.memref_slice %arg9[%dma_wait3A_81, %dma_wait3A_82] : memref<80x125xi32, #tpu.memory_space<vmem>> -> memref<1x125xi32, #tpu.memory_space<vmem>>
    %dma_wait3A_84 = tpu.memref_squeeze %dma_wait3A_83 : memref<1x125xi32, #tpu.memory_space<vmem>> -> memref<125xi32, #tpu.memory_space<vmem>>
    %dma_wait3A_85 = arith.constant 0 : i32
    %dma_wait3A_86 = arith.constant 0 : i32
    %dma_wait3A_87 = tpu.memref_slice %arg7[%dma_wait3A_85, %dma_wait3A_86] : memref<10240x64xf32, #tpu.memory_space<vmem_shared>> -> memref<10240x64xf32, #tpu.memory_space<vmem_shared>>
    tpu.wait_indirect_dma semaphore(%arg21 : memref<!tpu.dma_semaphore, #tpu.memory_space<semaphore_mem>>) src(%arg13 : memref<125x64xf32, #tpu.memory_space<vmem>>) dst(%dma_wait3A_87 : memref<10240x64xf32, #tpu.memory_space<vmem_shared>>)
    %barrier3A_88 = arith.constant 0 : index
    tpu.barrier barrier_id(%barrier3A_88)
    "tpu.region"() ({
      %run_scoped3A = tpu.sem_alloc : memref<!tpu.dma_semaphore, #tpu.memory_space<semaphore_mem>>
      %dma_start3A_89 = arith.constant 0 : i32
      %dma_start3A_90 = tpu.memref_slice %arg6[%arg0, %mul3A_0, %dma_start3A_89] : memref<2x10240x64xf32, #tpu.memory_space<hbm>> -> memref<1x640x64xf32, #tpu.memory_space<hbm>>
      %dma_start3A_91 = tpu.memref_squeeze %dma_start3A_90 : memref<1x640x64xf32, #tpu.memory_space<hbm>> -> memref<640x64xf32, #tpu.memory_space<hbm>>
      %dma_start3A_92 = arith.constant 0 : i32
      %dma_start3A_93 = tpu.memref_slice %arg7[%mul3A_0, %dma_start3A_92] : memref<10240x64xf32, #tpu.memory_space<vmem_shared>> -> memref<640x64xf32, #tpu.memory_space<vmem_shared>>
      tpu.enqueue_dma source(%dma_start3A_93 : memref<640x64xf32, #tpu.memory_space<vmem_shared>>) target(%dma_start3A_91 : memref<640x64xf32, #tpu.memory_space<hbm>>) target_semaphore(%run_scoped3A : memref<!tpu.dma_semaphore, #tpu.memory_space<semaphore_mem>>)
      %dma_wait3A_94 = arith.constant 0 : i32
      %dma_wait3A_95 = tpu.memref_slice %arg6[%arg0, %mul3A_0, %dma_wait3A_94] : memref<2x10240x64xf32, #tpu.memory_space<hbm>> -> memref<1x640x64xf32, #tpu.memory_space<hbm>>
      %dma_wait3A_96 = tpu.memref_squeeze %dma_wait3A_95 : memref<1x640x64xf32, #tpu.memory_space<hbm>> -> memref<640x64xf32, #tpu.memory_space<hbm>>
      %dma_wait3A_97 = arith.constant 0 : i32
      %dma_wait3A_98 = tpu.memref_slice %arg7[%mul3A_0, %dma_wait3A_97] : memref<10240x64xf32, #tpu.memory_space<vmem_shared>> -> memref<640x64xf32, #tpu.memory_space<vmem_shared>>
      tpu.wait_dma2 semaphore(%run_scoped3A : memref<!tpu.dma_semaphore, #tpu.memory_space<semaphore_mem>>) src(%dma_wait3A_98 : memref<640x64xf32, #tpu.memory_space<vmem_shared>>) dst(%dma_wait3A_96 : memref<640x64xf32, #tpu.memory_space<hbm>>)
      tpu.yield
    }) : () -> ()
    return
  }
}

#map = affine_map<(d0, d1) -> (0, 0)>
#map1 = affine_map<(d0, d1) -> (0, 0, 0)>
module attributes {stable_mosaic.version = 14 : i64} {
  func.func @kern(%arg0: i32, %arg1: i32, %arg2: memref<2560x125xi32, #tpu.memory_space<hbm>>, %arg3: memref<2560x125xi32, #tpu.memory_space<hbm>>, %arg4: memref<10000x64xf32, #tpu.memory_space<hbm>>, %arg5: memref<10240x64xf32, #tpu.memory_space<hbm>>, %arg6: memref<2x10240x64xf32, #tpu.memory_space<hbm>>, %arg7: memref<10240x64xf32, #tpu.memory_space<vmem_shared>>, %arg8: memref<80x125xi32, #tpu.memory_space<vmem>>, %arg9: memref<80x125xi32, #tpu.memory_space<vmem>>, %arg10: memref<125x64xf32, #tpu.memory_space<vmem>>, %arg11: memref<125x64xf32, #tpu.memory_space<vmem>>, %arg12: memref<125x64xf32, #tpu.memory_space<vmem>>, %arg13: memref<125x64xf32, #tpu.memory_space<vmem>>, %arg14: memref<!tpu.dma_semaphore, #tpu.memory_space<semaphore_mem>>, %arg15: memref<!tpu.dma_semaphore, #tpu.memory_space<semaphore_mem>>, %arg16: memref<!tpu.dma_semaphore, #tpu.memory_space<semaphore_mem>>, %arg17: memref<!tpu.dma_semaphore, #tpu.memory_space<semaphore_mem>>, %arg18: memref<!tpu.dma_semaphore, #tpu.memory_space<semaphore_mem>>, %arg19: memref<!tpu.dma_semaphore, #tpu.memory_space<semaphore_mem>>, %arg20: memref<!tpu.dma_semaphore, #tpu.memory_space<semaphore_mem>>, %arg21: memref<!tpu.dma_semaphore, #tpu.memory_space<semaphore_mem>>, %arg22: memref<!tpu.dma_semaphore, #tpu.memory_space<semaphore_mem>>, %arg23: memref<!tpu.dma_semaphore, #tpu.memory_space<semaphore_mem>>) attributes {dimension_semantics = [#tpu.dimension_semantics<core_parallel>, #tpu.dimension_semantics<subcore_parallel>], iteration_bounds = array<i64: 2, 16>, scalar_prefetch = 0 : i64, scratch_operands = 17 : i64, tpu.core_type = #tpu.core_type<sc_vector_subcore>, window_params = [{transform_indices = #map}, {transform_indices = #map}, {transform_indices = #map}, {transform_indices = #map}, {transform_indices = #map1}]} {
    %mul3A = arith.constant 640 : i32
    %mul3A_0 = arith.muli %arg1, %mul3A : i32
    %dma_start3A = arith.constant 0 : i32
    %dma_start3A_1 = tpu.memref_slice %arg7[%mul3A_0, %dma_start3A] : memref<10240x64xf32, #tpu.memory_space<vmem_shared>> -> memref<640x64xf32, #tpu.memory_space<vmem_shared>>
    %dma_start3A_2 = arith.constant 0 : i32
    %dma_start3A_3 = tpu.memref_slice %arg5[%mul3A_0, %dma_start3A_2] : memref<10240x64xf32, #tpu.memory_space<hbm>> -> memref<640x64xf32, #tpu.memory_space<hbm>>
    tpu.enqueue_dma source(%dma_start3A_3 : memref<640x64xf32, #tpu.memory_space<hbm>>) target(%dma_start3A_1 : memref<640x64xf32, #tpu.memory_space<vmem_shared>>) target_semaphore(%arg22 : memref<!tpu.dma_semaphore, #tpu.memory_space<semaphore_mem>>)
    %mul3A_4 = arith.constant 1280 : i32
    %mul3A_5 = arith.muli %arg0, %mul3A_4 : i32
    %mul3A_6 = arith.constant 80 : i32
    %mul3A_7 = arith.muli %arg1, %mul3A_6 : i32
    %add3A = arith.addi %mul3A_5, %mul3A_7 : i32
    %dma_start3A_8 = arith.constant 0 : i32
    %dma_start3A_9 = tpu.memref_slice %arg2[%add3A, %dma_start3A_8] : memref<2560x125xi32, #tpu.memory_space<hbm>> -> memref<80x125xi32, #tpu.memory_space<hbm>>
    %dma_start3A_10 = arith.constant 0 : i32
    %dma_start3A_11 = tpu.memref_slice %arg2[%add3A, %dma_start3A_10] : memref<2560x125xi32, #tpu.memory_space<hbm>> -> memref<80x125xi32, #tpu.memory_space<hbm>>
    tpu.enqueue_dma source(%dma_start3A_11 : memref<80x125xi32, #tpu.memory_space<hbm>>) target(%arg8 : memref<80x125xi32, #tpu.memory_space<vmem>>) target_semaphore(%arg23 : memref<!tpu.dma_semaphore, #tpu.memory_space<semaphore_mem>>)
    %dma_start3A_12 = arith.constant 0 : i32
    %dma_start3A_13 = tpu.memref_slice %arg3[%add3A, %dma_start3A_12] : memref<2560x125xi32, #tpu.memory_space<hbm>> -> memref<80x125xi32, #tpu.memory_space<hbm>>
    %dma_start3A_14 = arith.constant 0 : i32
    %dma_start3A_15 = tpu.memref_slice %arg3[%add3A, %dma_start3A_14] : memref<2560x125xi32, #tpu.memory_space<hbm>> -> memref<80x125xi32, #tpu.memory_space<hbm>>
    tpu.enqueue_dma source(%dma_start3A_15 : memref<80x125xi32, #tpu.memory_space<hbm>>) target(%arg9 : memref<80x125xi32, #tpu.memory_space<vmem>>) target_semaphore(%arg23 : memref<!tpu.dma_semaphore, #tpu.memory_space<semaphore_mem>>)
    %dma_wait3A = arith.constant 0 : i32
    %dma_wait3A_16 = tpu.memref_slice %arg2[%add3A, %dma_wait3A] : memref<2560x125xi32, #tpu.memory_space<hbm>> -> memref<80x125xi32, #tpu.memory_space<hbm>>
    %dma_wait3A_17 = arith.constant 0 : i32
    %dma_wait3A_18 = tpu.memref_slice %arg2[%add3A, %dma_wait3A_17] : memref<2560x125xi32, #tpu.memory_space<hbm>> -> memref<80x125xi32, #tpu.memory_space<hbm>>
    tpu.wait_dma2 semaphore(%arg23 : memref<!tpu.dma_semaphore, #tpu.memory_space<semaphore_mem>>) src(%dma_wait3A_18 : memref<80x125xi32, #tpu.memory_space<hbm>>) dst(%arg8 : memref<80x125xi32, #tpu.memory_space<vmem>>)
    %dma_wait3A_19 = arith.constant 0 : i32
    %dma_wait3A_20 = tpu.memref_slice %arg3[%add3A, %dma_wait3A_19] : memref<2560x125xi32, #tpu.memory_space<hbm>> -> memref<80x125xi32, #tpu.memory_space<hbm>>
    %dma_wait3A_21 = arith.constant 0 : i32
    %dma_wait3A_22 = tpu.memref_slice %arg3[%add3A, %dma_wait3A_21] : memref<2560x125xi32, #tpu.memory_space<hbm>> -> memref<80x125xi32, #tpu.memory_space<hbm>>
    tpu.wait_dma2 semaphore(%arg23 : memref<!tpu.dma_semaphore, #tpu.memory_space<semaphore_mem>>) src(%dma_wait3A_22 : memref<80x125xi32, #tpu.memory_space<hbm>>) dst(%arg9 : memref<80x125xi32, #tpu.memory_space<vmem>>)
    %dma_start3A_23 = arith.constant 0 : i32
    %dma_start3A_24 = arith.constant 0 : i32
    %dma_start3A_25 = tpu.memref_slice %arg8[%dma_start3A_23, %dma_start3A_24] : memref<80x125xi32, #tpu.memory_space<vmem>> -> memref<1x125xi32, #tpu.memory_space<vmem>>
    %dma_start3A_26 = tpu.memref_squeeze %dma_start3A_25 : memref<1x125xi32, #tpu.memory_space<vmem>> -> memref<125xi32, #tpu.memory_space<vmem>>
    %dma_start3A_27 = arith.constant 0 : i32
    %dma_start3A_28 = arith.constant 0 : i32
    %dma_start3A_29 = tpu.memref_slice %arg4[%dma_start3A_27, %dma_start3A_28] : memref<10000x64xf32, #tpu.memory_space<hbm>> -> memref<10000x64xf32, #tpu.memory_space<hbm>>
    tpu.enqueue_indirect_dma source(%dma_start3A_29 : memref<10000x64xf32, #tpu.memory_space<hbm>>) target(%arg10 : memref<125x64xf32, #tpu.memory_space<vmem>>) offsets(%dma_start3A_26 : memref<125xi32, #tpu.memory_space<vmem>>) semaphore(%arg14 : memref<!tpu.dma_semaphore, #tpu.memory_space<semaphore_mem>>)
    %dma_start3A_30 = arith.constant 1 : i32
    %dma_start3A_31 = arith.constant 0 : i32
    %dma_start3A_32 = tpu.memref_slice %arg8[%dma_start3A_30, %dma_start3A_31] : memref<80x125xi32, #tpu.memory_space<vmem>> -> memref<1x125xi32, #tpu.memory_space<vmem>>
    %dma_start3A_33 = tpu.memref_squeeze %dma_start3A_32 : memref<1x125xi32, #tpu.memory_space<vmem>> -> memref<125xi32, #tpu.memory_space<vmem>>
    %dma_start3A_34 = arith.constant 0 : i32
    %dma_start3A_35 = arith.constant 0 : i32
    %dma_start3A_36 = tpu.memref_slice %arg4[%dma_start3A_34, %dma_start3A_35] : memref<10000x64xf32, #tpu.memory_space<hbm>> -> memref<10000x64xf32, #tpu.memory_space<hbm>>
    tpu.enqueue_indirect_dma source(%dma_start3A_36 : memref<10000x64xf32, #tpu.memory_space<hbm>>) target(%arg11 : memref<125x64xf32, #tpu.memory_space<vmem>>) offsets(%dma_start3A_33 : memref<125xi32, #tpu.memory_space<vmem>>) semaphore(%arg15 : memref<!tpu.dma_semaphore, #tpu.memory_space<semaphore_mem>>)
    %dma_start3A_37 = arith.constant 2 : i32
    %dma_start3A_38 = arith.constant 0 : i32
    %dma_start3A_39 = tpu.memref_slice %arg8[%dma_start3A_37, %dma_start3A_38] : memref<80x125xi32, #tpu.memory_space<vmem>> -> memref<1x125xi32, #tpu.memory_space<vmem>>
    %dma_start3A_40 = tpu.memref_squeeze %dma_start3A_39 : memref<1x125xi32, #tpu.memory_space<vmem>> -> memref<125xi32, #tpu.memory_space<vmem>>
    %dma_start3A_41 = arith.constant 0 : i32
    %dma_start3A_42 = arith.constant 0 : i32
    %dma_start3A_43 = tpu.memref_slice %arg4[%dma_start3A_41, %dma_start3A_42] : memref<10000x64xf32, #tpu.memory_space<hbm>> -> memref<10000x64xf32, #tpu.memory_space<hbm>>
    tpu.enqueue_indirect_dma source(%dma_start3A_43 : memref<10000x64xf32, #tpu.memory_space<hbm>>) target(%arg12 : memref<125x64xf32, #tpu.memory_space<vmem>>) offsets(%dma_start3A_40 : memref<125xi32, #tpu.memory_space<vmem>>) semaphore(%arg16 : memref<!tpu.dma_semaphore, #tpu.memory_space<semaphore_mem>>)
    %dma_start3A_44 = arith.constant 3 : i32
    %dma_start3A_45 = arith.constant 0 : i32
    %dma_start3A_46 = tpu.memref_slice %arg8[%dma_start3A_44, %dma_start3A_45] : memref<80x125xi32, #tpu.memory_space<vmem>> -> memref<1x125xi32, #tpu.memory_space<vmem>>
    %dma_start3A_47 = tpu.memref_squeeze %dma_start3A_46 : memref<1x125xi32, #tpu.memory_space<vmem>> -> memref<125xi32, #tpu.memory_space<vmem>>
    %dma_start3A_48 = arith.constant 0 : i32
    %dma_start3A_49 = arith.constant 0 : i32
    %dma_start3A_50 = tpu.memref_slice %arg4[%dma_start3A_48, %dma_start3A_49] : memref<10000x64xf32, #tpu.memory_space<hbm>> -> memref<10000x64xf32, #tpu.memory_space<hbm>>
    tpu.enqueue_indirect_dma source(%dma_start3A_50 : memref<10000x64xf32, #tpu.memory_space<hbm>>) target(%arg13 : memref<125x64xf32, #tpu.memory_space<vmem>>) offsets(%dma_start3A_47 : memref<125xi32, #tpu.memory_space<vmem>>) semaphore(%arg17 : memref<!tpu.dma_semaphore, #tpu.memory_space<semaphore_mem>>)
    %dma_wait3A_51 = arith.constant 0 : i32
    %dma_wait3A_52 = tpu.memref_slice %arg7[%mul3A_0, %dma_wait3A_51] : memref<10240x64xf32, #tpu.memory_space<vmem_shared>> -> memref<640x64xf32, #tpu.memory_space<vmem_shared>>
    %dma_wait3A_53 = arith.constant 0 : i32
    %dma_wait3A_54 = tpu.memref_slice %arg5[%mul3A_0, %dma_wait3A_53] : memref<10240x64xf32, #tpu.memory_space<hbm>> -> memref<640x64xf32, #tpu.memory_space<hbm>>
    tpu.wait_dma2 semaphore(%arg22 : memref<!tpu.dma_semaphore, #tpu.memory_space<semaphore_mem>>) src(%dma_wait3A_54 : memref<640x64xf32, #tpu.memory_space<hbm>>) dst(%dma_wait3A_52 : memref<640x64xf32, #tpu.memory_space<vmem_shared>>)
    %barrier3A = arith.constant 0 : index
    tpu.barrier barrier_id(%barrier3A)
    %scan3A = arith.constant 0 : i32
    %scan3A_55 = arith.constant 0 : i32
    %scan3A_56 = arith.constant 20 : i32
    %scan3A_57 = arith.addi %scan3A_55, %scan3A_56 : i32
    %scan3A_58 = arith.constant 1 : i32
    scf.for %scan3A_89 = %scan3A_55 to %scan3A_57 step %scan3A_58  : i32 {
      %mul3A_90 = arith.constant 4 : i32
      %mul3A_91 = arith.muli %mul3A_90, %scan3A_89 : i32
      %add3A_92 = arith.constant 0 : i32
      %add3A_93 = arith.addi %mul3A_91, %add3A_92 : i32
      %dma_wait3A_94 = arith.constant 0 : i32
      %dma_wait3A_95 = tpu.memref_slice %arg8[%add3A_93, %dma_wait3A_94] : memref<80x125xi32, #tpu.memory_space<vmem>> -> memref<1x125xi32, #tpu.memory_space<vmem>>
      %dma_wait3A_96 = tpu.memref_squeeze %dma_wait3A_95 : memref<1x125xi32, #tpu.memory_space<vmem>> -> memref<125xi32, #tpu.memory_space<vmem>>
      %dma_wait3A_97 = arith.constant 0 : i32
      %dma_wait3A_98 = arith.constant 0 : i32
      %dma_wait3A_99 = tpu.memref_slice %arg4[%dma_wait3A_97, %dma_wait3A_98] : memref<10000x64xf32, #tpu.memory_space<hbm>> -> memref<10000x64xf32, #tpu.memory_space<hbm>>
      tpu.wait_indirect_dma semaphore(%arg14 : memref<!tpu.dma_semaphore, #tpu.memory_space<semaphore_mem>>) src(%dma_wait3A_99 : memref<10000x64xf32, #tpu.memory_space<hbm>>) dst(%arg10 : memref<125x64xf32, #tpu.memory_space<vmem>>)
      %dma_start3A_100 = arith.constant 0 : i32
      %dma_start3A_101 = tpu.memref_slice %arg9[%add3A_93, %dma_start3A_100] : memref<80x125xi32, #tpu.memory_space<vmem>> -> memref<1x125xi32, #tpu.memory_space<vmem>>
      %dma_start3A_102 = tpu.memref_squeeze %dma_start3A_101 : memref<1x125xi32, #tpu.memory_space<vmem>> -> memref<125xi32, #tpu.memory_space<vmem>>
      %dma_start3A_103 = arith.constant 0 : i32
      %dma_start3A_104 = arith.constant 0 : i32
      %dma_start3A_105 = tpu.memref_slice %arg7[%dma_start3A_103, %dma_start3A_104] : memref<10240x64xf32, #tpu.memory_space<vmem_shared>> -> memref<10240x64xf32, #tpu.memory_space<vmem_shared>>
      tpu.enqueue_indirect_dma source(%arg10 : memref<125x64xf32, #tpu.memory_space<vmem>>) target(%dma_start3A_105 : memref<10240x64xf32, #tpu.memory_space<vmem_shared>>) offsets(%dma_start3A_102 : memref<125xi32, #tpu.memory_space<vmem>>) semaphore(%arg18 : memref<!tpu.dma_semaphore, #tpu.memory_space<semaphore_mem>>) {add = true}
      %sub3A = arith.constant 1 : i32
      %sub3A_106 = arith.subi %add3A_93, %sub3A : i32
      %ge3A = arith.constant 0 : i32
      %ge3A_107 = arith.cmpi sge, %sub3A_106, %ge3A : i32
      %add3A_108 = arith.constant 4 : i32
      %add3A_109 = arith.addi %sub3A_106, %add3A_108 : i32
      %lt3A = arith.constant 80 : i32
      %lt3A_110 = arith.cmpi slt, %add3A_109, %lt3A : i32
      %and3A = arith.andi %ge3A_107, %lt3A_110 : i1
      %convert_element_type3A = arith.extui %and3A : i1 to i32
      %cond3A = arith.constant 0 : i32
      %cond3A_111 = arith.cmpi ne, %convert_element_type3A, %cond3A : i32
      scf.if %cond3A_111 {
        %dma_wait3A_196 = arith.constant 0 : i32
        %dma_wait3A_197 = arith.constant 0 : i32
        %dma_wait3A_198 = tpu.memref_slice %arg9[%dma_wait3A_196, %dma_wait3A_197] : memref<80x125xi32, #tpu.memory_space<vmem>> -> memref<1x125xi32, #tpu.memory_space<vmem>>
        %dma_wait3A_199 = tpu.memref_squeeze %dma_wait3A_198 : memref<1x125xi32, #tpu.memory_space<vmem>> -> memref<125xi32, #tpu.memory_space<vmem>>
        %dma_wait3A_200 = arith.constant 0 : i32
        %dma_wait3A_201 = arith.constant 0 : i32
        %dma_wait3A_202 = tpu.memref_slice %arg7[%dma_wait3A_200, %dma_wait3A_201] : memref<10240x64xf32, #tpu.memory_space<vmem_shared>> -> memref<10240x64xf32, #tpu.memory_space<vmem_shared>>
        tpu.wait_indirect_dma semaphore(%arg21 : memref<!tpu.dma_semaphore, #tpu.memory_space<semaphore_mem>>) src(%arg13 : memref<125x64xf32, #tpu.memory_space<vmem>>) dst(%dma_wait3A_202 : memref<10240x64xf32, #tpu.memory_space<vmem_shared>>)
        %add3A_203 = arith.constant 4 : i32
        %add3A_204 = arith.addi %sub3A_106, %add3A_203 : i32
        %dma_start3A_205 = arith.constant 0 : i32
        %dma_start3A_206 = tpu.memref_slice %arg8[%add3A_204, %dma_start3A_205] : memref<80x125xi32, #tpu.memory_space<vmem>> -> memref<1x125xi32, #tpu.memory_space<vmem>>
        %dma_start3A_207 = tpu.memref_squeeze %dma_start3A_206 : memref<1x125xi32, #tpu.memory_space<vmem>> -> memref<125xi32, #tpu.memory_space<vmem>>
        %dma_start3A_208 = arith.constant 0 : i32
        %dma_start3A_209 = arith.constant 0 : i32
        %dma_start3A_210 = tpu.memref_slice %arg4[%dma_start3A_208, %dma_start3A_209] : memref<10000x64xf32, #tpu.memory_space<hbm>> -> memref<10000x64xf32, #tpu.memory_space<hbm>>
        tpu.enqueue_indirect_dma source(%dma_start3A_210 : memref<10000x64xf32, #tpu.memory_space<hbm>>) target(%arg13 : memref<125x64xf32, #tpu.memory_space<vmem>>) offsets(%dma_start3A_207 : memref<125xi32, #tpu.memory_space<vmem>>) semaphore(%arg17 : memref<!tpu.dma_semaphore, #tpu.memory_space<semaphore_mem>>)
      } else {
      }
      %mul3A_112 = arith.constant 4 : i32
      %mul3A_113 = arith.muli %mul3A_112, %scan3A_89 : i32
      %add3A_114 = arith.constant 1 : i32
      %add3A_115 = arith.addi %mul3A_113, %add3A_114 : i32
      %dma_wait3A_116 = arith.constant 0 : i32
      %dma_wait3A_117 = tpu.memref_slice %arg8[%add3A_115, %dma_wait3A_116] : memref<80x125xi32, #tpu.memory_space<vmem>> -> memref<1x125xi32, #tpu.memory_space<vmem>>
      %dma_wait3A_118 = tpu.memref_squeeze %dma_wait3A_117 : memref<1x125xi32, #tpu.memory_space<vmem>> -> memref<125xi32, #tpu.memory_space<vmem>>
      %dma_wait3A_119 = arith.constant 0 : i32
      %dma_wait3A_120 = arith.constant 0 : i32
      %dma_wait3A_121 = tpu.memref_slice %arg4[%dma_wait3A_119, %dma_wait3A_120] : memref<10000x64xf32, #tpu.memory_space<hbm>> -> memref<10000x64xf32, #tpu.memory_space<hbm>>
      tpu.wait_indirect_dma semaphore(%arg15 : memref<!tpu.dma_semaphore, #tpu.memory_space<semaphore_mem>>) src(%dma_wait3A_121 : memref<10000x64xf32, #tpu.memory_space<hbm>>) dst(%arg11 : memref<125x64xf32, #tpu.memory_space<vmem>>)
      %dma_start3A_122 = arith.constant 0 : i32
      %dma_start3A_123 = tpu.memref_slice %arg9[%add3A_115, %dma_start3A_122] : memref<80x125xi32, #tpu.memory_space<vmem>> -> memref<1x125xi32, #tpu.memory_space<vmem>>
      %dma_start3A_124 = tpu.memref_squeeze %dma_start3A_123 : memref<1x125xi32, #tpu.memory_space<vmem>> -> memref<125xi32, #tpu.memory_space<vmem>>
      %dma_start3A_125 = arith.constant 0 : i32
      %dma_start3A_126 = arith.constant 0 : i32
      %dma_start3A_127 = tpu.memref_slice %arg7[%dma_start3A_125, %dma_start3A_126] : memref<10240x64xf32, #tpu.memory_space<vmem_shared>> -> memref<10240x64xf32, #tpu.memory_space<vmem_shared>>
      tpu.enqueue_indirect_dma source(%arg11 : memref<125x64xf32, #tpu.memory_space<vmem>>) target(%dma_start3A_127 : memref<10240x64xf32, #tpu.memory_space<vmem_shared>>) offsets(%dma_start3A_124 : memref<125xi32, #tpu.memory_space<vmem>>) semaphore(%arg19 : memref<!tpu.dma_semaphore, #tpu.memory_space<semaphore_mem>>) {add = true}
      %sub3A_128 = arith.constant 1 : i32
      %sub3A_129 = arith.subi %add3A_115, %sub3A_128 : i32
      %ge3A_130 = arith.constant 0 : i32
      %ge3A_131 = arith.cmpi sge, %sub3A_129, %ge3A_130 : i32
      %add3A_132 = arith.constant 4 : i32
      %add3A_133 = arith.addi %sub3A_129, %add3A_132 : i32
      %lt3A_134 = arith.constant 80 : i32
      %lt3A_135 = arith.cmpi slt, %add3A_133, %lt3A_134 : i32
      %and3A_136 = arith.andi %ge3A_131, %lt3A_135 : i1
      %convert_element_type3A_137 = arith.extui %and3A_136 : i1 to i32
      %cond3A_138 = arith.constant 0 : i32
      %cond3A_139 = arith.cmpi ne, %convert_element_type3A_137, %cond3A_138 : i32
      scf.if %cond3A_139 {
        %dma_wait3A_196 = arith.constant 0 : i32
        %dma_wait3A_197 = arith.constant 0 : i32
        %dma_wait3A_198 = tpu.memref_slice %arg9[%dma_wait3A_196, %dma_wait3A_197] : memref<80x125xi32, #tpu.memory_space<vmem>> -> memref<1x125xi32, #tpu.memory_space<vmem>>
        %dma_wait3A_199 = tpu.memref_squeeze %dma_wait3A_198 : memref<1x125xi32, #tpu.memory_space<vmem>> -> memref<125xi32, #tpu.memory_space<vmem>>
        %dma_wait3A_200 = arith.constant 0 : i32
        %dma_wait3A_201 = arith.constant 0 : i32
        %dma_wait3A_202 = tpu.memref_slice %arg7[%dma_wait3A_200, %dma_wait3A_201] : memref<10240x64xf32, #tpu.memory_space<vmem_shared>> -> memref<10240x64xf32, #tpu.memory_space<vmem_shared>>
        tpu.wait_indirect_dma semaphore(%arg18 : memref<!tpu.dma_semaphore, #tpu.memory_space<semaphore_mem>>) src(%arg10 : memref<125x64xf32, #tpu.memory_space<vmem>>) dst(%dma_wait3A_202 : memref<10240x64xf32, #tpu.memory_space<vmem_shared>>)
        %add3A_203 = arith.constant 4 : i32
        %add3A_204 = arith.addi %sub3A_129, %add3A_203 : i32
        %dma_start3A_205 = arith.constant 0 : i32
        %dma_start3A_206 = tpu.memref_slice %arg8[%add3A_204, %dma_start3A_205] : memref<80x125xi32, #tpu.memory_space<vmem>> -> memref<1x125xi32, #tpu.memory_space<vmem>>
        %dma_start3A_207 = tpu.memref_squeeze %dma_start3A_206 : memref<1x125xi32, #tpu.memory_space<vmem>> -> memref<125xi32, #tpu.memory_space<vmem>>
        %dma_start3A_208 = arith.constant 0 : i32
        %dma_start3A_209 = arith.constant 0 : i32
        %dma_start3A_210 = tpu.memref_slice %arg4[%dma_start3A_208, %dma_start3A_209] : memref<10000x64xf32, #tpu.memory_space<hbm>> -> memref<10000x64xf32, #tpu.memory_space<hbm>>
        tpu.enqueue_indirect_dma source(%dma_start3A_210 : memref<10000x64xf32, #tpu.memory_space<hbm>>) target(%arg10 : memref<125x64xf32, #tpu.memory_space<vmem>>) offsets(%dma_start3A_207 : memref<125xi32, #tpu.memory_space<vmem>>) semaphore(%arg14 : memref<!tpu.dma_semaphore, #tpu.memory_space<semaphore_mem>>)
      } else {
      }
      %mul3A_140 = arith.constant 4 : i32
      %mul3A_141 = arith.muli %mul3A_140, %scan3A_89 : i32
      %add3A_142 = arith.constant 2 : i32
      %add3A_143 = arith.addi %mul3A_141, %add3A_142 : i32
      %dma_wait3A_144 = arith.constant 0 : i32
      %dma_wait3A_145 = tpu.memref_slice %arg8[%add3A_143, %dma_wait3A_144] : memref<80x125xi32, #tpu.memory_space<vmem>> -> memref<1x125xi32, #tpu.memory_space<vmem>>
      %dma_wait3A_146 = tpu.memref_squeeze %dma_wait3A_145 : memref<1x125xi32, #tpu.memory_space<vmem>> -> memref<125xi32, #tpu.memory_space<vmem>>
      %dma_wait3A_147 = arith.constant 0 : i32
      %dma_wait3A_148 = arith.constant 0 : i32
      %dma_wait3A_149 = tpu.memref_slice %arg4[%dma_wait3A_147, %dma_wait3A_148] : memref<10000x64xf32, #tpu.memory_space<hbm>> -> memref<10000x64xf32, #tpu.memory_space<hbm>>
      tpu.wait_indirect_dma semaphore(%arg16 : memref<!tpu.dma_semaphore, #tpu.memory_space<semaphore_mem>>) src(%dma_wait3A_149 : memref<10000x64xf32, #tpu.memory_space<hbm>>) dst(%arg12 : memref<125x64xf32, #tpu.memory_space<vmem>>)
      %dma_start3A_150 = arith.constant 0 : i32
      %dma_start3A_151 = tpu.memref_slice %arg9[%add3A_143, %dma_start3A_150] : memref<80x125xi32, #tpu.memory_space<vmem>> -> memref<1x125xi32, #tpu.memory_space<vmem>>
      %dma_start3A_152 = tpu.memref_squeeze %dma_start3A_151 : memref<1x125xi32, #tpu.memory_space<vmem>> -> memref<125xi32, #tpu.memory_space<vmem>>
      %dma_start3A_153 = arith.constant 0 : i32
      %dma_start3A_154 = arith.constant 0 : i32
      %dma_start3A_155 = tpu.memref_slice %arg7[%dma_start3A_153, %dma_start3A_154] : memref<10240x64xf32, #tpu.memory_space<vmem_shared>> -> memref<10240x64xf32, #tpu.memory_space<vmem_shared>>
      tpu.enqueue_indirect_dma source(%arg12 : memref<125x64xf32, #tpu.memory_space<vmem>>) target(%dma_start3A_155 : memref<10240x64xf32, #tpu.memory_space<vmem_shared>>) offsets(%dma_start3A_152 : memref<125xi32, #tpu.memory_space<vmem>>) semaphore(%arg20 : memref<!tpu.dma_semaphore, #tpu.memory_space<semaphore_mem>>) {add = true}
      %sub3A_156 = arith.constant 1 : i32
      %sub3A_157 = arith.subi %add3A_143, %sub3A_156 : i32
      %ge3A_158 = arith.constant 0 : i32
      %ge3A_159 = arith.cmpi sge, %sub3A_157, %ge3A_158 : i32
      %add3A_160 = arith.constant 4 : i32
      %add3A_161 = arith.addi %sub3A_157, %add3A_160 : i32
      %lt3A_162 = arith.constant 80 : i32
      %lt3A_163 = arith.cmpi slt, %add3A_161, %lt3A_162 : i32
      %and3A_164 = arith.andi %ge3A_159, %lt3A_163 : i1
      %convert_element_type3A_165 = arith.extui %and3A_164 : i1 to i32
      %cond3A_166 = arith.constant 0 : i32
      %cond3A_167 = arith.cmpi ne, %convert_element_type3A_165, %cond3A_166 : i32
      scf.if %cond3A_167 {
        %dma_wait3A_196 = arith.constant 0 : i32
        %dma_wait3A_197 = arith.constant 0 : i32
        %dma_wait3A_198 = tpu.memref_slice %arg9[%dma_wait3A_196, %dma_wait3A_197] : memref<80x125xi32, #tpu.memory_space<vmem>> -> memref<1x125xi32, #tpu.memory_space<vmem>>
        %dma_wait3A_199 = tpu.memref_squeeze %dma_wait3A_198 : memref<1x125xi32, #tpu.memory_space<vmem>> -> memref<125xi32, #tpu.memory_space<vmem>>
        %dma_wait3A_200 = arith.constant 0 : i32
        %dma_wait3A_201 = arith.constant 0 : i32
        %dma_wait3A_202 = tpu.memref_slice %arg7[%dma_wait3A_200, %dma_wait3A_201] : memref<10240x64xf32, #tpu.memory_space<vmem_shared>> -> memref<10240x64xf32, #tpu.memory_space<vmem_shared>>
        tpu.wait_indirect_dma semaphore(%arg19 : memref<!tpu.dma_semaphore, #tpu.memory_space<semaphore_mem>>) src(%arg11 : memref<125x64xf32, #tpu.memory_space<vmem>>) dst(%dma_wait3A_202 : memref<10240x64xf32, #tpu.memory_space<vmem_shared>>)
        %add3A_203 = arith.constant 4 : i32
        %add3A_204 = arith.addi %sub3A_157, %add3A_203 : i32
        %dma_start3A_205 = arith.constant 0 : i32
        %dma_start3A_206 = tpu.memref_slice %arg8[%add3A_204, %dma_start3A_205] : memref<80x125xi32, #tpu.memory_space<vmem>> -> memref<1x125xi32, #tpu.memory_space<vmem>>
        %dma_start3A_207 = tpu.memref_squeeze %dma_start3A_206 : memref<1x125xi32, #tpu.memory_space<vmem>> -> memref<125xi32, #tpu.memory_space<vmem>>
        %dma_start3A_208 = arith.constant 0 : i32
        %dma_start3A_209 = arith.constant 0 : i32
        %dma_start3A_210 = tpu.memref_slice %arg4[%dma_start3A_208, %dma_start3A_209] : memref<10000x64xf32, #tpu.memory_space<hbm>> -> memref<10000x64xf32, #tpu.memory_space<hbm>>
        tpu.enqueue_indirect_dma source(%dma_start3A_210 : memref<10000x64xf32, #tpu.memory_space<hbm>>) target(%arg11 : memref<125x64xf32, #tpu.memory_space<vmem>>) offsets(%dma_start3A_207 : memref<125xi32, #tpu.memory_space<vmem>>) semaphore(%arg15 : memref<!tpu.dma_semaphore, #tpu.memory_space<semaphore_mem>>)
      } else {
      }
      %mul3A_168 = arith.constant 4 : i32
      %mul3A_169 = arith.muli %mul3A_168, %scan3A_89 : i32
      %add3A_170 = arith.constant 3 : i32
      %add3A_171 = arith.addi %mul3A_169, %add3A_170 : i32
      %dma_wait3A_172 = arith.constant 0 : i32
      %dma_wait3A_173 = tpu.memref_slice %arg8[%add3A_171, %dma_wait3A_172] : memref<80x125xi32, #tpu.memory_space<vmem>> -> memref<1x125xi32, #tpu.memory_space<vmem>>
      %dma_wait3A_174 = tpu.memref_squeeze %dma_wait3A_173 : memref<1x125xi32, #tpu.memory_space<vmem>> -> memref<125xi32, #tpu.memory_space<vmem>>
      %dma_wait3A_175 = arith.constant 0 : i32
      %dma_wait3A_176 = arith.constant 0 : i32
      %dma_wait3A_177 = tpu.memref_slice %arg4[%dma_wait3A_175, %dma_wait3A_176] : memref<10000x64xf32, #tpu.memory_space<hbm>> -> memref<10000x64xf32, #tpu.memory_space<hbm>>
      tpu.wait_indirect_dma semaphore(%arg17 : memref<!tpu.dma_semaphore, #tpu.memory_space<semaphore_mem>>) src(%dma_wait3A_177 : memref<10000x64xf32, #tpu.memory_space<hbm>>) dst(%arg13 : memref<125x64xf32, #tpu.memory_space<vmem>>)
      %dma_start3A_178 = arith.constant 0 : i32
      %dma_start3A_179 = tpu.memref_slice %arg9[%add3A_171, %dma_start3A_178] : memref<80x125xi32, #tpu.memory_space<vmem>> -> memref<1x125xi32, #tpu.memory_space<vmem>>
      %dma_start3A_180 = tpu.memref_squeeze %dma_start3A_179 : memref<1x125xi32, #tpu.memory_space<vmem>> -> memref<125xi32, #tpu.memory_space<vmem>>
      %dma_start3A_181 = arith.constant 0 : i32
      %dma_start3A_182 = arith.constant 0 : i32
      %dma_start3A_183 = tpu.memref_slice %arg7[%dma_start3A_181, %dma_start3A_182] : memref<10240x64xf32, #tpu.memory_space<vmem_shared>> -> memref<10240x64xf32, #tpu.memory_space<vmem_shared>>
      tpu.enqueue_indirect_dma source(%arg13 : memref<125x64xf32, #tpu.memory_space<vmem>>) target(%dma_start3A_183 : memref<10240x64xf32, #tpu.memory_space<vmem_shared>>) offsets(%dma_start3A_180 : memref<125xi32, #tpu.memory_space<vmem>>) semaphore(%arg21 : memref<!tpu.dma_semaphore, #tpu.memory_space<semaphore_mem>>) {add = true}
      %sub3A_184 = arith.constant 1 : i32
      %sub3A_185 = arith.subi %add3A_171, %sub3A_184 : i32
      %ge3A_186 = arith.constant 0 : i32
      %ge3A_187 = arith.cmpi sge, %sub3A_185, %ge3A_186 : i32
      %add3A_188 = arith.constant 4 : i32
      %add3A_189 = arith.addi %sub3A_185, %add3A_188 : i32
      %lt3A_190 = arith.constant 80 : i32
      %lt3A_191 = arith.cmpi slt, %add3A_189, %lt3A_190 : i32
      %and3A_192 = arith.andi %ge3A_187, %lt3A_191 : i1
      %convert_element_type3A_193 = arith.extui %and3A_192 : i1 to i32
      %cond3A_194 = arith.constant 0 : i32
      %cond3A_195 = arith.cmpi ne, %convert_element_type3A_193, %cond3A_194 : i32
      scf.if %cond3A_195 {
        %dma_wait3A_196 = arith.constant 0 : i32
        %dma_wait3A_197 = arith.constant 0 : i32
        %dma_wait3A_198 = tpu.memref_slice %arg9[%dma_wait3A_196, %dma_wait3A_197] : memref<80x125xi32, #tpu.memory_space<vmem>> -> memref<1x125xi32, #tpu.memory_space<vmem>>
        %dma_wait3A_199 = tpu.memref_squeeze %dma_wait3A_198 : memref<1x125xi32, #tpu.memory_space<vmem>> -> memref<125xi32, #tpu.memory_space<vmem>>
        %dma_wait3A_200 = arith.constant 0 : i32
        %dma_wait3A_201 = arith.constant 0 : i32
        %dma_wait3A_202 = tpu.memref_slice %arg7[%dma_wait3A_200, %dma_wait3A_201] : memref<10240x64xf32, #tpu.memory_space<vmem_shared>> -> memref<10240x64xf32, #tpu.memory_space<vmem_shared>>
        tpu.wait_indirect_dma semaphore(%arg20 : memref<!tpu.dma_semaphore, #tpu.memory_space<semaphore_mem>>) src(%arg12 : memref<125x64xf32, #tpu.memory_space<vmem>>) dst(%dma_wait3A_202 : memref<10240x64xf32, #tpu.memory_space<vmem_shared>>)
        %add3A_203 = arith.constant 4 : i32
        %add3A_204 = arith.addi %sub3A_185, %add3A_203 : i32
        %dma_start3A_205 = arith.constant 0 : i32
        %dma_start3A_206 = tpu.memref_slice %arg8[%add3A_204, %dma_start3A_205] : memref<80x125xi32, #tpu.memory_space<vmem>> -> memref<1x125xi32, #tpu.memory_space<vmem>>
        %dma_start3A_207 = tpu.memref_squeeze %dma_start3A_206 : memref<1x125xi32, #tpu.memory_space<vmem>> -> memref<125xi32, #tpu.memory_space<vmem>>
        %dma_start3A_208 = arith.constant 0 : i32
        %dma_start3A_209 = arith.constant 0 : i32
        %dma_start3A_210 = tpu.memref_slice %arg4[%dma_start3A_208, %dma_start3A_209] : memref<10000x64xf32, #tpu.memory_space<hbm>> -> memref<10000x64xf32, #tpu.memory_space<hbm>>
        tpu.enqueue_indirect_dma source(%dma_start3A_210 : memref<10000x64xf32, #tpu.memory_space<hbm>>) target(%arg12 : memref<125x64xf32, #tpu.memory_space<vmem>>) offsets(%dma_start3A_207 : memref<125xi32, #tpu.memory_space<vmem>>) semaphore(%arg16 : memref<!tpu.dma_semaphore, #tpu.memory_space<semaphore_mem>>)
      } else {
      }
    }
    %scan3A_59 = arith.constant 20 : i32
    %dma_wait3A_60 = arith.constant 0 : i32
    %dma_wait3A_61 = arith.constant 0 : i32
    %dma_wait3A_62 = tpu.memref_slice %arg9[%dma_wait3A_60, %dma_wait3A_61] : memref<80x125xi32, #tpu.memory_space<vmem>> -> memref<1x125xi32, #tpu.memory_space<vmem>>
    %dma_wait3A_63 = tpu.memref_squeeze %dma_wait3A_62 : memref<1x125xi32, #tpu.memory_space<vmem>> -> memref<125xi32, #tpu.memory_space<vmem>>
    %dma_wait3A_64 = arith.constant 0 : i32
    %dma_wait3A_65 = arith.constant 0 : i32
    %dma_wait3A_66 = tpu.memref_slice %arg7[%dma_wait3A_64, %dma_wait3A_65] : memref<10240x64xf32, #tpu.memory_space<vmem_shared>> -> memref<10240x64xf32, #tpu.memory_space<vmem_shared>>
    tpu.wait_indirect_dma semaphore(%arg18 : memref<!tpu.dma_semaphore, #tpu.memory_space<semaphore_mem>>) src(%arg10 : memref<125x64xf32, #tpu.memory_space<vmem>>) dst(%dma_wait3A_66 : memref<10240x64xf32, #tpu.memory_space<vmem_shared>>)
    %dma_wait3A_67 = arith.constant 0 : i32
    %dma_wait3A_68 = arith.constant 0 : i32
    %dma_wait3A_69 = tpu.memref_slice %arg9[%dma_wait3A_67, %dma_wait3A_68] : memref<80x125xi32, #tpu.memory_space<vmem>> -> memref<1x125xi32, #tpu.memory_space<vmem>>
    %dma_wait3A_70 = tpu.memref_squeeze %dma_wait3A_69 : memref<1x125xi32, #tpu.memory_space<vmem>> -> memref<125xi32, #tpu.memory_space<vmem>>
    %dma_wait3A_71 = arith.constant 0 : i32
    %dma_wait3A_72 = arith.constant 0 : i32
    %dma_wait3A_73 = tpu.memref_slice %arg7[%dma_wait3A_71, %dma_wait3A_72] : memref<10240x64xf32, #tpu.memory_space<vmem_shared>> -> memref<10240x64xf32, #tpu.memory_space<vmem_shared>>
    tpu.wait_indirect_dma semaphore(%arg19 : memref<!tpu.dma_semaphore, #tpu.memory_space<semaphore_mem>>) src(%arg11 : memref<125x64xf32, #tpu.memory_space<vmem>>) dst(%dma_wait3A_73 : memref<10240x64xf32, #tpu.memory_space<vmem_shared>>)
    %dma_wait3A_74 = arith.constant 0 : i32
    %dma_wait3A_75 = arith.constant 0 : i32
    %dma_wait3A_76 = tpu.memref_slice %arg9[%dma_wait3A_74, %dma_wait3A_75] : memref<80x125xi32, #tpu.memory_space<vmem>> -> memref<1x125xi32, #tpu.memory_space<vmem>>
    %dma_wait3A_77 = tpu.memref_squeeze %dma_wait3A_76 : memref<1x125xi32, #tpu.memory_space<vmem>> -> memref<125xi32, #tpu.memory_space<vmem>>
    %dma_wait3A_78 = arith.constant 0 : i32
    %dma_wait3A_79 = arith.constant 0 : i32
    %dma_wait3A_80 = tpu.memref_slice %arg7[%dma_wait3A_78, %dma_wait3A_79] : memref<10240x64xf32, #tpu.memory_space<vmem_shared>> -> memref<10240x64xf32, #tpu.memory_space<vmem_shared>>
    tpu.wait_indirect_dma semaphore(%arg20 : memref<!tpu.dma_semaphore, #tpu.memory_space<semaphore_mem>>) src(%arg12 : memref<125x64xf32, #tpu.memory_space<vmem>>) dst(%dma_wait3A_80 : memref<10240x64xf32, #tpu.memory_space<vmem_shared>>)
    %dma_wait3A_81 = arith.constant 0 : i32
    %dma_wait3A_82 = arith.constant 0 : i32
    %dma_wait3A_83 = tpu.memref_slice %arg9[%dma_wait3A_81, %dma_wait3A_82] : memref<80x125xi32, #tpu.memory_space<vmem>> -> memref<1x125xi32, #tpu.memory_space<vmem>>
    %dma_wait3A_84 = tpu.memref_squeeze %dma_wait3A_83 : memref<1x125xi32, #tpu.memory_space<vmem>> -> memref<125xi32, #tpu.memory_space<vmem>>
    %dma_wait3A_85 = arith.constant 0 : i32
    %dma_wait3A_86 = arith.constant 0 : i32
    %dma_wait3A_87 = tpu.memref_slice %arg7[%dma_wait3A_85, %dma_wait3A_86] : memref<10240x64xf32, #tpu.memory_space<vmem_shared>> -> memref<10240x64xf32, #tpu.memory_space<vmem_shared>>
    tpu.wait_indirect_dma semaphore(%arg21 : memref<!tpu.dma_semaphore, #tpu.memory_space<semaphore_mem>>) src(%arg13 : memref<125x64xf32, #tpu.memory_space<vmem>>) dst(%dma_wait3A_87 : memref<10240x64xf32, #tpu.memory_space<vmem_shared>>)
    %barrier3A_88 = arith.constant 0 : index
    tpu.barrier barrier_id(%barrier3A_88)
    "tpu.region"() ({
      %run_scoped3A = tpu.sem_alloc : memref<!tpu.dma_semaphore, #tpu.memory_space<semaphore_mem>>
      %dma_start3A_89 = arith.constant 0 : i32
      %dma_start3A_90 = tpu.memref_slice %arg6[%arg0, %mul3A_0, %dma_start3A_89] : memref<2x10240x64xf32, #tpu.memory_space<hbm>> -> memref<1x640x64xf32, #tpu.memory_space<hbm>>
      %dma_start3A_91 = tpu.memref_squeeze %dma_start3A_90 : memref<1x640x64xf32, #tpu.memory_space<hbm>> -> memref<640x64xf32, #tpu.memory_space<hbm>>
      %dma_start3A_92 = arith.constant 0 : i32
      %dma_start3A_93 = tpu.memref_slice %arg7[%mul3A_0, %dma_start3A_92] : memref<10240x64xf32, #tpu.memory_space<vmem_shared>> -> memref<640x64xf32, #tpu.memory_space<vmem_shared>>
      tpu.enqueue_dma source(%dma_start3A_93 : memref<640x64xf32, #tpu.memory_space<vmem_shared>>) target(%dma_start3A_91 : memref<640x64xf32, #tpu.memory_space<hbm>>) target_semaphore(%run_scoped3A : memref<!tpu.dma_semaphore, #tpu.memory_space<semaphore_mem>>)
      %dma_wait3A_94 = arith.constant 0 : i32
      %dma_wait3A_95 = tpu.memref_slice %arg6[%arg0, %mul3A_0, %dma_wait3A_94] : memref<2x10240x64xf32, #tpu.memory_space<hbm>> -> memref<1x640x64xf32, #tpu.memory_space<hbm>>
      %dma_wait3A_96 = tpu.memref_squeeze %dma_wait3A_95 : memref<1x640x64xf32, #tpu.memory_space<hbm>> -> memref<640x64xf32, #tpu.memory_space<hbm>>
      %dma_wait3A_97 = arith.constant 0 : i32
      %dma_wait3A_98 = tpu.memref_slice %arg7[%mul3A_0, %dma_wait3A_97] : memref<10240x64xf32, #tpu.memory_space<vmem_shared>> -> memref<640x64xf32, #tpu.memory_space<vmem_shared>>
      tpu.wait_dma2 semaphore(%run_scoped3A : memref<!tpu.dma_semaphore, #tpu.memory_space<semaphore_mem>>) src(%dma_wait3A_98 : memref<640x64xf32, #tpu.memory_space<vmem_shared>>) dst(%dma_wait3A_96 : memref<640x64xf32, #tpu.memory_space<hbm>>)
      tpu.yield
    }) : () -> ()
    return
  }
}

module attributes {stable_mosaic.version = 14 : i64} {
  func.func @body(%arg0: i32, %arg1: memref<2504x256xf32, #tpu.memory_space<vmem>>, %arg2: memref<2504x128xf32, #tpu.memory_space<vmem>>, %arg3: memref<256x128xf32, #tpu.memory_space<vmem>>, %arg4: memref<2504x128xf32, #tpu.memory_space<vmem>>) attributes {dimension_semantics = [#tpu.dimension_semantics<arbitrary>], iteration_bounds = array<i64: 2>, scalar_prefetch = 0 : i64, scratch_operands = 0 : i64, tpu.core_type = #tpu.core_type<tc>, window_params = [{transform_indices = @transform_0, window_bounds = array<i64: 2504, 256>}, {transform_indices = @transform_1, window_bounds = array<i64: 2504, 128>}, {pipeline_mode = #tpu.pipeline_mode<synchronous>, transform_indices = @transform_2, window_bounds = array<i64: 256, 128>}, {transform_indices = @transform_3, window_bounds = array<i64: 2504, 128>}]} {
    %get3A = arith.constant 0 : index
    %get3A_0 = arith.constant 0 : index
    %get3A_1 = vector.load %arg1[%get3A, %get3A_0] : memref<2504x256xf32, #tpu.memory_space<vmem>>, vector<2504x256xf32>
    %get3A_2 = arith.constant 0 : index
    %get3A_3 = arith.constant 0 : index
    %get3A_4 = vector.load %arg3[%get3A_2, %get3A_3] : memref<256x128xf32, #tpu.memory_space<vmem>>, vector<256x128xf32>
    %dot_general3A = arith.constant dense<0.000000e+00> : vector<2504x128xf32>
    %dot_general3A_5 = tpu.matmul %get3A_1, %get3A_4, %dot_general3A {dimension_numbers = #tpu.dot_dimension_numbers<[1], [0], [0], [1], [0, 0, 1, 1], [], []>, transpose_lhs_hint = false} : vector<2504x256xf32>, vector<256x128xf32>, vector<2504x128xf32> -> vector<2504x128xf32>
    %get3A_6 = arith.constant 0 : index
    %get3A_7 = arith.constant 0 : index
    %get3A_8 = vector.load %arg2[%get3A_6, %get3A_7] : memref<2504x128xf32, #tpu.memory_space<vmem>>, vector<2504x128xf32>
    %mul3A = arith.mulf %dot_general3A_5, %get3A_8 : vector<2504x128xf32>
    %swap3A = arith.constant 0 : index
    %swap3A_9 = arith.constant 0 : index
    %swap3A_10 = vector.load %arg4[%swap3A, %swap3A_9] : memref<2504x128xf32, #tpu.memory_space<vmem>>, vector<2504x128xf32>
    tpu.vector_store %arg4[%swap3A, %swap3A_9], %mul3A {strides = array<i32>} : memref<2504x128xf32, #tpu.memory_space<vmem>>, vector<2504x128xf32>,
    return
  }
  func.func @transform_0(%arg0: i32) -> (i32, i32) {
    %c0_i32 = arith.constant 0 : i32
    %c0_i32_0 = arith.constant 0 : i32
    return %arg0, %c0_i32 : i32, i32
  }
  func.func @transform_1(%arg0: i32) -> (i32, i32) {
    %c0_i32 = arith.constant 0 : i32
    %c0_i32_0 = arith.constant 0 : i32
    return %arg0, %c0_i32 : i32, i32
  }
  func.func @transform_2(%arg0: i32) -> (i32, i32) {
    %c0_i32 = arith.constant 0 : i32
    %c0_i32_0 = arith.constant 0 : i32
    %c0_i32_1 = arith.constant 0 : i32
    return %c0_i32, %c0_i32_0 : i32, i32
  }
  func.func @transform_3(%arg0: i32) -> (i32, i32) {
    %c0_i32 = arith.constant 0 : i32
    %c0_i32_0 = arith.constant 0 : i32
    return %arg0, %c0_i32 : i32, i32
  }
}

module attributes {stable_mosaic.version = 14 : i64} {
  func.func @body(%arg0: i32, %arg1: memref<2x2504x128xf32, #tpu.memory_space<vmem>>, %arg2: memref<2504x128xf32, #tpu.memory_space<vmem>>, %arg3: memref<2504x128xf32, #tpu.memory_space<vmem>>, %arg4: memref<128xf32, #tpu.memory_space<vmem>>, %arg5: memref<128x128xf32, #tpu.memory_space<vmem>>, %arg6: memref<2504x128xf32, #tpu.memory_space<vmem>>) attributes {dimension_semantics = [#tpu.dimension_semantics<arbitrary>], iteration_bounds = array<i64: 2>, scalar_prefetch = 0 : i64, scratch_operands = 0 : i64, tpu.core_type = #tpu.core_type<tc>, window_params = [{transform_indices = @transform_0, window_bounds = array<i64: 2, 2504, 128>}, {transform_indices = @transform_1, window_bounds = array<i64: 2504, 128>}, {transform_indices = @transform_2, window_bounds = array<i64: 2504, 128>}, {pipeline_mode = #tpu.pipeline_mode<synchronous>, transform_indices = @transform_3, window_bounds = array<i64: 128>}, {pipeline_mode = #tpu.pipeline_mode<synchronous>, transform_indices = @transform_4, window_bounds = array<i64: 128, 128>}, {transform_indices = @transform_5, window_bounds = array<i64: 2504, 128>}]} {
    %get3A = arith.constant 0 : index
    %get3A_0 = arith.constant 0 : index
    %get3A_1 = vector.load %arg3[%get3A, %get3A_0] : memref<2504x128xf32, #tpu.memory_space<vmem>>, vector<2504x128xf32>
    %get3A_2 = arith.constant 0 : index
    %get3A_3 = arith.constant 0 : index
    %get3A_4 = arith.constant 0 : index
    %get3A_5 = vector.load %arg1[%get3A_2, %get3A_3, %get3A_4] : memref<2x2504x128xf32, #tpu.memory_space<vmem>>, vector<1x2504x128xf32>
    %get3A_6 = vector.shape_cast %get3A_5 : vector<1x2504x128xf32> to vector<2504x128xf32>
    %get3A_7 = arith.constant 1 : index
    %get3A_8 = arith.constant 0 : index
    %get3A_9 = arith.constant 0 : index
    %get3A_10 = vector.load %arg1[%get3A_7, %get3A_8, %get3A_9] : memref<2x2504x128xf32, #tpu.memory_space<vmem>>, vector<1x2504x128xf32>
    %get3A_11 = vector.shape_cast %get3A_10 : vector<1x2504x128xf32> to vector<2504x128xf32>
    %add3A = arith.addf %get3A_6, %get3A_11 : vector<2504x128xf32>
    %get3A_12 = arith.constant 0 : index
    %get3A_13 = arith.constant 0 : index
    %get3A_14 = vector.load %arg2[%get3A_12, %get3A_13] : memref<2504x128xf32, #tpu.memory_space<vmem>>, vector<2504x128xf32>
    %add3A_15 = arith.addf %add3A, %get3A_14 : vector<2504x128xf32>
    %mul3A = arith.mulf %get3A_1, %add3A_15 : vector<2504x128xf32>
    %get3A_16 = arith.constant 0 : index
    %get3A_17 = vector.load %arg4[%get3A_16] : memref<128xf32, #tpu.memory_space<vmem>>, vector<128xf32>
    %broadcast_in_dim3A = vector.shape_cast %get3A_17 : vector<128xf32> to vector<1x128xf32>
    %add3A_18 = vector.broadcast %broadcast_in_dim3A : vector<1x128xf32> to vector<2504x128xf32>
    %add3A_19 = arith.addf %mul3A, %add3A_18 : vector<2504x128xf32>
    %max3A = arith.constant 0.000000e+00 : f32
    %max3A_20 = vector.broadcast %max3A : f32 to vector<2504x128xf32>
    %max3A_21 = arith.maximumf %add3A_19, %max3A_20 : vector<2504x128xf32>
    %get3A_22 = arith.constant 0 : index
    %get3A_23 = arith.constant 0 : index
    %get3A_24 = vector.load %arg5[%get3A_22, %get3A_23] : memref<128x128xf32, #tpu.memory_space<vmem>>, vector<128x128xf32>
    %dot_general3A = arith.constant dense<0.000000e+00> : vector<2504x128xf32>
    %dot_general3A_25 = tpu.matmul %max3A_21, %get3A_24, %dot_general3A {dimension_numbers = #tpu.dot_dimension_numbers<[1], [0], [0], [1], [0, 0, 1, 1], [], []>, transpose_lhs_hint = false} : vector<2504x128xf32>, vector<128x128xf32>, vector<2504x128xf32> -> vector<2504x128xf32>
    %mul3A_26 = arith.mulf %dot_general3A_25, %get3A_1 : vector<2504x128xf32>
    %swap3A = arith.constant 0 : index
    %swap3A_27 = arith.constant 0 : index
    %swap3A_28 = vector.load %arg6[%swap3A, %swap3A_27] : memref<2504x128xf32, #tpu.memory_space<vmem>>, vector<2504x128xf32>
    tpu.vector_store %arg6[%swap3A, %swap3A_27], %mul3A_26 {strides = array<i32>} : memref<2504x128xf32, #tpu.memory_space<vmem>>, vector<2504x128xf32>,
    return
  }
  func.func @transform_0(%arg0: i32) -> (i32, i32, i32) {
    %c0_i32 = arith.constant 0 : i32
    %c0_i32_0 = arith.constant 0 : i32
    %c0_i32_1 = arith.constant 0 : i32
    return %c0_i32, %arg0, %c0_i32_0 : i32, i32, i32
  }
  func.func @transform_1(%arg0: i32) -> (i32, i32) {
    %c0_i32 = arith.constant 0 : i32
    %c0_i32_0 = arith.constant 0 : i32
    return %arg0, %c0_i32 : i32, i32
  }
  func.func @transform_2(%arg0: i32) -> (i32, i32) {
    %c0_i32 = arith.constant 0 : i32
    %c0_i32_0 = arith.constant 0 : i32
    return %arg0, %c0_i32 : i32, i32
  }
  func.func @transform_3(%arg0: i32) -> i32 {
    %c0_i32 = arith.constant 0 : i32
    %c0_i32_0 = arith.constant 0 : i32
    return %c0_i32 : i32
  }
  func.func @transform_4(%arg0: i32) -> (i32, i32) {
    %c0_i32 = arith.constant 0 : i32
    %c0_i32_0 = arith.constant 0 : i32
    %c0_i32_1 = arith.constant 0 : i32
    return %c0_i32, %c0_i32_0 : i32, i32
  }
  func.func @transform_5(%arg0: i32) -> (i32, i32) {
    %c0_i32 = arith.constant 0 : i32
    %c0_i32_0 = arith.constant 0 : i32
    return %arg0, %c0_i32 : i32, i32
  }
}

module attributes {stable_mosaic.version = 14 : i64} {
  func.func @body(%arg0: i32, %arg1: memref<2x5000x128xf32, #tpu.memory_space<vmem>>, %arg2: memref<5000x128xf32, #tpu.memory_space<vmem>>, %arg3: memref<5000x128xf32, #tpu.memory_space<vmem>>, %arg4: memref<128xf32, #tpu.memory_space<vmem>>, %arg5: memref<1x64xf32, #tpu.memory_space<vmem>>) attributes {dimension_semantics = [#tpu.dimension_semantics<arbitrary>], iteration_bounds = array<i64: 1>, scalar_prefetch = 0 : i64, scratch_operands = 0 : i64, tpu.core_type = #tpu.core_type<tc>, window_params = [{transform_indices = @transform_0, window_bounds = array<i64: 2, 5000, 128>}, {transform_indices = @transform_1, window_bounds = array<i64: 5000, 128>}, {transform_indices = @transform_2, window_bounds = array<i64: 5000, 128>}, {pipeline_mode = #tpu.pipeline_mode<synchronous>, transform_indices = @transform_3, window_bounds = array<i64: 128>}, {pipeline_mode = #tpu.pipeline_mode<synchronous>, transform_indices = @transform_4, window_bounds = array<i64: 1, 64>}]} {
    %get3A = arith.constant 0 : index
    %get3A_0 = arith.constant 0 : index
    %get3A_1 = vector.load %arg3[%get3A, %get3A_0] : memref<5000x128xf32, #tpu.memory_space<vmem>>, vector<5000x128xf32>
    %get3A_2 = arith.constant 0 : index
    %get3A_3 = arith.constant 0 : index
    %get3A_4 = arith.constant 0 : index
    %get3A_5 = vector.load %arg1[%get3A_2, %get3A_3, %get3A_4] : memref<2x5000x128xf32, #tpu.memory_space<vmem>>, vector<1x5000x128xf32>
    %get3A_6 = vector.shape_cast %get3A_5 : vector<1x5000x128xf32> to vector<5000x128xf32>
    %get3A_7 = arith.constant 1 : index
    %get3A_8 = arith.constant 0 : index
    %get3A_9 = arith.constant 0 : index
    %get3A_10 = vector.load %arg1[%get3A_7, %get3A_8, %get3A_9] : memref<2x5000x128xf32, #tpu.memory_space<vmem>>, vector<1x5000x128xf32>
    %get3A_11 = vector.shape_cast %get3A_10 : vector<1x5000x128xf32> to vector<5000x128xf32>
    %add3A = arith.addf %get3A_6, %get3A_11 : vector<5000x128xf32>
    %get3A_12 = arith.constant 0 : index
    %get3A_13 = arith.constant 0 : index
    %get3A_14 = vector.load %arg2[%get3A_12, %get3A_13] : memref<5000x128xf32, #tpu.memory_space<vmem>>, vector<5000x128xf32>
    %add3A_15 = arith.addf %add3A, %get3A_14 : vector<5000x128xf32>
    %mul3A = arith.mulf %get3A_1, %add3A_15 : vector<5000x128xf32>
    %get3A_16 = arith.constant 0 : index
    %get3A_17 = vector.load %arg4[%get3A_16] : memref<128xf32, #tpu.memory_space<vmem>>, vector<128xf32>
    %broadcast_in_dim3A = vector.shape_cast %get3A_17 : vector<128xf32> to vector<1x128xf32>
    %add3A_18 = vector.broadcast %broadcast_in_dim3A : vector<1x128xf32> to vector<5000x128xf32>
    %add3A_19 = arith.addf %mul3A, %add3A_18 : vector<5000x128xf32>
    %max3A = arith.constant 0.000000e+00 : f32
    %max3A_20 = vector.broadcast %max3A : f32 to vector<5000x128xf32>
    %max3A_21 = arith.maximumf %add3A_19, %max3A_20 : vector<5000x128xf32>
    %reduce_sum3A = arith.constant dense<0.000000e+00> : vector<128xf32>
    %reduce_sum3A_22 = vector.multi_reduction <add>, %max3A_21, %reduce_sum3A [0] : vector<5000x128xf32> to vector<128xf32>
    %broadcast_in_dim3A_23 = vector.shape_cast %reduce_sum3A_22 : vector<128xf32> to vector<1x128xf32>
    %mul3A_24 = arith.constant 9.99999974E-5 : f32
    %mul3A_25 = vector.broadcast %mul3A_24 : f32 to vector<1x128xf32>
    %mul3A_26 = arith.mulf %broadcast_in_dim3A_23, %mul3A_25 : vector<1x128xf32>
    %slice3A = vector.extract_strided_slice %mul3A_26 {offsets = [0, 0], sizes = [1, 64], strides = [1, 1]} : vector<1x128xf32> to vector<1x64xf32>
    %slice3A_27 = vector.extract_strided_slice %mul3A_26 {offsets = [0, 64], sizes = [1, 64], strides = [1, 1]} : vector<1x128xf32> to vector<1x64xf32>
    %add3A_28 = arith.addf %slice3A, %slice3A_27 : vector<1x64xf32>
    %eq3A = arith.constant 0 : i32
    %eq3A_29 = arith.cmpi eq, %arg0, %eq3A : i32
    %convert_element_type3A = arith.extui %eq3A_29 : i1 to i32
    %cond3A = arith.constant 0 : i32
    %cond3A_30 = arith.cmpi ne, %convert_element_type3A, %cond3A : i32
    scf.if %cond3A_30 {
      %swap3A = arith.constant 0 : index
      %swap3A_35 = arith.constant 0 : index
      %swap3A_36 = vector.load %arg5[%swap3A, %swap3A_35] : memref<1x64xf32, #tpu.memory_space<vmem>>, vector<1x64xf32>
      tpu.vector_store %arg5[%swap3A, %swap3A_35], %add3A_28 {strides = array<i32>} : memref<1x64xf32, #tpu.memory_space<vmem>>, vector<1x64xf32>,
    } else {
    }
    %gt3A = arith.constant 0 : i32
    %gt3A_31 = arith.cmpi sgt, %arg0, %gt3A : i32
    %convert_element_type3A_32 = arith.extui %gt3A_31 : i1 to i32
    %cond3A_33 = arith.constant 0 : i32
    %cond3A_34 = arith.cmpi ne, %convert_element_type3A_32, %cond3A_33 : i32
    scf.if %cond3A_34 {
      %get3A_35 = arith.constant 0 : index
      %get3A_36 = arith.constant 0 : index
      %get3A_37 = vector.load %arg5[%get3A_35, %get3A_36] : memref<1x64xf32, #tpu.memory_space<vmem>>, vector<1x64xf32>
      %add3A_38 = arith.addf %get3A_37, %add3A_28 : vector<1x64xf32>
      %swap3A = arith.constant 0 : index
      %swap3A_39 = arith.constant 0 : index
      %swap3A_40 = vector.load %arg5[%swap3A, %swap3A_39] : memref<1x64xf32, #tpu.memory_space<vmem>>, vector<1x64xf32>
      tpu.vector_store %arg5[%swap3A, %swap3A_39], %add3A_38 {strides = array<i32>} : memref<1x64xf32, #tpu.memory_space<vmem>>, vector<1x64xf32>,
    } else {
    }
    return
  }
  func.func @transform_0(%arg0: i32) -> (i32, i32, i32) {
    %c0_i32 = arith.constant 0 : i32
    %c0_i32_0 = arith.constant 0 : i32
    %c0_i32_1 = arith.constant 0 : i32
    return %c0_i32, %arg0, %c0_i32_0 : i32, i32, i32
  }
  func.func @transform_1(%arg0: i32) -> (i32, i32) {
    %c0_i32 = arith.constant 0 : i32
    %c0_i32_0 = arith.constant 0 : i32
    return %arg0, %c0_i32 : i32, i32
  }
  func.func @transform_2(%arg0: i32) -> (i32, i32) {
    %c0_i32 = arith.constant 0 : i32
    %c0_i32_0 = arith.constant 0 : i32
    return %arg0, %c0_i32 : i32, i32
  }
  func.func @transform_3(%arg0: i32) -> i32 {
    %c0_i32 = arith.constant 0 : i32
    %c0_i32_0 = arith.constant 0 : i32
    return %c0_i32 : i32
  }
  func.func @transform_4(%arg0: i32) -> (i32, i32) {
    %c0_i32 = arith.constant 0 : i32
    %c0_i32_0 = arith.constant 0 : i32
    %c0_i32_1 = arith.constant 0 : i32
    return %c0_i32, %c0_i32_0 : i32, i32
  }
}

</mosaic_0001>

<sc_bundles>
// kernel: kernel.11.cloned.1.call-start
scs
__scs_entry_jumppad:
0x0: {  	(pc) =	sbr.rel $0x88, $3  }
0x1: {  	(tag) =	ssettag $0x0;
	lr =	simm.s32 $0x1  }
0x2: {  	[smem:$0x3F9B] =	sst lr;
	_ =	strace $0xD0000000  }
0x3: {  	_ = 	snop  }
0x4: {  	_ = 	snop  }
0x5: {  	_ = 	snop  }
0x6: {  	_ = 	snop  }
0x7: {  	_ = 	snop  }
__scs_overlays_trampoline_lowered:
0x8: {  	[smem:$0x3FAA] =	sst s0  }
0x9: {  	[smem:$0x3FAB] =	sst s1  }
0xa: {  	[smem:$0x3FAC] =	sst s2  }
0xb: {  	[smem:$0x3FAD] =	sst s3  }
0xc: {  	[smem:$0x3FAE] =	sst s4  }
0xd: {  	[smem:$0x3FAF] =	sst s5  }
0xe: {  	[smem:$0x3FB0] =	sst s6  }
0xf: {  	[smem:$0x3FB1] =	sst s7  }
0x10: {  	[smem:$0x3FB2] =	sst s8  }
0x11: {  	[smem:$0x3FB3] =	sst s9;
	s0 =	simm.s32 @!p0 $0x0  }
0x12: {  	s1 =	sld [smem:$0x3F99];
	s0 =	simm.s32 @p0 $0x1  }
0x13: {  	[smem:$0x3FB4] =	sst s0;
	s0 =	simm.s32 @!p1 $0x0  }
0x14: {  	s2 =	sld [smem:$0x3F98];
	s0 =	simm.s32 @p1 $0x1  }
0x15: {  	[smem:$0x3FB5] =	sst s0;
	s0 =	simm.s32 @!p2 $0x0  }
0x16: {  	s3 =	sld [smem:$0x3FDB];
	s0 =	simm.s32 @p2 $0x1  }
0x17: {  	s4 =	simm.s32 $0x1BF5;
	[smem:$0x3FB7] =	sst s0  }
0x18: {  	s0 =	sld [smem:$0x3F9A];
	_ =	swait.ge [sflag:s4], $0x0  }
0x19: {  	s7 =	sld [smem:$0x3F9B]  }
0x1a: {  	s8 =	sadd.s32 $0xFFFFE003, lr  }
0x1b: {  	s9 =	sadd.s32 $0xFFFFFEF7, lr;
	s5 =	simm.s32 $0xFFFFFFFF;
	p2 =	slt.u32 s8, $0xFFFFF086  }
0x1c: {  	p1 =	slt.u32 s9, $0xF7A;
	s5 =	simm.s32 @!p2 $0x0  }
0x1d: {  	s5 =	simm.s32 @p1 $0x1;
	p0 =	seq.s32 s7, s2  }
0x1e: {  	s7 =	smul.u32 @!p0 $0xF7A, s2;
	p2 =	seq.s32 @!p0 s5, $0x0  }
0x1f: {  	s9 =	smul.u32 $0xF7A, s1;
	s8 =	simm.s32 @!p0 $0x1BF5;
	p2 =	por !p2, p0  }
0x20: {  	[sflag:s8] =	ssyncset.s32 @!p0 $0xFFFFF086;
	s6 =	sadd.s32 @!p0 s3, s7;
	s7 =	simm.s32 @!p0 $0x108  }
0x21: {  	s3 =	sadd.s32 s3, s9;
	s6 =	sadd.s32 @!p0 $0x88, s6;
	s7 =	simm.s32 @p2 $0x1082  }
0x22: {  	[simem:s7], [sflag:s8] =	dma.local @!p0 [hbm:s6], $0xF7A  }
0x23: {  	s9 =	sor.u32 $0xD0000000, s2;
	s6 =	simm.s32 $0x108;
	_ =	swait.ge @!p0 [sflag:s8], $0x0  }
0x24: {  	s3 =	sadd.s32 $0x88, s3;
	s6 =	simm.s32 @!p1 $0x1082;
	[sflag:s4] =	ssyncset.s32 $0xFFFFF086  }
0x25: {  	[simem:s6], [sflag:s4] =	dma.local [hbm:s3], $0xF7A  }
0x26: {  	[smem:$0x3F9B] =	sst s1;
	(tag) =	ssettag s2;
	_ =	strace s9  }
0x27: {  	s1 =	sld [smem:$0x3FAB]  }
0x28: {  	s2 =	sld [smem:$0x3FAC]  }
0x29: {  	s4 =	sld [smem:$0x3FAE]  }
0x2a: {  	p0 =	seq.s32 s5, $0x0;
	s5 =	sld [smem:$0x3FAF]  }
0x2b: {  	s6 =	sld [smem:$0x3FB0]  }
0x2c: {  	s7 =	sld [smem:$0x3FB1]  }
0x2d: {  	s3 =	simm.s32 $0x108;
	s8 =	sld [smem:$0x3FB2]  }
0x2e: {  	s3 =	simm.s32 @!p0 $0x1082;
	s9 =	sld [smem:$0x3FB3]  }
0x2f: {  	lr =	sadd.s32 s0, s3;
	s0 =	sld [smem:$0x3FAA]  }
0x30: {  	s3 =	sld [smem:$0x3FAD]  }
0x31: {  	[smem:$0x3FB6] =	sst s10  }
0x32: {  	s10 =	sld [smem:$0x3FB4];
	_ =	sdelay $0x3  }
0x33: {  	p0 =	seq.s32 s10, $0x1;
	s10 =	sld [smem:$0x3FB6];
	_ =	sdelay $0x3  }
0x34: {  	[smem:$0x3FB6] =	sst s10  }
0x35: {  	s10 =	sld [smem:$0x3FB5];
	_ =	sdelay $0x3  }
0x36: {  	p1 =	seq.s32 s10, $0x1;
	s10 =	sld [smem:$0x3FB6];
	_ =	sdelay $0x3  }
0x37: {  	[smem:$0x3FB6] =	sst s10  }
0x38: {  	s10 =	sld [smem:$0x3FB7]  }
0x39: {  	_ = 	snop;
	(pc) =	sbr.ind lr, $3  }
0x3a: {  	_ = 	snop  }
0x3b: {  	_ = 	snop  }
0x3c: {  	p2 =	seq.s32 s10, $0x1;
	s10 =	sld [smem:$0x3FB6]  }
0x3d: {  	_ =	shalt  }
0x3e: {  	_ =	shalt  }
0x3f: {  	_ =	shalt  }
0x40: {  	_ =	shalt  }
0x41: {  	_ =	shalt  }
0x42: {  	_ =	shalt  }
0x43: {  	_ =	shalt  }
0x44: {  	_ =	shalt  }
0x45: {  	_ =	shalt  }
0x46: {  	_ =	shalt  }
0x47: {  	_ =	shalt  }
0x48: {  	_ =	shalt  }
0x49: {  	_ =	shalt  }
0x4a: {  	_ =	shalt  }
0x4b: {  	_ =	shalt  }
0x4c: {  	_ =	shalt  }
0x4d: {  	_ =	shalt  }
0x4e: {  	_ =	shalt  }
0x4f: {  	_ =	shalt  }
0x50: {  	_ =	shalt  }
0x51: {  	_ =	shalt  }
0x52: {  	_ =	shalt  }
0x53: {  	_ =	shalt  }
0x54: {  	_ =	shalt  }
0x55: {  	_ =	shalt  }
0x56: {  	_ =	shalt  }
0x57: {  	_ =	shalt  }
0x58: {  	_ =	shalt  }
0x59: {  	_ =	shalt  }
0x5a: {  	_ =	shalt  }
0x5b: {  	_ =	shalt  }
0x5c: {  	_ =	shalt  }
0x5d: {  	_ =	shalt  }
0x5e: {  	_ =	shalt  }
0x5f: {  	_ =	shalt  }
0x60: {  	_ =	shalt  }
0x61: {  	_ =	shalt  }
0x62: {  	_ =	shalt  }
0x63: {  	_ =	shalt  }
0x64: {  	_ =	shalt  }
0x65: {  	_ =	shalt  }
0x66: {  	_ =	shalt  }
0x67: {  	_ =	shalt  }
0x68: {  	_ =	shalt  }
0x69: {  	_ =	shalt  }
0x6a: {  	_ =	shalt  }
0x6b: {  	_ =	shalt  }
0x6c: {  	_ =	shalt  }
0x6d: {  	_ =	shalt  }
0x6e: {  	_ =	shalt  }
0x6f: {  	_ =	shalt  }
0x70: {  	_ =	shalt  }
0x71: {  	_ =	shalt  }
0x72: {  	_ =	shalt  }
0x73: {  	_ =	shalt  }
0x74: {  	_ =	shalt  }
0x75: {  	_ =	shalt  }
0x76: {  	_ =	shalt  }
0x77: {  	_ =	shalt  }
0x78: {  	_ =	shalt  }
0x79: {  	_ =	shalt  }
0x7a: {  	_ =	shalt  }
0x7b: {  	_ =	shalt  }
0x7c: {  	_ =	shalt  }
0x7d: {  	_ =	shalt  }
0x7e: {  	_ =	shalt  }
0x7f: {  	_ =	shalt  }
0x80: {  	_ =	shalt  }
0x81: {  	_ =	shalt  }
0x82: {  	_ =	shalt  }
0x83: {  	_ =	shalt  }
0x84: {  	_ =	shalt  }
0x85: {  	_ =	shalt  }
0x86: {  	_ =	shalt  }
0x87: {  	_ =	shalt  }
.Lfunc_end0:
.L_simem_size_0:
called_computation.1_lowered:
.L_overlay_start_0:
0x88: {  	s2 =	sld [smem:$0x3FD9]  }
0x89: {  	s3 =	sld [smem:$0x3FFE];
	_ =	sdelay $0x1  }
0x8a: {  	s1 =	srdreg.scid  }
0x8b: {  	s0 =	sand.u32 $0x1, s1  }
0x8c: {  	s16 =	sshll.u32 s0, $0xA;
	s2 =	sadd.s32 s3, s2  }
0x8d: {  	s2 =	sadd.s32 s2, s16  }
0x8e: {  	[smem:$0x3FC2] =	sst s2  }
0x8f: {  	_ = 	snop  }
0x90: {  	(tm) =	ssettm $0x1  }
0x91: {  	s17 =	sld [smem:$0x3FFB];
	_ =	sdelay $0x3  }
0x92: {  	_ =	strace s17  }
0x93: {  	s2 =	sld [smem:$0x3FFC];
	_ =	sdelay $0x3  }
0x94: {  	_ =	strace s2  }
0x95: {  	s2 =	sld [smem:$0x3FFD];
	_ =	sdelay $0x3  }
0x96: {  	_ =	strace s2  }
0x97: {  	_ =	strace $0x8FFFFFFF  }
0x98: {  	s18 =	sld [smem:$0x3FDB];
	_ =	sdelay $0x1  }
0x99: {  	s19 =	simm.s32 $_scs_section_size  }
0x9a: {  	s4 =	simm.s32 $_size__tile_overlayer_lowered;
	s5 =	simm.s32 $_tile_overlayer_lowered  }
0x9b: {  	s22 =	simm.s32 $0x1BFF;
	s21 =	sshll.u32 s5, $0x1;
	s2 =	sadd.s32 s19, s18  }
0x9c: {  	s6 =	simm.s32 $0x0;
	s20 =	sshll.u32 s4, $0x1;
	s4 =	sadd.s32 s21, s2  }
0x9d: {  	[timem:s6], [sflag:s22] =	dma.local [hbm:s4], s20  }
0x9e: {  	_ =	swait.ge [sflag:s22], s20  }
0x9f: {  	s3 =	ssub.s32 $0x0, s20;
	[sflag:s22] =	ssyncset.done $0x0  }
0xa0: {  	[sflag:s22] =	ssyncadd.s32 s3;
	_ =	sdelay $0x1  }
0xa1: {  	s23 =	simm.s32 $0x1B8B  }
0xa2: {  	_ =	swait.ge [sflag:s23], $0x1  }
0xa3: {  	[sflag:s23] =	ssyncset.done $0x0  }
0xa4: {  	s25 =	simm.s32 $0x1B8E;
	s24 =	sld [smem:$0x3FFE];
	[sflag:s23] =	ssyncadd.s32 $0xFFFFFFFF  }
0xa5: {  	s26 =	simm.s32 $execute0_lowered;
	[smem:$0x3FD2] =	sst s25  }
0xa6: {  	s4 =	sshll.u32 s26, $0x1;
	_ =	strace $0x80000049;
	[dreg:$0x1] =	wrdreg $0xFFFFFFFF  }
0xa7: {  	s28 =	simm.s32 $_size_execute0_lowered;
	s2 =	sadd.s32 s2, s4;
	[dreg:$0x0] =	wrdreg $0x0  }
0xa8: {  	s4 =	sshll.u32 s28, $0x1;
	[dreg:$0x2] =	wrdreg s2  }
0xa9: {  	[dreg:$0x3] =	wrdreg s4  }
0xaa: {  	[dreg:$0x4] =	wrdreg $0xC0  }
0xab: {  	_ =	task [dreg:s6], $0x5FFFF  }
0xac: {  	[dreg:$0x1] =	wrdreg $0xFFFFFFFF  }
0xad: {  	[dreg:$0x0] =	wrdreg $0x60  }
0xae: {  	[dreg:$0x2] =	wrdreg s24  }
0xaf: {  	[dreg:$0x3] =	wrdreg $0x0  }
0xb0: {  	[dreg:$0x4] =	wrdreg $0x9  }
0xb1: {  	_ =	task.clear_ibuf [dreg:s6], $0x5FFFF;
	_ =	strace $0x90000049  }
0xb2: {  	s29 =	simm.s32 $0x9;
	_ =	strace $0x8000004B  }
0xb3: {  	_ =	swait.ge [sflag:s29], $0x1  }
0xb4: {  	[sflag:s29] =	ssyncadd.s32 $0xFFFFFFFF  }
0xb5: {  	_ =	strace $0x9000004B  }
0xb6: {  	_ =	sfence  }
0xb7: {  	s30 =	sld [smem:$0x0];
	_ =	sdelay $0x2  }
0xb8: {  	s31 =	sshll.u32 s1, $0xD;
	s1 =	sshrl.u32 s1, $0x2  }
0xb9: {  	s3 =	sand.u32 $0x4000, s31;
	s1 =	sadd.s32 s1, s30  }
0xba: {  	s0 =	sor.u32 s3, s0;
	s1 =	sshll.u32 s1, $0x11  }
0xbb: {  	s0 =	sor.u32 s1, s0  }
0xbc: {  	s0 =	sadd.s32 $0x8F2B, s0  }
0xbd: {  	[sflag:s0] =	ssyncadd.remote.s32 $0x1  }
0xbe: {  	_ =	sfence.sel $0xFFFF  }
0xbf: {  	[dreg:$0x0] =	wrdreg $0xFFFFFFFF;
	(pc) =	sbr.abs _section_cstart, $3  }
0xc0: {  	[dreg:$0x1] =	wrdreg $0xFFFFFFFF  }
0xc1: {  	_ =	task.clear_ibuf [dreg:s6], $0x2FFFF;
	_ =	strace $0x9FFFFFFF  }
0xc2: {  	(tm) =	ssettm $0x7FFFFFFF  }
0xc3: {  	_ =	shalt  }
tec
execute0_lowered:
.L_overlay_start_1:
0x0: {  	(tag) =	ssettag $0x1  }
0x1: {  	s0 =	srdreg.scid  }
0x2: {  	s1 =	rddreg [dreg:$0x0];
	s9 =	stileid.u32  }
0x3: {  	s2 =	rddreg [dreg:$0x1];
	s5 =	simm.s32 $0x0;
	s13 =	simm.s32 $0xA000  }
0x4: {  	s14 =	simm.s32 $0xC800;
	s15 =	simm.s32 $0xA;
	s16 =	simm.s32 $0x7D  }
0x5: {  	s17 =	simm.s32 $0xF000;
	s19 =	simm.s32 $0x10F40;
	s21 =	simm.s32 $0x12E80  }
0x6: {  	s23 =	simm.s32 $0x14DC0;
	s29 =	simm.s32 $0x5;
	s31 =	simm.s32 $0x3  }
0x7: {  	s20 =	simm.s32 $0x4;
	s28 =	simm.s32 $0x7;
	s4 =	smul.u32 $0x50, s9  }
0x8: {  	s18 =	simm.s32 $0xB;
	s0 =	sand.u32 $0x1, s0;
	s6 =	smul.u32 $0xA000, s9  }
0x9: {  	s22 =	simm.s32 $0x0;
	[smem:$0x7FF] =	sst s5;
	s3 =	smul.u32 $0x500, s0  }
0xa: {  	s24 =	smul.u32 $0xA0000, s0;
	_ =	strace $0x8000004A;
	s0 =	ssub.s32 $0x2, s0  }
0xb: {  	s7 =	sshrl.u32 s6, $0x3;
	s8 =	sshrl.u32 s0, $0x1;
	s12 =	sadd.s32 s6, s2  }
0xc: {  	s3 =	sadd.s32 s4, s3;
	s4 =	sadd.s32 $0x2400, s1;
	s5 =	sadd.s32 s6, s24  }
0xd: {  	s7 =	sadd.s32 s7, s1;
	s0 =	ssub.s32 s0, s8;
	s12 =	sshrl.u32 s12, $0x3  }
0xe: {  	s24 =	simm.s32 $0x9;
	s3 =	sshll.u32 s3, $0x4;
	s5 =	sshrl.u32 s5, $0x3  }
0xf: {  	s25 =	sadd.s32 $0x34200, s7;
	s11 =	smax.u32 s0, $0x1;
	s3 =	sadd.s32 s3, s1  }
.Ltmp0:
0x10: {  	s1 =	sadd.s32 s5, s1;
	s5 =	sshll.u32 s9, $0x6;
	(pc) =	sbr.rel .LBB2_1-.Ltmp0, $4  }
0x11: {  	s0 =	simm.s32 $0x6;
	[dreg:$0x3] =	wrdreg s25;
	s26 =	sor.u32 $0x1C09, s5  }
0x12: {  	s25 =	simm.s32 $0x1;
	s30 =	sadd.s32 $0x2A200, s3;
	[dreg:$0x4] =	wrdreg s26  }
0x13: {  	s3 =	sadd.s32 $0x20200, s3;
	s10 =	sadd.s32 $0x48200, s1;
	[dreg:$0x5] =	wrdreg s30  }
0x14: {  	s1 =	simm.s32 $0x8;
	[dreg:$0x6] =	wrdreg s3;
	s26 =	simm.s32 $0x2  }
.LBB2_4:
0x15: {  	_ =	swait.ge [sflag:s29], $0x1F40  }
0x16: {  	[sflag:s29] =	ssyncset.done $0x0  }
0x17: {  	[sflag:s29] =	ssyncadd.s32 $0xFFFFE0C0  }
0x18: {  	_ =	swait.ge [sflag:s0], $0x1F40  }
0x19: {  	[sflag:s0] =	ssyncset.done $0x0  }
0x1a: {  	[sflag:s0] =	ssyncadd.s32 $0xFFFFE0C0  }
0x1b: {  	_ =	swait.ge [sflag:s28], $0x1F40  }
0x1c: {  	[sflag:s28] =	ssyncset.done $0x0  }
0x1d: {  	[sflag:s28] =	ssyncadd.s32 $0xFFFFE0C0  }
0x1e: {  	_ =	swait.ge [sflag:s1], $0x1F40  }
0x1f: {  	s22 =	sadd.s32 $0x1, s22;
	[sflag:s1] =	ssyncset.done $0x0  }
0x20: {  	p0 =	sne.s32 s22, s11;
	[sflag:s1] =	ssyncadd.s32 $0xFFFFE0C0  }
.Ltmp1:
0x21: {  	s3 =	sor.u32 $0x1C0B, s5;
	[bflag:$0x0] =	sbarrier.arrive $0xFFFF;
	(pc) =	sbr.rel @!p0 .LBB2_5-.Ltmp1, $4  }
0x22: {  	[hbm:s10], [sflag:s3] =	dma.local [spmem:s12], $0x1400  }
0x23: {  	_ =	swait.ge [sflag:s18], $0x1400  }
0x24: {  	[sflag:s18] =	ssyncset.done $0x0  }
0x25: {  	[sflag:s18] =	ssyncadd.s32 $0xFFFFEC00  }
.LBB2_1:
0x26: {  	s3 =	rddreg [dreg:$0x3]  }
0x27: {  	s6 =	rddreg [dreg:$0x4]  }
0x28: {  	[spmem:s12], [sflag:s6] =	dma.local [hbm:s3], $0x1400  }
0x29: {  	s7 =	simm.s32 $0x0;
	s6 =	rddreg [dreg:$0x5]  }
0x2a: {  	[tilespmem:s13], [sflag:$0xA] =	stream.linear.gather [hbm4b:s6+s7], $0x2800, $0x38;
	[tilespmem:$0x16D00] =	vst v63  }
0x2b: {  	s8 =	rddreg [dreg:$0x6]  }
0x2c: {  	[tilespmem:s14], [sflag:$0xA] =	stream.linear.gather [hbm4b:s8+s7], $0x2800, $0x38;
	[tilespmem:$0x16D00] =	vst v63  }
0x2d: {  	_ =	swait.ge [sflag:s15], $0x2800  }
0x2e: {  	[sflag:s15] =	ssyncset.done $0x0  }
0x2f: {  	[sflag:s15] =	ssyncadd.s32 $0xFFFFD800  }
0x30: {  	_ =	swait.ge [sflag:s15], $0x2800  }
0x31: {  	[sflag:s15] =	ssyncset.done $0x0  }
0x32: {  	[sflag:s15] =	ssyncadd.s32 $0xFFFFD800  }
0x33: {  	[tilespmem:s17], [sflag:$0x1] =	stream.indirect.gather [hbm4b:s4+s16], $0x40, s13, s16, $0xb8;
	[tilespmem:$0x16D00] =	vst v63  }
0x34: {  	s9 =	simm.s32 $0xA080  }
0x35: {  	[tilespmem:s19], [sflag:$0x2] =	stream.indirect.gather [hbm4b:s4+s16], $0x40, s9, s16, $0xb8;
	[tilespmem:$0x16D00] =	vst v63  }
0x36: {  	s6 =	simm.s32 $0xA100  }
0x37: {  	[tilespmem:s21], [sflag:$0x3] =	stream.indirect.gather [hbm4b:s4+s16], $0x40, s6, s16, $0xb8;
	[tilespmem:$0x16D00] =	vst v63  }
0x38: {  	s7 =	simm.s32 $0xA180  }
0x39: {  	[tilespmem:s23], [sflag:$0x4] =	stream.indirect.gather [hbm4b:s4+s16], $0x40, s7, s16, $0xb8;
	[tilespmem:$0x16D00] =	vst v63  }
0x3a: {  	_ =	swait.ge [sflag:s24], $0x1400  }
0x3b: {  	[sflag:s24] =	ssyncset.done $0x0  }
0x3c: {  	[sflag:s24] =	ssyncadd.s32 $0xFFFFEC00  }
0x3d: {  	[bflag:$0x0] =	sbarrier.arrive $0xFFFF  }
0x3e: {  	_ =	swait.ge [sflag:s25], $0x1F40  }
0x3f: {  	[sflag:s25] =	ssyncset.done $0x0  }
0x40: {  	[sflag:s25] =	ssyncadd.s32 $0xFFFFE0C0  }
0x41: {  	[spmem:s2] =	stream.indirect.scatter.add.f32 [tilespmem:s17], [sflag:$0x5], $0x40, s14, s16, $0xb8;
	[tilespmem:$0x16D00] =	vst v63  }
0x42: {  	_ =	swait.ge [sflag:s26], $0x1F40  }
0x43: {  	[sflag:s26] =	ssyncset.done $0x0  }
0x44: {  	s8 =	simm.s32 $0xC880;
	[sflag:s26] =	ssyncadd.s32 $0xFFFFE0C0  }
0x45: {  	[spmem:s2] =	stream.indirect.scatter.add.f32 [tilespmem:s19], [sflag:$0x6], $0x40, s8, s16, $0xb8;
	[tilespmem:$0x16D00] =	vst v63  }
0x46: {  	_ =	swait.ge [sflag:s29], $0x1F40  }
0x47: {  	[sflag:s29] =	ssyncset.done $0x0  }
0x48: {  	s9 =	simm.s32 $0xA200;
	[sflag:s29] =	ssyncadd.s32 $0xFFFFE0C0  }
0x49: {  	[tilespmem:s17], [sflag:$0x1] =	stream.indirect.gather [hbm4b:s4+s16], $0x40, s9, s16, $0xb8;
	[tilespmem:$0x16D00] =	vst v63  }
0x4a: {  	_ =	swait.ge [sflag:s31], $0x1F40  }
0x4b: {  	[sflag:s31] =	ssyncset.done $0x0  }
0x4c: {  	s6 =	simm.s32 $0xC900;
	[sflag:s31] =	ssyncadd.s32 $0xFFFFE0C0  }
0x4d: {  	[spmem:s2] =	stream.indirect.scatter.add.f32 [tilespmem:s21], [sflag:$0x7], $0x40, s6, s16, $0xb8;
	[tilespmem:$0x16D00] =	vst v63  }
0x4e: {  	_ =	swait.ge [sflag:s0], $0x1F40  }
0x4f: {  	[sflag:s0] =	ssyncset.done $0x0  }
0x50: {  	s7 =	simm.s32 $0xA280;
	[sflag:s0] =	ssyncadd.s32 $0xFFFFE0C0  }
0x51: {  	[tilespmem:s19], [sflag:$0x2] =	stream.indirect.gather [hbm4b:s4+s16], $0x40, s7, s16, $0xb8;
	[tilespmem:$0x16D00] =	vst v63  }
0x52: {  	_ =	swait.ge [sflag:s20], $0x1F40  }
0x53: {  	[sflag:s20] =	ssyncset.done $0x0  }
0x54: {  	s8 =	simm.s32 $0xC980;
	[sflag:s20] =	ssyncadd.s32 $0xFFFFE0C0  }
0x55: {  	[spmem:s2] =	stream.indirect.scatter.add.f32 [tilespmem:s23], [sflag:$0x8], $0x40, s8, s16, $0xb8;
	[tilespmem:$0x16D00] =	vst v63  }
0x56: {  	_ =	swait.ge [sflag:s28], $0x1F40  }
0x57: {  	[sflag:s28] =	ssyncset.done $0x0  }
0x58: {  	s30 =	simm.s32 $0x0;
	s9 =	simm.s32 $0xA300;
	[sflag:s28] =	ssyncadd.s32 $0xFFFFE0C0  }
0x59: {  	[tilespmem:s21], [sflag:$0x3] =	stream.indirect.gather [hbm4b:s4+s16], $0x40, s9, s16, $0xb8;
	[tilespmem:$0x16D00] =	vst v63  }
.LBB2_2:
0x5a: {  	_ =	swait.ge [sflag:s25], $0x1F40  }
0x5b: {  	s3 =	sshra.s32 s30, $0x2;
	[sflag:s25] =	ssyncset.done $0x0  }
0x5c: {  	s6 =	sadd.s32 $0xCA00, s3;
	[sflag:s25] =	ssyncadd.s32 $0xFFFFE0C0  }
0x5d: {  	[spmem:s2] =	stream.indirect.scatter.add.f32 [tilespmem:s17], [sflag:$0x5], $0x40, s6, s16, $0xb8;
	[tilespmem:$0x16D00] =	vst v63  }
0x5e: {  	_ =	swait.ge [sflag:s1], $0x1F40  }
0x5f: {  	[sflag:s1] =	ssyncset.done $0x0  }
0x60: {  	s7 =	sadd.s32 $0xA380, s3;
	[sflag:s1] =	ssyncadd.s32 $0xFFFFE0C0  }
0x61: {  	[tilespmem:s23], [sflag:$0x4] =	stream.indirect.gather [hbm4b:s4+s16], $0x40, s7, s16, $0xb8;
	[tilespmem:$0x16D00] =	vst v63  }
0x62: {  	_ =	swait.ge [sflag:s26], $0x1F40  }
0x63: {  	p0 =	seq.s32 s30, $0x9000;
	[sflag:s26] =	ssyncset.done $0x0  }
0x64: {  	s8 =	sadd.s32 $0xCA80, s3;
	s6 =	simm.s32 @p0 $0x3;
	[sflag:s26] =	ssyncadd.s32 $0xFFFFE0C0  }
0x65: {  	[spmem:s2] =	stream.indirect.scatter.add.f32 [tilespmem:s19], [sflag:$0x6], $0x40, s8, s16, $0xb8;
	[tilespmem:$0x16D00] =	vst v63  }
0x66: {  	_ =	swait.ge @p0 [sflag:s6], $0x1F40  }
0x67: {  	[sflag:s6] =	ssyncset.done @p0 $0x0  }
0x68: {  	[sflag:s6] =	ssyncadd.s32 @p0 $0xFFFFE0C0;
	s6 =	sshra.s32 @p0 s30, $0x2  }
0x69: {  	s7 =	simm.s32 @p0 $0x7D;
	s8 =	simm.s32 @p0 $0x12E80;
	s6 =	sadd.s32 @p0 $0xCB00, s6  }
0x6a: {  	[spmem:s2] =	stream.indirect.scatter.add.f32 @p0 [tilespmem:s8], [sflag:$0x7], $0x40, s6, s7, $0xb8;
	[tilespmem:$0x16D00] =	vst v63  }
0x6b: {  	s6 =	simm.s32 @!p0 $0x5  }
0x6c: {  	_ =	swait.ge @!p0 [sflag:s6], $0x1F40  }
0x6d: {  	[sflag:s6] =	ssyncset.done @!p0 $0x0  }
0x6e: {  	[sflag:s6] =	ssyncadd.s32 @!p0 $0xFFFFE0C0;
	s6 =	sshra.s32 @!p0 s30, $0x2  }
0x6f: {  	s9 =	simm.s32 @!p0 $0xF000;
	s8 =	simm.s32 @!p0 $0x7D;
	s7 =	sadd.s32 @!p0 $0xA400, s6  }
0x70: {  	[tilespmem:s9], [sflag:$0x1] =	stream.indirect.gather @!p0 [hbm4b:s4+s8], $0x40, s7, s8, $0xb8;
	[tilespmem:$0x16D00] =	vst v63  }
0x71: {  	s7 =	simm.s32 @!p0 $0x3  }
0x72: {  	_ =	swait.ge @!p0 [sflag:s7], $0x1F40  }
0x73: {  	[sflag:s7] =	ssyncset.done @!p0 $0x0  }
0x74: {  	s9 =	simm.s32 @!p0 $0x12E80;
	[sflag:s7] =	ssyncadd.s32 @!p0 $0xFFFFE0C0;
	s7 =	sadd.s32 @!p0 $0xCB00, s6  }
0x75: {  	[spmem:s2] =	stream.indirect.scatter.add.f32 @!p0 [tilespmem:s9], [sflag:$0x7], $0x40, s7, s8, $0xb8;
	[tilespmem:$0x16D00] =	vst v63  }
0x76: {  	s7 =	simm.s32 @!p0 $0x6  }
0x77: {  	_ =	swait.ge @!p0 [sflag:s7], $0x1F40  }
0x78: {  	[sflag:s7] =	ssyncset.done @!p0 $0x0  }
0x79: {  	s6 =	sadd.s32 @!p0 $0xA480, s6;
	[sflag:s7] =	ssyncadd.s32 @!p0 $0xFFFFE0C0;
	s7 =	simm.s32 @!p0 $0x10F40  }
0x7a: {  	[tilespmem:s7], [sflag:$0x2] =	stream.indirect.gather @!p0 [hbm4b:s4+s8], $0x40, s6, s8, $0xb8;
	[tilespmem:$0x16D00] =	vst v63  }
.Ltmp2:
0x7b: {  	_ = 	snop;
	(pc) =	sbr.rel @p0 .LBB2_4-.Ltmp2, $4  }
0x7c: {  	_ =	swait.ge [sflag:s20], $0x1F40  }
0x7d: {  	[sflag:s20] =	ssyncset.done $0x0  }
0x7e: {  	s9 =	sadd.s32 $0xCB80, s3;
	[sflag:s20] =	ssyncadd.s32 $0xFFFFE0C0  }
0x7f: {  	[spmem:s2] =	stream.indirect.scatter.add.f32 [tilespmem:s23], [sflag:$0x8], $0x40, s9, s16, $0xb8;
	[tilespmem:$0x16D00] =	vst v63  }
.Ltmp3:
0x80: {  	(pc) =	sbr.rel .LBB2_2-.Ltmp3, $4  }
0x81: {  	_ =	swait.ge [sflag:s28], $0x1F40  }
0x82: {  	[sflag:s28] =	ssyncset.done $0x0  }
0x83: {  	s3 =	sadd.s32 $0xA500, s3;
	s30 =	sadd.s32 $0x800, s30;
	[sflag:s28] =	ssyncadd.s32 $0xFFFFE0C0  }
0x84: {  	[tilespmem:s21], [sflag:$0x3] =	stream.indirect.gather [hbm4b:s4+s16], $0x40, s3, s16, $0xb8;
	[tilespmem:$0x16D00] =	vst v63  }
.LBB2_5:
0x85: {  	_ =	sfence.sel $0x180000  }
0x86: {  	[bflag:$0x0] =	sbarrier.arrive $0xFFFF  }
0x87: {  	_ =	strace $0x9000004A  }
0x88: {  	s0 =	stileid.u32;
	[bflag:$0x2] =	sbarrier.arrive $0xFFFF  }
0x89: {  	p0 =	sne.s32 s0, $0x0;
	s0 =	rddreg [dreg:$0x2]  }
0x8a: {  	s0 =	sadd.s32 @!p0 $0x100000, s0  }
0x8b: {  	[sflag:s0] =	ssyncadd.tile.s32 @!p0 $0x1;
	_ =	shalt  }
.Lfunc_end2:
_tile_overlayer_lowered:
.L_overlay_start_2:
0x8c: {  	(tag) =	ssettag $0x2  }
0x8d: {  	s0 =	rddreg [dreg:$0x0];
	s2 =	stileid.u32  }
0x8e: {  	s1 =	rddreg [dreg:$0x1];
	p0 =	sne.s32 s2, $0x0  }
0x8f: {  	s3 =	rddreg [dreg:$0x2];
	[bflag:$0x3] =	sbarrier.arrive $0xFFFF;
	s2 =	simm.s32 @!p0 $0x1C0B  }
0x90: {  	[timem:s3], [sflag:s2] =	dma.local @!p0 [hbm:s0], s1  }
0x91: {  	s0 =	simm.s32 @!p0 $0xB  }
0x92: {  	_ =	swait.ge @!p0 [sflag:s0], s1  }
0x93: {  	s1 =	ssub.s32 @!p0 $0x0, s1;
	[sflag:s0] =	ssyncset.done @!p0 $0x0  }
0x94: {  	[sflag:s0] =	ssyncadd.s32 @!p0 s1  }
0x95: {  	[bflag:$0x3] =	sbarrier.arrive $0xFFFF  }
0x96: {  	_ =	shalt  }

// kernel: kernel.14.cloned.1.call-start
scs
__scs_entry_jumppad:
0x0: {  	(pc) =	sbr.rel $0x88, $3  }
0x1: {  	(tag) =	ssettag $0x0;
	lr =	simm.s32 $0x1  }
0x2: {  	[smem:$0x3F9B] =	sst lr;
	_ =	strace $0xD0000000  }
0x3: {  	_ = 	snop  }
0x4: {  	_ = 	snop  }
0x5: {  	_ = 	snop  }
0x6: {  	_ = 	snop  }
0x7: {  	_ = 	snop  }
__scs_overlays_trampoline_lowered:
0x8: {  	[smem:$0x3FAA] =	sst s0  }
0x9: {  	[smem:$0x3FAB] =	sst s1  }
0xa: {  	[smem:$0x3FAC] =	sst s2  }
0xb: {  	[smem:$0x3FAD] =	sst s3  }
0xc: {  	[smem:$0x3FAE] =	sst s4  }
0xd: {  	[smem:$0x3FAF] =	sst s5  }
0xe: {  	[smem:$0x3FB0] =	sst s6  }
0xf: {  	[smem:$0x3FB1] =	sst s7  }
0x10: {  	[smem:$0x3FB2] =	sst s8  }
0x11: {  	[smem:$0x3FB3] =	sst s9;
	s0 =	simm.s32 @!p0 $0x0  }
0x12: {  	s1 =	sld [smem:$0x3F99];
	s0 =	simm.s32 @p0 $0x1  }
0x13: {  	[smem:$0x3FB4] =	sst s0;
	s0 =	simm.s32 @!p1 $0x0  }
0x14: {  	s2 =	sld [smem:$0x3F98];
	s0 =	simm.s32 @p1 $0x1  }
0x15: {  	[smem:$0x3FB5] =	sst s0;
	s0 =	simm.s32 @!p2 $0x0  }
0x16: {  	s3 =	sld [smem:$0x3FDB];
	s0 =	simm.s32 @p2 $0x1  }
0x17: {  	s4 =	simm.s32 $0x1BF5;
	[smem:$0x3FB7] =	sst s0  }
0x18: {  	s0 =	sld [smem:$0x3F9A];
	_ =	swait.ge [sflag:s4], $0x0  }
0x19: {  	s7 =	sld [smem:$0x3F9B]  }
0x1a: {  	s8 =	sadd.s32 $0xFFFFE003, lr  }
0x1b: {  	s9 =	sadd.s32 $0xFFFFFEF7, lr;
	s5 =	simm.s32 $0xFFFFFFFF;
	p2 =	slt.u32 s8, $0xFFFFF086  }
0x1c: {  	p1 =	slt.u32 s9, $0xF7A;
	s5 =	simm.s32 @!p2 $0x0  }
0x1d: {  	s5 =	simm.s32 @p1 $0x1;
	p0 =	seq.s32 s7, s2  }
0x1e: {  	s7 =	smul.u32 @!p0 $0xF7A, s2;
	p2 =	seq.s32 @!p0 s5, $0x0  }
0x1f: {  	s9 =	smul.u32 $0xF7A, s1;
	s8 =	simm.s32 @!p0 $0x1BF5;
	p2 =	por !p2, p0  }
0x20: {  	[sflag:s8] =	ssyncset.s32 @!p0 $0xFFFFF086;
	s6 =	sadd.s32 @!p0 s3, s7;
	s7 =	simm.s32 @!p0 $0x108  }
0x21: {  	s3 =	sadd.s32 s3, s9;
	s6 =	sadd.s32 @!p0 $0x88, s6;
	s7 =	simm.s32 @p2 $0x1082  }
0x22: {  	[simem:s7], [sflag:s8] =	dma.local @!p0 [hbm:s6], $0xF7A  }
0x23: {  	s9 =	sor.u32 $0xD0000000, s2;
	s6 =	simm.s32 $0x108;
	_ =	swait.ge @!p0 [sflag:s8], $0x0  }
0x24: {  	s3 =	sadd.s32 $0x88, s3;
	s6 =	simm.s32 @!p1 $0x1082;
	[sflag:s4] =	ssyncset.s32 $0xFFFFF086  }
0x25: {  	[simem:s6], [sflag:s4] =	dma.local [hbm:s3], $0xF7A  }
0x26: {  	[smem:$0x3F9B] =	sst s1;
	(tag) =	ssettag s2;
	_ =	strace s9  }
0x27: {  	s1 =	sld [smem:$0x3FAB]  }
0x28: {  	s2 =	sld [smem:$0x3FAC]  }
0x29: {  	s4 =	sld [smem:$0x3FAE]  }
0x2a: {  	p0 =	seq.s32 s5, $0x0;
	s5 =	sld [smem:$0x3FAF]  }
0x2b: {  	s6 =	sld [smem:$0x3FB0]  }
0x2c: {  	s7 =	sld [smem:$0x3FB1]  }
0x2d: {  	s3 =	simm.s32 $0x108;
	s8 =	sld [smem:$0x3FB2]  }
0x2e: {  	s3 =	simm.s32 @!p0 $0x1082;
	s9 =	sld [smem:$0x3FB3]  }
0x2f: {  	lr =	sadd.s32 s0, s3;
	s0 =	sld [smem:$0x3FAA]  }
0x30: {  	s3 =	sld [smem:$0x3FAD]  }
0x31: {  	[smem:$0x3FB6] =	sst s10  }
0x32: {  	s10 =	sld [smem:$0x3FB4];
	_ =	sdelay $0x3  }
0x33: {  	p0 =	seq.s32 s10, $0x1;
	s10 =	sld [smem:$0x3FB6];
	_ =	sdelay $0x3  }
0x34: {  	[smem:$0x3FB6] =	sst s10  }
0x35: {  	s10 =	sld [smem:$0x3FB5];
	_ =	sdelay $0x3  }
0x36: {  	p1 =	seq.s32 s10, $0x1;
	s10 =	sld [smem:$0x3FB6];
	_ =	sdelay $0x3  }
0x37: {  	[smem:$0x3FB6] =	sst s10  }
0x38: {  	s10 =	sld [smem:$0x3FB7]  }
0x39: {  	_ = 	snop;
	(pc) =	sbr.ind lr, $3  }
0x3a: {  	_ = 	snop  }
0x3b: {  	_ = 	snop  }
0x3c: {  	p2 =	seq.s32 s10, $0x1;
	s10 =	sld [smem:$0x3FB6]  }
0x3d: {  	_ =	shalt  }
0x3e: {  	_ =	shalt  }
0x3f: {  	_ =	shalt  }
0x40: {  	_ =	shalt  }
0x41: {  	_ =	shalt  }
0x42: {  	_ =	shalt  }
0x43: {  	_ =	shalt  }
0x44: {  	_ =	shalt  }
0x45: {  	_ =	shalt  }
0x46: {  	_ =	shalt  }
0x47: {  	_ =	shalt  }
0x48: {  	_ =	shalt  }
0x49: {  	_ =	shalt  }
0x4a: {  	_ =	shalt  }
0x4b: {  	_ =	shalt  }
0x4c: {  	_ =	shalt  }
0x4d: {  	_ =	shalt  }
0x4e: {  	_ =	shalt  }
0x4f: {  	_ =	shalt  }
0x50: {  	_ =	shalt  }
0x51: {  	_ =	shalt  }
0x52: {  	_ =	shalt  }
0x53: {  	_ =	shalt  }
0x54: {  	_ =	shalt  }
0x55: {  	_ =	shalt  }
0x56: {  	_ =	shalt  }
0x57: {  	_ =	shalt  }
0x58: {  	_ =	shalt  }
0x59: {  	_ =	shalt  }
0x5a: {  	_ =	shalt  }
0x5b: {  	_ =	shalt  }
0x5c: {  	_ =	shalt  }
0x5d: {  	_ =	shalt  }
0x5e: {  	_ =	shalt  }
0x5f: {  	_ =	shalt  }
0x60: {  	_ =	shalt  }
0x61: {  	_ =	shalt  }
0x62: {  	_ =	shalt  }
0x63: {  	_ =	shalt  }
0x64: {  	_ =	shalt  }
0x65: {  	_ =	shalt  }
0x66: {  	_ =	shalt  }
0x67: {  	_ =	shalt  }
0x68: {  	_ =	shalt  }
0x69: {  	_ =	shalt  }
0x6a: {  	_ =	shalt  }
0x6b: {  	_ =	shalt  }
0x6c: {  	_ =	shalt  }
0x6d: {  	_ =	shalt  }
0x6e: {  	_ =	shalt  }
0x6f: {  	_ =	shalt  }
0x70: {  	_ =	shalt  }
0x71: {  	_ =	shalt  }
0x72: {  	_ =	shalt  }
0x73: {  	_ =	shalt  }
0x74: {  	_ =	shalt  }
0x75: {  	_ =	shalt  }
0x76: {  	_ =	shalt  }
0x77: {  	_ =	shalt  }
0x78: {  	_ =	shalt  }
0x79: {  	_ =	shalt  }
0x7a: {  	_ =	shalt  }
0x7b: {  	_ =	shalt  }
0x7c: {  	_ =	shalt  }
0x7d: {  	_ =	shalt  }
0x7e: {  	_ =	shalt  }
0x7f: {  	_ =	shalt  }
0x80: {  	_ =	shalt  }
0x81: {  	_ =	shalt  }
0x82: {  	_ =	shalt  }
0x83: {  	_ =	shalt  }
0x84: {  	_ =	shalt  }
0x85: {  	_ =	shalt  }
0x86: {  	_ =	shalt  }
0x87: {  	_ =	shalt  }
.Lfunc_end0:
.L_simem_size_0:
called_computation.2_lowered:
.L_overlay_start_0:
0x88: {  	s2 =	sld [smem:$0x3FD9]  }
0x89: {  	s3 =	sld [smem:$0x3FFE];
	_ =	sdelay $0x1  }
0x8a: {  	s1 =	srdreg.scid  }
0x8b: {  	s0 =	sand.u32 $0x1, s1  }
0x8c: {  	s16 =	sshll.u32 s0, $0xA;
	s2 =	sadd.s32 s3, s2  }
0x8d: {  	s2 =	sadd.s32 s2, s16  }
0x8e: {  	[smem:$0x3FC2] =	sst s2  }
0x8f: {  	_ = 	snop  }
0x90: {  	(tm) =	ssettm $0x1  }
0x91: {  	s17 =	sld [smem:$0x3FFB];
	_ =	sdelay $0x3  }
0x92: {  	_ =	strace s17  }
0x93: {  	s2 =	sld [smem:$0x3FFC];
	_ =	sdelay $0x3  }
0x94: {  	_ =	strace s2  }
0x95: {  	s2 =	sld [smem:$0x3FFD];
	_ =	sdelay $0x3  }
0x96: {  	_ =	strace s2  }
0x97: {  	_ =	strace $0x8FFFFFFF  }
0x98: {  	s18 =	sld [smem:$0x3FDB];
	_ =	sdelay $0x1  }
0x99: {  	s19 =	simm.s32 $_scs_section_size  }
0x9a: {  	s4 =	simm.s32 $_size__tile_overlayer_lowered;
	s5 =	simm.s32 $_tile_overlayer_lowered  }
0x9b: {  	s22 =	simm.s32 $0x1BFF;
	s21 =	sshll.u32 s5, $0x1;
	s2 =	sadd.s32 s19, s18  }
0x9c: {  	s6 =	simm.s32 $0x0;
	s20 =	sshll.u32 s4, $0x1;
	s4 =	sadd.s32 s21, s2  }
0x9d: {  	[timem:s6], [sflag:s22] =	dma.local [hbm:s4], s20  }
0x9e: {  	_ =	swait.ge [sflag:s22], s20  }
0x9f: {  	s3 =	ssub.s32 $0x0, s20;
	[sflag:s22] =	ssyncset.done $0x0  }
0xa0: {  	[sflag:s22] =	ssyncadd.s32 s3;
	_ =	sdelay $0x1  }
0xa1: {  	s23 =	simm.s32 $0x1B8B  }
0xa2: {  	_ =	swait.ge [sflag:s23], $0x1  }
0xa3: {  	[sflag:s23] =	ssyncset.done $0x0  }
0xa4: {  	s25 =	simm.s32 $0x1B8E;
	s24 =	sld [smem:$0x3FFE];
	[sflag:s23] =	ssyncadd.s32 $0xFFFFFFFF  }
0xa5: {  	s26 =	simm.s32 $execute0_lowered;
	[smem:$0x3FD2] =	sst s25  }
0xa6: {  	s4 =	sshll.u32 s26, $0x1;
	_ =	strace $0x8000004C;
	[dreg:$0x1] =	wrdreg $0xFFFFFFFF  }
0xa7: {  	s28 =	simm.s32 $_size_execute0_lowered;
	s2 =	sadd.s32 s2, s4;
	[dreg:$0x0] =	wrdreg $0x0  }
0xa8: {  	s4 =	sshll.u32 s28, $0x1;
	[dreg:$0x2] =	wrdreg s2  }
0xa9: {  	[dreg:$0x3] =	wrdreg s4  }
0xaa: {  	[dreg:$0x4] =	wrdreg $0xC0  }
0xab: {  	_ =	task [dreg:s6], $0x5FFFF  }
0xac: {  	[dreg:$0x1] =	wrdreg $0xFFFFFFFF  }
0xad: {  	[dreg:$0x0] =	wrdreg $0x60  }
0xae: {  	[dreg:$0x2] =	wrdreg s24  }
0xaf: {  	[dreg:$0x3] =	wrdreg $0x0  }
0xb0: {  	[dreg:$0x4] =	wrdreg $0x9  }
0xb1: {  	_ =	task.clear_ibuf [dreg:s6], $0x5FFFF;
	_ =	strace $0x9000004C  }
0xb2: {  	s29 =	simm.s32 $0x9;
	_ =	strace $0x8000004E  }
0xb3: {  	_ =	swait.ge [sflag:s29], $0x1  }
0xb4: {  	[sflag:s29] =	ssyncadd.s32 $0xFFFFFFFF  }
0xb5: {  	_ =	strace $0x9000004E  }
0xb6: {  	_ =	sfence  }
0xb7: {  	s30 =	sld [smem:$0x0];
	_ =	sdelay $0x2  }
0xb8: {  	s31 =	sshll.u32 s1, $0xD;
	s1 =	sshrl.u32 s1, $0x2  }
0xb9: {  	s3 =	sand.u32 $0x4000, s31;
	s1 =	sadd.s32 s1, s30  }
0xba: {  	s0 =	sor.u32 s3, s0;
	s1 =	sshll.u32 s1, $0x11  }
0xbb: {  	s0 =	sor.u32 s1, s0  }
0xbc: {  	s0 =	sadd.s32 $0x8F2B, s0  }
0xbd: {  	[sflag:s0] =	ssyncadd.remote.s32 $0x1  }
0xbe: {  	_ =	sfence.sel $0xFFFF  }
0xbf: {  	[dreg:$0x0] =	wrdreg $0xFFFFFFFF;
	(pc) =	sbr.abs _section_cstart, $3  }
0xc0: {  	[dreg:$0x1] =	wrdreg $0xFFFFFFFF  }
0xc1: {  	_ =	task.clear_ibuf [dreg:s6], $0x2FFFF;
	_ =	strace $0x9FFFFFFF  }
0xc2: {  	(tm) =	ssettm $0x7FFFFFFF  }
0xc3: {  	_ =	shalt  }
tec
execute0_lowered:
.L_overlay_start_1:
0x0: {  	(tag) =	ssettag $0x1  }
0x1: {  	s0 =	srdreg.scid  }
0x2: {  	s1 =	rddreg [dreg:$0x0];
	s9 =	stileid.u32  }
0x3: {  	s2 =	rddreg [dreg:$0x1];
	s5 =	simm.s32 $0x0;
	s13 =	simm.s32 $0xA000  }
0x4: {  	s14 =	simm.s32 $0xC800;
	s15 =	simm.s32 $0xA;
	s16 =	simm.s32 $0x7D  }
0x5: {  	s17 =	simm.s32 $0xF000;
	s19 =	simm.s32 $0x10F40;
	s21 =	simm.s32 $0x12E80  }
0x6: {  	s23 =	simm.s32 $0x14DC0;
	s29 =	simm.s32 $0x5;
	s31 =	simm.s32 $0x3  }
0x7: {  	s20 =	simm.s32 $0x4;
	s28 =	simm.s32 $0x7;
	s4 =	smul.u32 $0x50, s9  }
0x8: {  	s18 =	simm.s32 $0xB;
	s0 =	sand.u32 $0x1, s0;
	s6 =	smul.u32 $0xA000, s9  }
0x9: {  	s22 =	simm.s32 $0x0;
	[smem:$0x7FF] =	sst s5;
	s3 =	smul.u32 $0x500, s0  }
0xa: {  	s24 =	smul.u32 $0xA0000, s0;
	_ =	strace $0x8000004D;
	s0 =	ssub.s32 $0x2, s0  }
0xb: {  	s7 =	sshrl.u32 s6, $0x3;
	s8 =	sshrl.u32 s0, $0x1;
	s12 =	sadd.s32 s6, s2  }
0xc: {  	s3 =	sadd.s32 s4, s3;
	s4 =	sadd.s32 $0x2400, s1;
	s5 =	sadd.s32 s6, s24  }
0xd: {  	s7 =	sadd.s32 s7, s1;
	s0 =	ssub.s32 s0, s8;
	s12 =	sshrl.u32 s12, $0x3  }
0xe: {  	s24 =	simm.s32 $0x9;
	s3 =	sshll.u32 s3, $0x4;
	s5 =	sshrl.u32 s5, $0x3  }
0xf: {  	s25 =	sadd.s32 $0x34200, s7;
	s11 =	smax.u32 s0, $0x1;
	s3 =	sadd.s32 s3, s1  }
.Ltmp0:
0x10: {  	s1 =	sadd.s32 s5, s1;
	s5 =	sshll.u32 s9, $0x6;
	(pc) =	sbr.rel .LBB2_1-.Ltmp0, $4  }
0x11: {  	s0 =	simm.s32 $0x6;
	[dreg:$0x3] =	wrdreg s25;
	s26 =	sor.u32 $0x1C09, s5  }
0x12: {  	s25 =	simm.s32 $0x1;
	s30 =	sadd.s32 $0x2A200, s3;
	[dreg:$0x4] =	wrdreg s26  }
0x13: {  	s3 =	sadd.s32 $0x20200, s3;
	s10 =	sadd.s32 $0x48200, s1;
	[dreg:$0x5] =	wrdreg s30  }
0x14: {  	s1 =	simm.s32 $0x8;
	[dreg:$0x6] =	wrdreg s3;
	s26 =	simm.s32 $0x2  }
.LBB2_4:
0x15: {  	_ =	swait.ge [sflag:s29], $0x1F40  }
0x16: {  	[sflag:s29] =	ssyncset.done $0x0  }
0x17: {  	[sflag:s29] =	ssyncadd.s32 $0xFFFFE0C0  }
0x18: {  	_ =	swait.ge [sflag:s0], $0x1F40  }
0x19: {  	[sflag:s0] =	ssyncset.done $0x0  }
0x1a: {  	[sflag:s0] =	ssyncadd.s32 $0xFFFFE0C0  }
0x1b: {  	_ =	swait.ge [sflag:s28], $0x1F40  }
0x1c: {  	[sflag:s28] =	ssyncset.done $0x0  }
0x1d: {  	[sflag:s28] =	ssyncadd.s32 $0xFFFFE0C0  }
0x1e: {  	_ =	swait.ge [sflag:s1], $0x1F40  }
0x1f: {  	s22 =	sadd.s32 $0x1, s22;
	[sflag:s1] =	ssyncset.done $0x0  }
0x20: {  	p0 =	sne.s32 s22, s11;
	[sflag:s1] =	ssyncadd.s32 $0xFFFFE0C0  }
.Ltmp1:
0x21: {  	s3 =	sor.u32 $0x1C0B, s5;
	[bflag:$0x0] =	sbarrier.arrive $0xFFFF;
	(pc) =	sbr.rel @!p0 .LBB2_5-.Ltmp1, $4  }
0x22: {  	[hbm:s10], [sflag:s3] =	dma.local [spmem:s12], $0x1400  }
0x23: {  	_ =	swait.ge [sflag:s18], $0x1400  }
0x24: {  	[sflag:s18] =	ssyncset.done $0x0  }
0x25: {  	[sflag:s18] =	ssyncadd.s32 $0xFFFFEC00  }
.LBB2_1:
0x26: {  	s3 =	rddreg [dreg:$0x3]  }
0x27: {  	s6 =	rddreg [dreg:$0x4]  }
0x28: {  	[spmem:s12], [sflag:s6] =	dma.local [hbm:s3], $0x1400  }
0x29: {  	s7 =	simm.s32 $0x0;
	s6 =	rddreg [dreg:$0x5]  }
0x2a: {  	[tilespmem:s13], [sflag:$0xA] =	stream.linear.gather [hbm4b:s6+s7], $0x2800, $0x38;
	[tilespmem:$0x16D00] =	vst v63  }
0x2b: {  	s8 =	rddreg [dreg:$0x6]  }
0x2c: {  	[tilespmem:s14], [sflag:$0xA] =	stream.linear.gather [hbm4b:s8+s7], $0x2800, $0x38;
	[tilespmem:$0x16D00] =	vst v63  }
0x2d: {  	_ =	swait.ge [sflag:s15], $0x2800  }
0x2e: {  	[sflag:s15] =	ssyncset.done $0x0  }
0x2f: {  	[sflag:s15] =	ssyncadd.s32 $0xFFFFD800  }
0x30: {  	_ =	swait.ge [sflag:s15], $0x2800  }
0x31: {  	[sflag:s15] =	ssyncset.done $0x0  }
0x32: {  	[sflag:s15] =	ssyncadd.s32 $0xFFFFD800  }
0x33: {  	[tilespmem:s17], [sflag:$0x1] =	stream.indirect.gather [hbm4b:s4+s16], $0x40, s13, s16, $0xb8;
	[tilespmem:$0x16D00] =	vst v63  }
0x34: {  	s9 =	simm.s32 $0xA080  }
0x35: {  	[tilespmem:s19], [sflag:$0x2] =	stream.indirect.gather [hbm4b:s4+s16], $0x40, s9, s16, $0xb8;
	[tilespmem:$0x16D00] =	vst v63  }
0x36: {  	s6 =	simm.s32 $0xA100  }
0x37: {  	[tilespmem:s21], [sflag:$0x3] =	stream.indirect.gather [hbm4b:s4+s16], $0x40, s6, s16, $0xb8;
	[tilespmem:$0x16D00] =	vst v63  }
0x38: {  	s7 =	simm.s32 $0xA180  }
0x39: {  	[tilespmem:s23], [sflag:$0x4] =	stream.indirect.gather [hbm4b:s4+s16], $0x40, s7, s16, $0xb8;
	[tilespmem:$0x16D00] =	vst v63  }
0x3a: {  	_ =	swait.ge [sflag:s24], $0x1400  }
0x3b: {  	[sflag:s24] =	ssyncset.done $0x0  }
0x3c: {  	[sflag:s24] =	ssyncadd.s32 $0xFFFFEC00  }
0x3d: {  	[bflag:$0x0] =	sbarrier.arrive $0xFFFF  }
0x3e: {  	_ =	swait.ge [sflag:s25], $0x1F40  }
0x3f: {  	[sflag:s25] =	ssyncset.done $0x0  }
0x40: {  	[sflag:s25] =	ssyncadd.s32 $0xFFFFE0C0  }
0x41: {  	[spmem:s2] =	stream.indirect.scatter.add.f32 [tilespmem:s17], [sflag:$0x5], $0x40, s14, s16, $0xb8;
	[tilespmem:$0x16D00] =	vst v63  }
0x42: {  	_ =	swait.ge [sflag:s26], $0x1F40  }
0x43: {  	[sflag:s26] =	ssyncset.done $0x0  }
0x44: {  	s8 =	simm.s32 $0xC880;
	[sflag:s26] =	ssyncadd.s32 $0xFFFFE0C0  }
0x45: {  	[spmem:s2] =	stream.indirect.scatter.add.f32 [tilespmem:s19], [sflag:$0x6], $0x40, s8, s16, $0xb8;
	[tilespmem:$0x16D00] =	vst v63  }
0x46: {  	_ =	swait.ge [sflag:s29], $0x1F40  }
0x47: {  	[sflag:s29] =	ssyncset.done $0x0  }
0x48: {  	s9 =	simm.s32 $0xA200;
	[sflag:s29] =	ssyncadd.s32 $0xFFFFE0C0  }
0x49: {  	[tilespmem:s17], [sflag:$0x1] =	stream.indirect.gather [hbm4b:s4+s16], $0x40, s9, s16, $0xb8;
	[tilespmem:$0x16D00] =	vst v63  }
0x4a: {  	_ =	swait.ge [sflag:s31], $0x1F40  }
0x4b: {  	[sflag:s31] =	ssyncset.done $0x0  }
0x4c: {  	s6 =	simm.s32 $0xC900;
	[sflag:s31] =	ssyncadd.s32 $0xFFFFE0C0  }
0x4d: {  	[spmem:s2] =	stream.indirect.scatter.add.f32 [tilespmem:s21], [sflag:$0x7], $0x40, s6, s16, $0xb8;
	[tilespmem:$0x16D00] =	vst v63  }
0x4e: {  	_ =	swait.ge [sflag:s0], $0x1F40  }
0x4f: {  	[sflag:s0] =	ssyncset.done $0x0  }
0x50: {  	s7 =	simm.s32 $0xA280;
	[sflag:s0] =	ssyncadd.s32 $0xFFFFE0C0  }
0x51: {  	[tilespmem:s19], [sflag:$0x2] =	stream.indirect.gather [hbm4b:s4+s16], $0x40, s7, s16, $0xb8;
	[tilespmem:$0x16D00] =	vst v63  }
0x52: {  	_ =	swait.ge [sflag:s20], $0x1F40  }
0x53: {  	[sflag:s20] =	ssyncset.done $0x0  }
0x54: {  	s8 =	simm.s32 $0xC980;
	[sflag:s20] =	ssyncadd.s32 $0xFFFFE0C0  }
0x55: {  	[spmem:s2] =	stream.indirect.scatter.add.f32 [tilespmem:s23], [sflag:$0x8], $0x40, s8, s16, $0xb8;
	[tilespmem:$0x16D00] =	vst v63  }
0x56: {  	_ =	swait.ge [sflag:s28], $0x1F40  }
0x57: {  	[sflag:s28] =	ssyncset.done $0x0  }
0x58: {  	s30 =	simm.s32 $0x0;
	s9 =	simm.s32 $0xA300;
	[sflag:s28] =	ssyncadd.s32 $0xFFFFE0C0  }
0x59: {  	[tilespmem:s21], [sflag:$0x3] =	stream.indirect.gather [hbm4b:s4+s16], $0x40, s9, s16, $0xb8;
	[tilespmem:$0x16D00] =	vst v63  }
.LBB2_2:
0x5a: {  	_ =	swait.ge [sflag:s25], $0x1F40  }
0x5b: {  	s3 =	sshra.s32 s30, $0x2;
	[sflag:s25] =	ssyncset.done $0x0  }
0x5c: {  	s6 =	sadd.s32 $0xCA00, s3;
	[sflag:s25] =	ssyncadd.s32 $0xFFFFE0C0  }
0x5d: {  	[spmem:s2] =	stream.indirect.scatter.add.f32 [tilespmem:s17], [sflag:$0x5], $0x40, s6, s16, $0xb8;
	[tilespmem:$0x16D00] =	vst v63  }
0x5e: {  	_ =	swait.ge [sflag:s1], $0x1F40  }
0x5f: {  	[sflag:s1] =	ssyncset.done $0x0  }
0x60: {  	s7 =	sadd.s32 $0xA380, s3;
	[sflag:s1] =	ssyncadd.s32 $0xFFFFE0C0  }
0x61: {  	[tilespmem:s23], [sflag:$0x4] =	stream.indirect.gather [hbm4b:s4+s16], $0x40, s7, s16, $0xb8;
	[tilespmem:$0x16D00] =	vst v63  }
0x62: {  	_ =	swait.ge [sflag:s26], $0x1F40  }
0x63: {  	p0 =	seq.s32 s30, $0x9000;
	[sflag:s26] =	ssyncset.done $0x0  }
0x64: {  	s8 =	sadd.s32 $0xCA80, s3;
	s6 =	simm.s32 @p0 $0x3;
	[sflag:s26] =	ssyncadd.s32 $0xFFFFE0C0  }
0x65: {  	[spmem:s2] =	stream.indirect.scatter.add.f32 [tilespmem:s19], [sflag:$0x6], $0x40, s8, s16, $0xb8;
	[tilespmem:$0x16D00] =	vst v63  }
0x66: {  	_ =	swait.ge @p0 [sflag:s6], $0x1F40  }
0x67: {  	[sflag:s6] =	ssyncset.done @p0 $0x0  }
0x68: {  	[sflag:s6] =	ssyncadd.s32 @p0 $0xFFFFE0C0;
	s6 =	sshra.s32 @p0 s30, $0x2  }
0x69: {  	s7 =	simm.s32 @p0 $0x7D;
	s8 =	simm.s32 @p0 $0x12E80;
	s6 =	sadd.s32 @p0 $0xCB00, s6  }
0x6a: {  	[spmem:s2] =	stream.indirect.scatter.add.f32 @p0 [tilespmem:s8], [sflag:$0x7], $0x40, s6, s7, $0xb8;
	[tilespmem:$0x16D00] =	vst v63  }
0x6b: {  	s6 =	simm.s32 @!p0 $0x5  }
0x6c: {  	_ =	swait.ge @!p0 [sflag:s6], $0x1F40  }
0x6d: {  	[sflag:s6] =	ssyncset.done @!p0 $0x0  }
0x6e: {  	[sflag:s6] =	ssyncadd.s32 @!p0 $0xFFFFE0C0;
	s6 =	sshra.s32 @!p0 s30, $0x2  }
0x6f: {  	s9 =	simm.s32 @!p0 $0xF000;
	s8 =	simm.s32 @!p0 $0x7D;
	s7 =	sadd.s32 @!p0 $0xA400, s6  }
0x70: {  	[tilespmem:s9], [sflag:$0x1] =	stream.indirect.gather @!p0 [hbm4b:s4+s8], $0x40, s7, s8, $0xb8;
	[tilespmem:$0x16D00] =	vst v63  }
0x71: {  	s7 =	simm.s32 @!p0 $0x3  }
0x72: {  	_ =	swait.ge @!p0 [sflag:s7], $0x1F40  }
0x73: {  	[sflag:s7] =	ssyncset.done @!p0 $0x0  }
0x74: {  	s9 =	simm.s32 @!p0 $0x12E80;
	[sflag:s7] =	ssyncadd.s32 @!p0 $0xFFFFE0C0;
	s7 =	sadd.s32 @!p0 $0xCB00, s6  }
0x75: {  	[spmem:s2] =	stream.indirect.scatter.add.f32 @!p0 [tilespmem:s9], [sflag:$0x7], $0x40, s7, s8, $0xb8;
	[tilespmem:$0x16D00] =	vst v63  }
0x76: {  	s7 =	simm.s32 @!p0 $0x6  }
0x77: {  	_ =	swait.ge @!p0 [sflag:s7], $0x1F40  }
0x78: {  	[sflag:s7] =	ssyncset.done @!p0 $0x0  }
0x79: {  	s6 =	sadd.s32 @!p0 $0xA480, s6;
	[sflag:s7] =	ssyncadd.s32 @!p0 $0xFFFFE0C0;
	s7 =	simm.s32 @!p0 $0x10F40  }
0x7a: {  	[tilespmem:s7], [sflag:$0x2] =	stream.indirect.gather @!p0 [hbm4b:s4+s8], $0x40, s6, s8, $0xb8;
	[tilespmem:$0x16D00] =	vst v63  }
.Ltmp2:
0x7b: {  	_ = 	snop;
	(pc) =	sbr.rel @p0 .LBB2_4-.Ltmp2, $4  }
0x7c: {  	_ =	swait.ge [sflag:s20], $0x1F40  }
0x7d: {  	[sflag:s20] =	ssyncset.done $0x0  }
0x7e: {  	s9 =	sadd.s32 $0xCB80, s3;
	[sflag:s20] =	ssyncadd.s32 $0xFFFFE0C0  }
0x7f: {  	[spmem:s2] =	stream.indirect.scatter.add.f32 [tilespmem:s23], [sflag:$0x8], $0x40, s9, s16, $0xb8;
	[tilespmem:$0x16D00] =	vst v63  }
.Ltmp3:
0x80: {  	(pc) =	sbr.rel .LBB2_2-.Ltmp3, $4  }
0x81: {  	_ =	swait.ge [sflag:s28], $0x1F40  }
0x82: {  	[sflag:s28] =	ssyncset.done $0x0  }
0x83: {  	s3 =	sadd.s32 $0xA500, s3;
	s30 =	sadd.s32 $0x800, s30;
	[sflag:s28] =	ssyncadd.s32 $0xFFFFE0C0  }
0x84: {  	[tilespmem:s21], [sflag:$0x3] =	stream.indirect.gather [hbm4b:s4+s16], $0x40, s3, s16, $0xb8;
	[tilespmem:$0x16D00] =	vst v63  }
.LBB2_5:
0x85: {  	_ =	sfence.sel $0x180000  }
0x86: {  	[bflag:$0x0] =	sbarrier.arrive $0xFFFF  }
0x87: {  	_ =	strace $0x9000004D  }
0x88: {  	s0 =	stileid.u32;
	[bflag:$0x2] =	sbarrier.arrive $0xFFFF  }
0x89: {  	p0 =	sne.s32 s0, $0x0;
	s0 =	rddreg [dreg:$0x2]  }
0x8a: {  	s0 =	sadd.s32 @!p0 $0x100000, s0  }
0x8b: {  	[sflag:s0] =	ssyncadd.tile.s32 @!p0 $0x1;
	_ =	shalt  }
.Lfunc_end2:
_tile_overlayer_lowered:
.L_overlay_start_2:
0x8c: {  	(tag) =	ssettag $0x2  }
0x8d: {  	s0 =	rddreg [dreg:$0x0];
	s2 =	stileid.u32  }
0x8e: {  	s1 =	rddreg [dreg:$0x1];
	p0 =	sne.s32 s2, $0x0  }
0x8f: {  	s3 =	rddreg [dreg:$0x2];
	[bflag:$0x3] =	sbarrier.arrive $0xFFFF;
	s2 =	simm.s32 @!p0 $0x1C0B  }
0x90: {  	[timem:s3], [sflag:s2] =	dma.local @!p0 [hbm:s0], s1  }
0x91: {  	s0 =	simm.s32 @!p0 $0xB  }
0x92: {  	_ =	swait.ge @!p0 [sflag:s0], s1  }
0x93: {  	s1 =	ssub.s32 @!p0 $0x0, s1;
	[sflag:s0] =	ssyncset.done @!p0 $0x0  }
0x94: {  	[sflag:s0] =	ssyncadd.s32 @!p0 s1  }
0x95: {  	[bflag:$0x3] =	sbarrier.arrive $0xFFFF  }
0x96: {  	_ =	shalt  }

// kernel: kernel.8.cloned.1.call-start
scs
__scs_entry_jumppad:
0x0: {  	(pc) =	sbr.rel $0x88, $3  }
0x1: {  	(tag) =	ssettag $0x0;
	lr =	simm.s32 $0x1  }
0x2: {  	[smem:$0x3F9B] =	sst lr;
	_ =	strace $0xD0000000  }
0x3: {  	_ = 	snop  }
0x4: {  	_ = 	snop  }
0x5: {  	_ = 	snop  }
0x6: {  	_ = 	snop  }
0x7: {  	_ = 	snop  }
__scs_overlays_trampoline_lowered:
0x8: {  	[smem:$0x3FAA] =	sst s0  }
0x9: {  	[smem:$0x3FAB] =	sst s1  }
0xa: {  	[smem:$0x3FAC] =	sst s2  }
0xb: {  	[smem:$0x3FAD] =	sst s3  }
0xc: {  	[smem:$0x3FAE] =	sst s4  }
0xd: {  	[smem:$0x3FAF] =	sst s5  }
0xe: {  	[smem:$0x3FB0] =	sst s6  }
0xf: {  	[smem:$0x3FB1] =	sst s7  }
0x10: {  	[smem:$0x3FB2] =	sst s8  }
0x11: {  	[smem:$0x3FB3] =	sst s9;
	s0 =	simm.s32 @!p0 $0x0  }
0x12: {  	s1 =	sld [smem:$0x3F99];
	s0 =	simm.s32 @p0 $0x1  }
0x13: {  	[smem:$0x3FB4] =	sst s0;
	s0 =	simm.s32 @!p1 $0x0  }
0x14: {  	s2 =	sld [smem:$0x3F98];
	s0 =	simm.s32 @p1 $0x1  }
0x15: {  	[smem:$0x3FB5] =	sst s0;
	s0 =	simm.s32 @!p2 $0x0  }
0x16: {  	s3 =	sld [smem:$0x3FDB];
	s0 =	simm.s32 @p2 $0x1  }
0x17: {  	s4 =	simm.s32 $0x1BF5;
	[smem:$0x3FB7] =	sst s0  }
0x18: {  	s0 =	sld [smem:$0x3F9A];
	_ =	swait.ge [sflag:s4], $0x0  }
0x19: {  	s7 =	sld [smem:$0x3F9B]  }
0x1a: {  	s8 =	sadd.s32 $0xFFFFE003, lr  }
0x1b: {  	s9 =	sadd.s32 $0xFFFFFEF7, lr;
	s5 =	simm.s32 $0xFFFFFFFF;
	p2 =	slt.u32 s8, $0xFFFFF086  }
0x1c: {  	p1 =	slt.u32 s9, $0xF7A;
	s5 =	simm.s32 @!p2 $0x0  }
0x1d: {  	s5 =	simm.s32 @p1 $0x1;
	p0 =	seq.s32 s7, s2  }
0x1e: {  	s7 =	smul.u32 @!p0 $0xF7A, s2;
	p2 =	seq.s32 @!p0 s5, $0x0  }
0x1f: {  	s9 =	smul.u32 $0xF7A, s1;
	s8 =	simm.s32 @!p0 $0x1BF5;
	p2 =	por !p2, p0  }
0x20: {  	[sflag:s8] =	ssyncset.s32 @!p0 $0xFFFFF086;
	s6 =	sadd.s32 @!p0 s3, s7;
	s7 =	simm.s32 @!p0 $0x108  }
0x21: {  	s3 =	sadd.s32 s3, s9;
	s6 =	sadd.s32 @!p0 $0x88, s6;
	s7 =	simm.s32 @p2 $0x1082  }
0x22: {  	[simem:s7], [sflag:s8] =	dma.local @!p0 [hbm:s6], $0xF7A  }
0x23: {  	s9 =	sor.u32 $0xD0000000, s2;
	s6 =	simm.s32 $0x108;
	_ =	swait.ge @!p0 [sflag:s8], $0x0  }
0x24: {  	s3 =	sadd.s32 $0x88, s3;
	s6 =	simm.s32 @!p1 $0x1082;
	[sflag:s4] =	ssyncset.s32 $0xFFFFF086  }
0x25: {  	[simem:s6], [sflag:s4] =	dma.local [hbm:s3], $0xF7A  }
0x26: {  	[smem:$0x3F9B] =	sst s1;
	(tag) =	ssettag s2;
	_ =	strace s9  }
0x27: {  	s1 =	sld [smem:$0x3FAB]  }
0x28: {  	s2 =	sld [smem:$0x3FAC]  }
0x29: {  	s4 =	sld [smem:$0x3FAE]  }
0x2a: {  	p0 =	seq.s32 s5, $0x0;
	s5 =	sld [smem:$0x3FAF]  }
0x2b: {  	s6 =	sld [smem:$0x3FB0]  }
0x2c: {  	s7 =	sld [smem:$0x3FB1]  }
0x2d: {  	s3 =	simm.s32 $0x108;
	s8 =	sld [smem:$0x3FB2]  }
0x2e: {  	s3 =	simm.s32 @!p0 $0x1082;
	s9 =	sld [smem:$0x3FB3]  }
0x2f: {  	lr =	sadd.s32 s0, s3;
	s0 =	sld [smem:$0x3FAA]  }
0x30: {  	s3 =	sld [smem:$0x3FAD]  }
0x31: {  	[smem:$0x3FB6] =	sst s10  }
0x32: {  	s10 =	sld [smem:$0x3FB4];
	_ =	sdelay $0x3  }
0x33: {  	p0 =	seq.s32 s10, $0x1;
	s10 =	sld [smem:$0x3FB6];
	_ =	sdelay $0x3  }
0x34: {  	[smem:$0x3FB6] =	sst s10  }
0x35: {  	s10 =	sld [smem:$0x3FB5];
	_ =	sdelay $0x3  }
0x36: {  	p1 =	seq.s32 s10, $0x1;
	s10 =	sld [smem:$0x3FB6];
	_ =	sdelay $0x3  }
0x37: {  	[smem:$0x3FB6] =	sst s10  }
0x38: {  	s10 =	sld [smem:$0x3FB7]  }
0x39: {  	_ = 	snop;
	(pc) =	sbr.ind lr, $3  }
0x3a: {  	_ = 	snop  }
0x3b: {  	_ = 	snop  }
0x3c: {  	p2 =	seq.s32 s10, $0x1;
	s10 =	sld [smem:$0x3FB6]  }
0x3d: {  	_ =	shalt  }
0x3e: {  	_ =	shalt  }
0x3f: {  	_ =	shalt  }
0x40: {  	_ =	shalt  }
0x41: {  	_ =	shalt  }
0x42: {  	_ =	shalt  }
0x43: {  	_ =	shalt  }
0x44: {  	_ =	shalt  }
0x45: {  	_ =	shalt  }
0x46: {  	_ =	shalt  }
0x47: {  	_ =	shalt  }
0x48: {  	_ =	shalt  }
0x49: {  	_ =	shalt  }
0x4a: {  	_ =	shalt  }
0x4b: {  	_ =	shalt  }
0x4c: {  	_ =	shalt  }
0x4d: {  	_ =	shalt  }
0x4e: {  	_ =	shalt  }
0x4f: {  	_ =	shalt  }
0x50: {  	_ =	shalt  }
0x51: {  	_ =	shalt  }
0x52: {  	_ =	shalt  }
0x53: {  	_ =	shalt  }
0x54: {  	_ =	shalt  }
0x55: {  	_ =	shalt  }
0x56: {  	_ =	shalt  }
0x57: {  	_ =	shalt  }
0x58: {  	_ =	shalt  }
0x59: {  	_ =	shalt  }
0x5a: {  	_ =	shalt  }
0x5b: {  	_ =	shalt  }
0x5c: {  	_ =	shalt  }
0x5d: {  	_ =	shalt  }
0x5e: {  	_ =	shalt  }
0x5f: {  	_ =	shalt  }
0x60: {  	_ =	shalt  }
0x61: {  	_ =	shalt  }
0x62: {  	_ =	shalt  }
0x63: {  	_ =	shalt  }
0x64: {  	_ =	shalt  }
0x65: {  	_ =	shalt  }
0x66: {  	_ =	shalt  }
0x67: {  	_ =	shalt  }
0x68: {  	_ =	shalt  }
0x69: {  	_ =	shalt  }
0x6a: {  	_ =	shalt  }
0x6b: {  	_ =	shalt  }
0x6c: {  	_ =	shalt  }
0x6d: {  	_ =	shalt  }
0x6e: {  	_ =	shalt  }
0x6f: {  	_ =	shalt  }
0x70: {  	_ =	shalt  }
0x71: {  	_ =	shalt  }
0x72: {  	_ =	shalt  }
0x73: {  	_ =	shalt  }
0x74: {  	_ =	shalt  }
0x75: {  	_ =	shalt  }
0x76: {  	_ =	shalt  }
0x77: {  	_ =	shalt  }
0x78: {  	_ =	shalt  }
0x79: {  	_ =	shalt  }
0x7a: {  	_ =	shalt  }
0x7b: {  	_ =	shalt  }
0x7c: {  	_ =	shalt  }
0x7d: {  	_ =	shalt  }
0x7e: {  	_ =	shalt  }
0x7f: {  	_ =	shalt  }
0x80: {  	_ =	shalt  }
0x81: {  	_ =	shalt  }
0x82: {  	_ =	shalt  }
0x83: {  	_ =	shalt  }
0x84: {  	_ =	shalt  }
0x85: {  	_ =	shalt  }
0x86: {  	_ =	shalt  }
0x87: {  	_ =	shalt  }
.Lfunc_end0:
.L_simem_size_0:
called_computation_lowered:
.L_overlay_start_0:
0x88: {  	s2 =	sld [smem:$0x3FD9]  }
0x89: {  	s3 =	sld [smem:$0x3FFE];
	_ =	sdelay $0x1  }
0x8a: {  	s1 =	srdreg.scid  }
0x8b: {  	s0 =	sand.u32 $0x1, s1  }
0x8c: {  	s16 =	sshll.u32 s0, $0xA;
	s2 =	sadd.s32 s3, s2  }
0x8d: {  	s2 =	sadd.s32 s2, s16  }
0x8e: {  	[smem:$0x3FC2] =	sst s2  }
0x8f: {  	_ = 	snop  }
0x90: {  	(tm) =	ssettm $0x1  }
0x91: {  	s17 =	sld [smem:$0x3FFB];
	_ =	sdelay $0x3  }
0x92: {  	_ =	strace s17  }
0x93: {  	s2 =	sld [smem:$0x3FFC];
	_ =	sdelay $0x3  }
0x94: {  	_ =	strace s2  }
0x95: {  	s2 =	sld [smem:$0x3FFD];
	_ =	sdelay $0x3  }
0x96: {  	_ =	strace s2  }
0x97: {  	_ =	strace $0x8FFFFFFF  }
0x98: {  	s18 =	sld [smem:$0x3FDB];
	_ =	sdelay $0x1  }
0x99: {  	s19 =	simm.s32 $_scs_section_size  }
0x9a: {  	s4 =	simm.s32 $_size__tile_overlayer_lowered;
	s5 =	simm.s32 $_tile_overlayer_lowered  }
0x9b: {  	s22 =	simm.s32 $0x1BFF;
	s21 =	sshll.u32 s5, $0x1;
	s2 =	sadd.s32 s19, s18  }
0x9c: {  	s6 =	simm.s32 $0x0;
	s20 =	sshll.u32 s4, $0x1;
	s4 =	sadd.s32 s21, s2  }
0x9d: {  	[timem:s6], [sflag:s22] =	dma.local [hbm:s4], s20  }
0x9e: {  	_ =	swait.ge [sflag:s22], s20  }
0x9f: {  	s3 =	ssub.s32 $0x0, s20;
	[sflag:s22] =	ssyncset.done $0x0  }
0xa0: {  	[sflag:s22] =	ssyncadd.s32 s3;
	_ =	sdelay $0x1  }
0xa1: {  	s23 =	simm.s32 $0x1B8B  }
0xa2: {  	_ =	swait.ge [sflag:s23], $0x1  }
0xa3: {  	[sflag:s23] =	ssyncset.done $0x0  }
0xa4: {  	s25 =	simm.s32 $0x1B8E;
	s24 =	sld [smem:$0x3FFE];
	[sflag:s23] =	ssyncadd.s32 $0xFFFFFFFF  }
0xa5: {  	s26 =	simm.s32 $execute0_lowered;
	[smem:$0x3FD2] =	sst s25  }
0xa6: {  	s4 =	sshll.u32 s26, $0x1;
	_ =	strace $0x80000046;
	[dreg:$0x1] =	wrdreg $0xFFFFFFFF  }
0xa7: {  	s28 =	simm.s32 $_size_execute0_lowered;
	s2 =	sadd.s32 s2, s4;
	[dreg:$0x0] =	wrdreg $0x0  }
0xa8: {  	s4 =	sshll.u32 s28, $0x1;
	[dreg:$0x2] =	wrdreg s2  }
0xa9: {  	[dreg:$0x3] =	wrdreg s4  }
0xaa: {  	[dreg:$0x4] =	wrdreg $0xC0  }
0xab: {  	_ =	task [dreg:s6], $0x5FFFF  }
0xac: {  	[dreg:$0x1] =	wrdreg $0xFFFFFFFF  }
0xad: {  	[dreg:$0x0] =	wrdreg $0x60  }
0xae: {  	[dreg:$0x2] =	wrdreg s24  }
0xaf: {  	[dreg:$0x3] =	wrdreg $0x0  }
0xb0: {  	[dreg:$0x4] =	wrdreg $0x9  }
0xb1: {  	_ =	task.clear_ibuf [dreg:s6], $0x5FFFF;
	_ =	strace $0x90000046  }
0xb2: {  	s29 =	simm.s32 $0x9;
	_ =	strace $0x80000048  }
0xb3: {  	_ =	swait.ge [sflag:s29], $0x1  }
0xb4: {  	[sflag:s29] =	ssyncadd.s32 $0xFFFFFFFF  }
0xb5: {  	_ =	strace $0x90000048  }
0xb6: {  	_ =	sfence  }
0xb7: {  	s30 =	sld [smem:$0x0];
	_ =	sdelay $0x2  }
0xb8: {  	s31 =	sshll.u32 s1, $0xD;
	s1 =	sshrl.u32 s1, $0x2  }
0xb9: {  	s3 =	sand.u32 $0x4000, s31;
	s1 =	sadd.s32 s1, s30  }
0xba: {  	s0 =	sor.u32 s3, s0;
	s1 =	sshll.u32 s1, $0x11  }
0xbb: {  	s0 =	sor.u32 s1, s0  }
0xbc: {  	s0 =	sadd.s32 $0x8F2B, s0  }
0xbd: {  	[sflag:s0] =	ssyncadd.remote.s32 $0x1  }
0xbe: {  	_ =	sfence.sel $0xFFFF  }
0xbf: {  	[dreg:$0x0] =	wrdreg $0xFFFFFFFF;
	(pc) =	sbr.abs _section_cstart, $3  }
0xc0: {  	[dreg:$0x1] =	wrdreg $0xFFFFFFFF  }
0xc1: {  	_ =	task.clear_ibuf [dreg:s6], $0x2FFFF;
	_ =	strace $0x9FFFFFFF  }
0xc2: {  	(tm) =	ssettm $0x7FFFFFFF  }
0xc3: {  	_ =	shalt  }
tec
execute0_lowered:
.L_overlay_start_1:
0x0: {  	(tag) =	ssettag $0x1  }
0x1: {  	s0 =	rddreg [dreg:$0x0]  }
0x2: {  	s1 =	rddreg [dreg:$0x1];
	s8 =	stileid.u32  }
0x3: {  	s2 =	simm.s32 $0x0;
	s5 =	srdreg.scid;
	s3 =	smul.u32 $0xA000, s8  }
0x4: {  	s21 =	simm.s32 $0x11620;
	s25 =	simm.s32 $0x1;
	s4 =	smul.u32 $0x9C4, s8  }
0x5: {  	s28 =	simm.s32 $0x2;
	s31 =	simm.s32 $0xC120;
	s6 =	smul.u32 $0x1400, s8  }
0x6: {  	[smem:$0x7FF] =	sst s2;
	s5 =	sand.u32 $0x1, s5;
	s8 =	smul.u32 $0xA00, s8  }
0x7: {  	_ =	strace $0x80000047;
	p0 =	seq.s32 s5, $0x1;
	s5 =	ssub.s32 $0x2, s5  }
0x8: {  	s7 =	sshrl.u32 s3, $0x3;
	s4 =	sadd.s32 s4, s0;
	s26 =	sshrl.u32 s5, $0x1  }
0x9: {  	s29 =	sshrl.u32 s8, $0x2;
	s30 =	sshrl.u32 s3, $0x2;
	s21 =	simm.s32 @!p0 $0xC620  }
0xa: {  	s7 =	sadd.s32 $0xA00, s7;
	s22 =	ssub.s32 s5, s26;
	s3 =	sadd.s32 s29, s1  }
0xb: {  	s4 =	sadd.s32 $0x2400, s4;
	s5 =	sadd.s32 s30, s1;
	s26 =	simm.s32 $0x2800  }
0xc: {  	s1 =	simm.s32 $0x0;
	s6 =	smov.u32 @p0 s7;
	s7 =	sadd.s32 $0x5000, s3  }
0xd: {  	s8 =	sadd.s32 $0x7800, s3;
	s9 =	sadd.s32 $0xA000, s3;
	s10 =	sadd.s32 $0xC800, s3  }
0xe: {  	s11 =	sadd.s32 $0xF000, s3;
	s12 =	sadd.s32 $0x11800, s3;
	s13 =	sadd.s32 $0x14000, s3  }
0xf: {  	s14 =	sadd.s32 $0x16800, s3;
	s15 =	sadd.s32 $0x19000, s3;
	s16 =	sadd.s32 $0x1B800, s3  }
0x10: {  	s17 =	sadd.s32 $0x1E000, s3;
	s18 =	sadd.s32 $0x20800, s3;
	s19 =	sadd.s32 $0x23000, s3  }
0x11: {  	s20 =	sadd.s32 $0x25800, s3;
	s22 =	smax.u32 s22, $0x1;
	s0 =	sadd.s32 s6, s0  }
0x12: {  	v0 =	vimm.f32 $0.0e+00;
	v1 =	vimm.f32 $1.000000000e+00;
	s6 =	sadd.s32 $0x2800, s3;
	s23 =	sadd.s32 $0xC200, s0;
	s0 =	simm.s32 $0xC3A0  }
.LBB2_1:
0x13: {  	s24 =	simm.s32 $0x5000  }
0x14: {  	[tilespmem:s24], [sflag:$0x1] =	stream.linear.gather [hbm4b:s4+s2], $0x4E20, $0x38;
	[tilespmem:$0x16620] =	vst v63  }
0x15: {  	s29 =	simm.s32 $0x0;
	s24 =	simm.s32 $0x40  }
.LBB2_2:
0x16: {  	p0 =	sne.s32 s24, $0x9FC0;
	[tilespmem:s29+$0x2800] =	vst v0;
	s29 =	smov.u32 s24;
	s24 =	sadd.s32 $0x40, s24  }
.Ltmp0:
0x17: {  	(pc) =	sbr.rel @p0 .LBB2_2-.Ltmp0, $2  }
0x18: {  	_ =	sdelay $0x2  }
0x19: {  	s29 =	sshra.s32 s29, $0x2  }
0x1a: {  	[tilespmem:s29+$0x2800] =	vst v0  }
0x1b: {  	_ =	swait.ge [sflag:s25], $0x4E20  }
0x1c: {  	[sflag:s25] =	ssyncset.done $0x0  }
0x1d: {  	s29 =	simm.s32 $0x0;
	s24 =	simm.s32 $0x40;
	[sflag:s25] =	ssyncadd.s32 $0xFFFFB1E0  }
.LBB2_4:
0x1e: {  	p0 =	sne.s32 s24, $0x13840;
	v2 =	vld [tilespmem:s29+$0x5000];
	_ =	sdelay $0x3  }
.Ltmp1:
0x1f: {  	(pc) =	sbr.rel @p0 .LBB2_4-.Ltmp1, $2  }
0x20: {  	_ =	sdelay $0x2  }
0x21: {  	s29 =	sshra.s32 s24, $0x2;
	s24 =	sadd.s32 $0x40, s24;
	[tilespmem:v2+s26+$0x0] =	vst.idx.add.f32.msk $0xffff, v1  }
0x22: {  	v2 =	vld [tilespmem:s29+$0x5000];
	_ =	sdelay $0x7  }
0x23: {  	[tilespmem:v2+s26+$0x0] =	vst.idx.add.f32.msk $0xffff, v1  }
0x24: {  	[spmem:s5] =	stream.linear.scatter [tilespmem:s26], [sflag:$0x2], $0x2800, $0x38;
	[tilespmem:$0x16620] =	vst v63  }
0x25: {  	_ =	swait.ge [sflag:s28], $0x2800  }
0x26: {  	[sflag:s28] =	ssyncset.done $0x0  }
0x27: {  	[sflag:s28] =	ssyncadd.s32 $0xFFFFD800  }
0x28: {  	s24 =	simm.s32 $0x9E20;
	[bflag:$0x0] =	sbarrier.arrive $0xFFFF  }
0x29: {  	[tilespmem:s24], [sflag:$0x1] =	stream.linear.gather [spmem:s3], $0x280, $0x38;
	[tilespmem:$0x16620] =	vst v63  }
0x2a: {  	s30 =	simm.s32 $0xA0A0  }
0x2b: {  	[tilespmem:s30], [sflag:$0x1] =	stream.linear.gather [spmem:s6], $0x280, $0x38;
	[tilespmem:$0x16620] =	vst v63  }
0x2c: {  	s30 =	simm.s32 $0xA320  }
0x2d: {  	[tilespmem:s30], [sflag:$0x1] =	stream.linear.gather [spmem:s7], $0x280, $0x38;
	[tilespmem:$0x16620] =	vst v63  }
0x2e: {  	s30 =	simm.s32 $0xA5A0  }
0x2f: {  	[tilespmem:s30], [sflag:$0x1] =	stream.linear.gather [spmem:s8], $0x280, $0x38;
	[tilespmem:$0x16620] =	vst v63  }
0x30: {  	s30 =	simm.s32 $0xA820  }
0x31: {  	[tilespmem:s30], [sflag:$0x1] =	stream.linear.gather [spmem:s9], $0x280, $0x38;
	[tilespmem:$0x16620] =	vst v63  }
0x32: {  	s30 =	simm.s32 $0xAAA0  }
0x33: {  	[tilespmem:s30], [sflag:$0x1] =	stream.linear.gather [spmem:s10], $0x280, $0x38;
	[tilespmem:$0x16620] =	vst v63  }
0x34: {  	s30 =	simm.s32 $0xAD20  }
0x35: {  	[tilespmem:s30], [sflag:$0x1] =	stream.linear.gather [spmem:s11], $0x280, $0x38;
	[tilespmem:$0x16620] =	vst v63  }
0x36: {  	s30 =	simm.s32 $0xAFA0  }
0x37: {  	[tilespmem:s30], [sflag:$0x1] =	stream.linear.gather [spmem:s12], $0x280, $0x38;
	[tilespmem:$0x16620] =	vst v63  }
0x38: {  	s30 =	simm.s32 $0xB220  }
0x39: {  	[tilespmem:s30], [sflag:$0x1] =	stream.linear.gather [spmem:s13], $0x280, $0x38;
	[tilespmem:$0x16620] =	vst v63  }
0x3a: {  	s30 =	simm.s32 $0xB4A0  }
0x3b: {  	[tilespmem:s30], [sflag:$0x1] =	stream.linear.gather [spmem:s14], $0x280, $0x38;
	[tilespmem:$0x16620] =	vst v63  }
0x3c: {  	s30 =	simm.s32 $0xB720  }
0x3d: {  	[tilespmem:s30], [sflag:$0x1] =	stream.linear.gather [spmem:s15], $0x280, $0x38;
	[tilespmem:$0x16620] =	vst v63  }
0x3e: {  	s30 =	simm.s32 $0xB9A0  }
0x3f: {  	[tilespmem:s30], [sflag:$0x1] =	stream.linear.gather [spmem:s16], $0x280, $0x38;
	[tilespmem:$0x16620] =	vst v63  }
0x40: {  	s30 =	simm.s32 $0xBC20  }
0x41: {  	[tilespmem:s30], [sflag:$0x1] =	stream.linear.gather [spmem:s17], $0x280, $0x38;
	[tilespmem:$0x16620] =	vst v63  }
0x42: {  	s30 =	simm.s32 $0xBEA0  }
0x43: {  	[tilespmem:s30], [sflag:$0x1] =	stream.linear.gather [spmem:s18], $0x280, $0x38;
	[tilespmem:$0x16620] =	vst v63  }
0x44: {  	_ = 	snop  }
0x45: {  	[tilespmem:s31], [sflag:$0x1] =	stream.linear.gather [spmem:s19], $0x280, $0x38;
	[tilespmem:$0x16620] =	vst v63  }
0x46: {  	_ = 	snop  }
0x47: {  	[tilespmem:s0], [sflag:$0x1] =	stream.linear.gather [spmem:s20], $0x280, $0x38;
	[tilespmem:$0x16620] =	vst v63  }
0x48: {  	_ =	swait.ge [sflag:s25], $0x280  }
0x49: {  	[sflag:s25] =	ssyncset.done $0x0  }
0x4a: {  	[sflag:s25] =	ssyncadd.s32 $0xFFFFFD80  }
0x4b: {  	_ =	swait.ge [sflag:s25], $0x280  }
0x4c: {  	[sflag:s25] =	ssyncset.done $0x0  }
0x4d: {  	[sflag:s25] =	ssyncadd.s32 $0xFFFFFD80  }
0x4e: {  	_ =	swait.ge [sflag:s25], $0x280  }
0x4f: {  	[sflag:s25] =	ssyncset.done $0x0  }
0x50: {  	[sflag:s25] =	ssyncadd.s32 $0xFFFFFD80  }
0x51: {  	_ =	swait.ge [sflag:s25], $0x280  }
0x52: {  	[sflag:s25] =	ssyncset.done $0x0  }
0x53: {  	[sflag:s25] =	ssyncadd.s32 $0xFFFFFD80  }
0x54: {  	_ =	swait.ge [sflag:s25], $0x280  }
0x55: {  	[sflag:s25] =	ssyncset.done $0x0  }
0x56: {  	[sflag:s25] =	ssyncadd.s32 $0xFFFFFD80  }
0x57: {  	_ =	swait.ge [sflag:s25], $0x280  }
0x58: {  	[sflag:s25] =	ssyncset.done $0x0  }
0x59: {  	[sflag:s25] =	ssyncadd.s32 $0xFFFFFD80  }
0x5a: {  	_ =	swait.ge [sflag:s25], $0x280  }
0x5b: {  	[sflag:s25] =	ssyncset.done $0x0  }
0x5c: {  	[sflag:s25] =	ssyncadd.s32 $0xFFFFFD80  }
0x5d: {  	_ =	swait.ge [sflag:s25], $0x280  }
0x5e: {  	[sflag:s25] =	ssyncset.done $0x0  }
0x5f: {  	[sflag:s25] =	ssyncadd.s32 $0xFFFFFD80  }
0x60: {  	_ =	swait.ge [sflag:s25], $0x280  }
0x61: {  	[sflag:s25] =	ssyncset.done $0x0  }
0x62: {  	[sflag:s25] =	ssyncadd.s32 $0xFFFFFD80  }
0x63: {  	_ =	swait.ge [sflag:s25], $0x280  }
0x64: {  	[sflag:s25] =	ssyncset.done $0x0  }
0x65: {  	[sflag:s25] =	ssyncadd.s32 $0xFFFFFD80  }
0x66: {  	_ =	swait.ge [sflag:s25], $0x280  }
0x67: {  	[sflag:s25] =	ssyncset.done $0x0  }
0x68: {  	[sflag:s25] =	ssyncadd.s32 $0xFFFFFD80  }
0x69: {  	_ =	swait.ge [sflag:s25], $0x280  }
0x6a: {  	[sflag:s25] =	ssyncset.done $0x0  }
0x6b: {  	[sflag:s25] =	ssyncadd.s32 $0xFFFFFD80  }
0x6c: {  	_ =	swait.ge [sflag:s25], $0x280  }
0x6d: {  	[sflag:s25] =	ssyncset.done $0x0  }
0x6e: {  	[sflag:s25] =	ssyncadd.s32 $0xFFFFFD80  }
0x6f: {  	_ =	swait.ge [sflag:s25], $0x280  }
0x70: {  	[sflag:s25] =	ssyncset.done $0x0  }
0x71: {  	[sflag:s25] =	ssyncadd.s32 $0xFFFFFD80  }
0x72: {  	_ =	swait.ge [sflag:s25], $0x280  }
0x73: {  	[sflag:s25] =	ssyncset.done $0x0  }
0x74: {  	[sflag:s25] =	ssyncadd.s32 $0xFFFFFD80  }
0x75: {  	_ =	swait.ge [sflag:s25], $0x280  }
0x76: {  	[sflag:s25] =	ssyncset.done $0x0  }
0x77: {  	s29 =	simm.s32 $0xC820;
	s24 =	simm.s32 $0xFFFFF600;
	[sflag:s25] =	ssyncadd.s32 $0xFFFFFD80  }
.LBB2_6:
0x78: {  	s30 =	sshra.s32 s24, $0x2  }
0x79: {  	v2 =	vld [tilespmem:s30+$0xA0A0]  }
0x7a: {  	v3 =	vld [tilespmem:s30+$0xA320];
	_ =	sdelay $0x1  }
0x7b: {  	v4 =	vld [tilespmem:s30+$0xA5A0];
	_ =	sdelay $0x1  }
0x7c: {  	v5 =	vld [tilespmem:s30+$0xA820]  }
0x7d: {  	v2 =	vadd.f32 v3, v2  }
0x7e: {  	v3 =	vld [tilespmem:s30+$0xAAA0]  }
0x7f: {  	v2 =	vadd.f32 v4, v2  }
0x80: {  	v48 =	vld [tilespmem:s30+$0xAD20]  }
0x81: {  	v2 =	vadd.f32 v5, v2  }
0x82: {  	v49 =	vld [tilespmem:s30+$0xAFA0]  }
0x83: {  	v2 =	vadd.f32 v3, v2  }
0x84: {  	v3 =	vld [tilespmem:s30+$0xB220]  }
0x85: {  	v2 =	vadd.f32 v48, v2  }
0x86: {  	v50 =	vld [tilespmem:s30+$0xB4A0]  }
0x87: {  	v2 =	vadd.f32 v49, v2  }
0x88: {  	v51 =	vld [tilespmem:s30+$0xB720]  }
0x89: {  	v2 =	vadd.f32 v3, v2  }
0x8a: {  	v3 =	vld [tilespmem:s30+$0xB9A0]  }
0x8b: {  	v2 =	vadd.f32 v50, v2  }
0x8c: {  	v52 =	vld [tilespmem:s30+$0xBC20]  }
0x8d: {  	v2 =	vadd.f32 v51, v2  }
0x8e: {  	v53 =	vld [tilespmem:s30+$0xBEA0]  }
0x8f: {  	v2 =	vadd.f32 v3, v2  }
0x90: {  	v3 =	vld [tilespmem:s30+$0xC120]  }
0x91: {  	v2 =	vadd.f32 v52, v2  }
0x92: {  	v54 =	vld [tilespmem:s30+$0xC3A0]  }
0x93: {  	v2 =	vadd.f32 v53, v2  }
0x94: {  	v55 =	vld [tilespmem:s30+$0xC620]  }
0x95: {  	v2 =	vadd.f32 v3, v2;
	_ =	sdelay $0x1  }
0x96: {  	v2 =	vadd.f32 v54, v2;
	_ =	sdelay $0x1  }
0x97: {  	v2 =	vadd.f32 v55, v2;
	_ =	sdelay $0x1  }
0x98: {  	v2 =	vadd.f32 $1.000000000e+00, v2;
	_ =	sdelay $0x1  }
0x99: {  	v3 =	vshrl.u32 v2, $0x1;
	v2 =	vmul.f32 $5.000000000e-01, v2  }
0x9a: {  	v3 =	vsub.s32 $0x5F3759DF, v3  }
0x9b: {  	v56 =	vmul.f32 v3, v2;
	_ =	sdelay $0x1  }
0x9c: {  	v4 =	vmul.f32 v3, v56;
	_ =	sdelay $0x1  }
0x9d: {  	v4 =	vsub.f32 $1.500000000e+00, v4;
	_ =	sdelay $0x1  }
0x9e: {  	v3 =	vmul.f32 v3, v4;
	_ =	sdelay $0x1  }
0x9f: {  	v4 =	vmul.f32 v3, v2;
	_ =	sdelay $0x1  }
0xa0: {  	v4 =	vmul.f32 v4, v3;
	_ =	sdelay $0x1  }
0xa1: {  	v4 =	vsub.f32 $1.500000000e+00, v4;
	_ =	sdelay $0x1  }
0xa2: {  	v3 =	vmul.f32 v4, v3;
	_ =	sdelay $0x1  }
0xa3: {  	v2 =	vmul.f32 v3, v2;
	_ =	sdelay $0x1  }
0xa4: {  	v2 =	vmul.f32 v2, v3;
	_ =	sdelay $0x1  }
0xa5: {  	v2 =	vsub.f32 $1.500000000e+00, v2;
	_ =	sdelay $0x1  }
0xa6: {  	v2 =	vmul.f32 v2, v3;
	_ =	sdelay $0x1  }
0xa7: {  	v3 =	vbroadcast v2, $0x0;
	_ =	sdelay $0x1  }
0xa8: {  	[tilespmem:s29+$0xFFFFFE00] =	vst v3  }
0xa9: {  	[tilespmem:s29+$0xFFFFFE10] =	vst v3  }
0xaa: {  	v57 =	vbroadcast v2, $0x1;
	[tilespmem:s29+$0xFFFFFE20] =	vst v3  }
0xab: {  	[tilespmem:s29+$0xFFFFFE30] =	vst v3  }
0xac: {  	[tilespmem:s29+$0xFFFFFE40] =	vst v57  }
0xad: {  	[tilespmem:s29+$0xFFFFFE50] =	vst v57  }
0xae: {  	v58 =	vbroadcast v2, $0x3;
	[tilespmem:s29+$0xFFFFFE60] =	vst v57  }
0xaf: {  	[tilespmem:s29+$0xFFFFFE70] =	vst v57  }
0xb0: {  	[tilespmem:s29+$0xFFFFFEC0] =	vst v58  }
0xb1: {  	[tilespmem:s29+$0xFFFFFED0] =	vst v58  }
0xb2: {  	v59 =	vbroadcast v2, $0x5;
	[tilespmem:s29+$0xFFFFFEE0] =	vst v58  }
0xb3: {  	[tilespmem:s29+$0xFFFFFEF0] =	vst v58  }
0xb4: {  	[tilespmem:s29+$0xFFFFFF40] =	vst v59  }
0xb5: {  	[tilespmem:s29+$0xFFFFFF50] =	vst v59  }
0xb6: {  	v60 =	vbroadcast v2, $0x7;
	[tilespmem:s29+$0xFFFFFF60] =	vst v59  }
0xb7: {  	[tilespmem:s29+$0xFFFFFF70] =	vst v59  }
0xb8: {  	[tilespmem:s29+$0xFFFFFFC0] =	vst v60  }
0xb9: {  	[tilespmem:s29+$0xFFFFFFD0] =	vst v60  }
0xba: {  	v61 =	vbroadcast v2, $0x9;
	[tilespmem:s29+$0xFFFFFFE0] =	vst v60  }
0xbb: {  	[tilespmem:s29+$0xFFFFFFF0] =	vst v60  }
0xbc: {  	[tilespmem:s29+$0x40] =	vst v61  }
0xbd: {  	[tilespmem:s29+$0x50] =	vst v61  }
0xbe: {  	v62 =	vbroadcast v2, $0xB;
	[tilespmem:s29+$0x60] =	vst v61  }
0xbf: {  	[tilespmem:s29+$0x70] =	vst v61  }
0xc0: {  	v3 =	vbroadcast v2, $0x2;
	[tilespmem:s29+$0xC0] =	vst v62  }
0xc1: {  	[tilespmem:s29+$0xD0] =	vst v62  }
0xc2: {  	[tilespmem:s29+$0xFFFFFE80] =	vst v3  }
0xc3: {  	[tilespmem:s29+$0xFFFFFE90] =	vst v3  }
0xc4: {  	[tilespmem:s29+$0xFFFFFEA0] =	vst v3  }
0xc5: {  	[tilespmem:s29+$0xFFFFFEB0] =	vst v3;
	v3 =	vbroadcast v2, $0x4  }
0xc6: {  	[tilespmem:s29+$0xE0] =	vst v62  }
0xc7: {  	[tilespmem:s29+$0xFFFFFF00] =	vst v3  }
0xc8: {  	[tilespmem:s29+$0xFFFFFF10] =	vst v3  }
0xc9: {  	[tilespmem:s29+$0xFFFFFF20] =	vst v3  }
0xca: {  	[tilespmem:s29+$0xFFFFFF30] =	vst v3;
	v3 =	vbroadcast v2, $0x6  }
0xcb: {  	[tilespmem:s29+$0xF0] =	vst v62  }
0xcc: {  	[tilespmem:s29+$0xFFFFFF80] =	vst v3  }
0xcd: {  	[tilespmem:s29+$0xFFFFFF90] =	vst v3  }
0xce: {  	v63 =	vbroadcast v2, $0xD;
	[tilespmem:s29+$0xFFFFFFA0] =	vst v3  }
0xcf: {  	[tilespmem:s29+$0xFFFFFFB0] =	vst v3;
	v3 =	vbroadcast v2, $0x8  }
0xd0: {  	[tilespmem:s29+$0x140] =	vst v63  }
0xd1: {  	[tilespmem:s29+$0x0] =	vst v3  }
0xd2: {  	[tilespmem:s29+$0x10] =	vst v3  }
0xd3: {  	[tilespmem:s29+$0x20] =	vst v3  }
0xd4: {  	[tilespmem:s29+$0x30] =	vst v3;
	v3 =	vbroadcast v2, $0xA  }
0xd5: {  	[tilespmem:s29+$0x150] =	vst v63  }
0xd6: {  	[tilespmem:s29+$0x80] =	vst v3  }
0xd7: {  	[tilespmem:s29+$0x90] =	vst v3  }
0xd8: {  	[tilespmem:s29+$0xA0] =	vst v3  }
0xd9: {  	[tilespmem:s29+$0xB0] =	vst v3;
	v3 =	vbroadcast v2, $0xC  }
0xda: {  	[tilespmem:s29+$0x160] =	vst v63  }
0xdb: {  	[tilespmem:s29+$0x100] =	vst v3  }
0xdc: {  	[tilespmem:s29+$0x110] =	vst v3  }
0xdd: {  	[tilespmem:s29+$0x120] =	vst v3  }
0xde: {  	[tilespmem:s29+$0x130] =	vst v3;
	v3 =	vbroadcast v2, $0xE  }
0xdf: {  	[tilespmem:s29+$0x170] =	vst v63  }
0xe0: {  	[tilespmem:s29+$0x180] =	vst v3  }
0xe1: {  	[tilespmem:s29+$0x190] =	vst v3  }
0xe2: {  	p0 =	sne.s32 s24, $0xFFFFFFC0;
	v2 =	vbroadcast v2, $0xF;
	[tilespmem:s29+$0x1A0] =	vst v3  }
.Ltmp2:
0xe3: {  	[tilespmem:s29+$0x1B0] =	vst v3;
	(pc) =	sbr.rel @p0 .LBB2_6-.Ltmp2, $4  }
0xe4: {  	[tilespmem:s29+$0x1C0] =	vst v2  }
0xe5: {  	[tilespmem:s29+$0x1D0] =	vst v2  }
0xe6: {  	[tilespmem:s29+$0x1E0] =	vst v2  }
0xe7: {  	s24 =	sadd.s32 $0x40, s24;
	[tilespmem:s29+$0x1F0] =	vst v2;
	s29 =	sadd.s32 $0x400, s29  }
0xe8: {  	s1 =	sadd.s32 $0x1, s1  }
0xe9: {  	p0 =	sne.s32 s1, s22  }
.Ltmp3:
0xea: {  	_ = 	snop;
	(pc) =	sbr.rel @p0 .LBB2_1-.Ltmp3, $4  }
0xeb: {  	[hbm4b:s23+s2] =	stream.linear.scatter [tilespmem:s21], [sflag:$0x2], $0x5000, $0x38;
	[tilespmem:$0x16620] =	vst v63  }
0xec: {  	_ =	swait.ge [sflag:s28], $0x5000  }
0xed: {  	[sflag:s28] =	ssyncset.done $0x0  }
0xee: {  	[sflag:s28] =	ssyncadd.s32 $0xFFFFB000  }
0xef: {  	_ =	sfence.sel $0x180000  }
0xf0: {  	[bflag:$0x0] =	sbarrier.arrive $0xFFFF  }
0xf1: {  	_ =	strace $0x90000047  }
0xf2: {  	s0 =	stileid.u32;
	[bflag:$0x2] =	sbarrier.arrive $0xFFFF  }
0xf3: {  	p0 =	sne.s32 s0, $0x0;
	s0 =	rddreg [dreg:$0x2]  }
0xf4: {  	s0 =	sadd.s32 @!p0 $0x100000, s0  }
0xf5: {  	[sflag:s0] =	ssyncadd.tile.s32 @!p0 $0x1;
	_ =	shalt  }
.Lfunc_end2:
_tile_overlayer_lowered:
.L_overlay_start_2:
0xf6: {  	(tag) =	ssettag $0x2  }
0xf7: {  	s0 =	rddreg [dreg:$0x0];
	s2 =	stileid.u32  }
0xf8: {  	s1 =	rddreg [dreg:$0x1];
	p0 =	sne.s32 s2, $0x0  }
0xf9: {  	s3 =	rddreg [dreg:$0x2];
	[bflag:$0x3] =	sbarrier.arrive $0xFFFF;
	s2 =	simm.s32 @!p0 $0x1C02  }
0xfa: {  	[timem:s3], [sflag:s2] =	dma.local @!p0 [hbm:s0], s1  }
0xfb: {  	s0 =	simm.s32 @!p0 $0x2  }
0xfc: {  	_ =	swait.ge @!p0 [sflag:s0], s1  }
0xfd: {  	s1 =	ssub.s32 @!p0 $0x0, s1;
	[sflag:s0] =	ssyncset.done @!p0 $0x0  }
0xfe: {  	[sflag:s0] =	ssyncadd.s32 @!p0 s1  }
0xff: {  	[bflag:$0x3] =	sbarrier.arrive $0xFFFF  }
0x100: {  	_ =	shalt  }

</sc_bundles>
